<compile_context>
chip_gen: v7x
topology: tpu7x:2x2x1
jax: 0.10.2.dev20260603
libtpu: 0.0.44.dev20260713+nightly
codegen_flags: <defaults>
</compile_context>

<pallas_src>
import functools

import jax
import jax.numpy as jnp
from jax import lax
from jax.experimental import pallas as pl
from jax.experimental.pallas import tpu as pltpu
from jax.experimental.pallas import tpu_sc as plsc

N_NODES = 10000
N_EDGES = 320000
D = 128

NUM_CORES = 2
NUM_SUBCORES = 16
NUM_WORKERS = NUM_CORES * NUM_SUBCORES
EDGES_PER_WORKER = N_EDGES // NUM_WORKERS
CHUNK = 80
NUM_CHUNKS = EDGES_PER_WORKER // CHUNK
QUADS = (NUM_CHUNKS - 1) // 4
ROWS_MAIN = 624
ROWS_TAIL = N_NODES - NUM_SUBCORES * ROWS_MAIN
STAGE_ROWS = 48
STAGE_ITERS = ROWS_MAIN // STAGE_ROWS
LANES = 16
VPR = D // LANES


def _sc_agg_kernel(x_hbm, src_hbm, dst_hbm, ea_hbm, out_hbm,
                   src0, src1, dst0, dst1, dst2, dst3,
                   xr0, xr1, eb0, eb1, stage_v, agg_sh,
                   si0, si1, sd0, sd1, sd2, sd3, sg0, sg1, se0, se1,
                   sc0, sc1):
    c = lax.axis_index("c")
    s = lax.axis_index("s")
    srcb, dstb = (src0, src1), (dst0, dst1, dst2, dst3)
    xrb, ebb = (xr0, xr1), (eb0, eb1)
    sis, sds = (si0, si1), (sd0, sd1, sd2, sd3)
    sgs, ses = (sg0, sg1), (se0, se1)
    sscs = (sc0, sc1)

    def _zero_row(i, carry):
        for j in range(VPR):
            stage_v[i, pl.ds(j * LANES, LANES)] = jnp.zeros((LANES,), jnp.float32)
        return carry
    lax.fori_loop(0, STAGE_ROWS, _zero_row, 0)
    row0 = s * ROWS_MAIN
    for k in range(STAGE_ITERS):
        pltpu.sync_copy(stage_v, agg_sh.at[pl.ds(row0 + k * STAGE_ROWS, STAGE_ROWS)])

    @pl.when(s == NUM_SUBCORES - 1)
    def _zero_tail():
        pltpu.sync_copy(stage_v.at[pl.ds(0, ROWS_TAIL)],
                        agg_sh.at[pl.ds(NUM_SUBCORES * ROWS_MAIN, ROWS_TAIL)])
    plsc.subcore_barrier()

    base0 = (c * NUM_SUBCORES + s) * EDGES_PER_WORKER

    def issue_idx(g, i2, i4):
        base = base0 + g * CHUNK
        pltpu.async_copy(src_hbm.at[pl.ds(base, CHUNK)], srcb[i2], sis[i2])
        pltpu.async_copy(dst_hbm.at[pl.ds(base, CHUNK)], dstb[i4], sds[i4])

    def wait_idx(i2, i4):
        pltpu.make_async_copy(src_hbm.at[pl.ds(0, CHUNK)], srcb[i2], sis[i2]).wait()
        pltpu.make_async_copy(dst_hbm.at[pl.ds(0, CHUNK)], dstb[i4], sds[i4]).wait()

    def issue_gather(i2):
        pltpu.async_copy(x_hbm.at[srcb[i2]], xrb[i2], sgs[i2])

    def issue_ea(g, i2):
        base = base0 + g * CHUNK
        pltpu.async_copy(ea_hbm.at[pl.ds(base, CHUNK)], ebb[i2], ses[i2])

    def wait_gather_ea(i2):
        pltpu.make_async_copy(x_hbm.at[srcb[i2]], xrb[i2], sgs[i2]).wait()
        pltpu.make_async_copy(ea_hbm.at[pl.ds(0, CHUNK)], ebb[i2], ses[i2]).wait()

    def compute(i2):
        xr_v, ea_v = xrb[i2], ebb[i2]

        def _row(i, rc):
            r = 2 * i
            for rr in range(2):
                for j in range(VPR):
                    sl = pl.ds(j * LANES, LANES)
                    ea_v[r + rr, sl] = jnp.maximum(xr_v[r + rr, sl] + ea_v[r + rr, sl], 0.0)
            return rc
        lax.fori_loop(0, CHUNK // 2, _row, 0)

    def wait_scatter(i2):
        pltpu.make_async_copy(ebb[i2], agg_sh.at[dstb[0]], sscs[i2]).wait()

    issue_idx(0, 0, 0)
    issue_idx(1, 1, 1)
    wait_idx(0, 0)
    issue_gather(0)
    issue_ea(0, 0)

    def _quad(q, carry):
        for b in range(4):
            g = 4 * q + b
            b2, nb2, nb4 = b % 2, (b + 1) % 2, (b + 1) % 4
            wait_idx(nb2, nb4)
            issue_gather(nb2)

            @pl.when(g >= 1)
            def _():
                wait_scatter(nb2)
            issue_ea(g + 1, nb2)

            wait_gather_ea(b2)

            @pl.when(g + 2 < NUM_CHUNKS)
            def _():
                issue_idx(g + 2, b2, (b + 2) % 4)

            compute(b2)
            pltpu.async_copy(ebb[b2], agg_sh.at[dstb[b]], sscs[b2], add=True)
        return carry
    lax.fori_loop(0, QUADS, _quad, 0)

    wait_gather_ea(0)
    wait_scatter(1)
    compute(0)
    pltpu.async_copy(eb0, agg_sh.at[dst0], sscs[0], add=True)
    wait_scatter(0)

    plsc.subcore_barrier()
    pltpu.sync_copy(agg_sh.at[pl.ds(row0, ROWS_MAIN)],
                    out_hbm.at[c, pl.ds(row0, ROWS_MAIN)])

    @pl.when(s == NUM_SUBCORES - 1)
    def _dump_tail():
        tail0 = NUM_SUBCORES * ROWS_MAIN
        pltpu.sync_copy(agg_sh.at[pl.ds(tail0, ROWS_TAIL)],
                        out_hbm.at[c, pl.ds(tail0, ROWS_TAIL)])


_sc_agg = functools.partial(
    pl.kernel,
    out_type=jax.ShapeDtypeStruct((NUM_CORES, N_NODES, D), jnp.float32),
    mesh=plsc.VectorSubcoreMesh(core_axis_name="c", subcore_axis_name="s",
                                num_cores=NUM_CORES, num_subcores=NUM_SUBCORES),
    scratch_types=[
        pltpu.VMEM((CHUNK,), jnp.int32),
        pltpu.VMEM((CHUNK,), jnp.int32),
        pltpu.VMEM((CHUNK,), jnp.int32),
        pltpu.VMEM((CHUNK,), jnp.int32),
        pltpu.VMEM((CHUNK,), jnp.int32),
        pltpu.VMEM((CHUNK,), jnp.int32),
        pltpu.VMEM((CHUNK, D), jnp.float32),
        pltpu.VMEM((CHUNK, D), jnp.float32),
        pltpu.VMEM((CHUNK, D), jnp.float32),
        pltpu.VMEM((CHUNK, D), jnp.float32),
        pltpu.VMEM((STAGE_ROWS, D), jnp.float32),
        pltpu.VMEM_SHARED((N_NODES, D), jnp.float32),
        pltpu.SemaphoreType.DMA,
        pltpu.SemaphoreType.DMA,
        pltpu.SemaphoreType.DMA,
        pltpu.SemaphoreType.DMA,
        pltpu.SemaphoreType.DMA,
        pltpu.SemaphoreType.DMA,
        pltpu.SemaphoreType.DMA,
        pltpu.SemaphoreType.DMA,
        pltpu.SemaphoreType.DMA,
        pltpu.SemaphoreType.DMA,
        pltpu.SemaphoreType.DMA,
        pltpu.SemaphoreType.DMA,
    ],
)(_sc_agg_kernel)


ROW_BLOCK = 400


_DN_NT = (((1,), (1,)), ((), ()))


def _mlp_body(p_ref, x_ref, w1_ref, b1_ref, w2_ref, b2_ref, o_ref):
    h = x_ref[...] + p_ref[0] + p_ref[1]
    h = lax.dot_general(h, w1_ref[...], _DN_NT,
                        preferred_element_type=jnp.float32) + b1_ref[...]
    h = jnp.maximum(h, 0.0)
    o_ref[...] = lax.dot_general(h, w2_ref[...], _DN_NT,
                                 preferred_element_type=jnp.float32) + b2_ref[...]


def _mlp(partial, x, w1, b1, w2, b2):
    grid = (N_NODES // ROW_BLOCK,)
    return pl.pallas_call(
        _mlp_body,
        grid=grid,
        in_specs=[
            pl.BlockSpec((NUM_CORES, ROW_BLOCK, D), lambda i: (0, i, 0)),
            pl.BlockSpec((ROW_BLOCK, D), lambda i: (i, 0)),
            pl.BlockSpec((D, D), lambda i: (0, 0)),
            pl.BlockSpec((1, D), lambda i: (0, 0)),
            pl.BlockSpec((D, D), lambda i: (0, 0)),
            pl.BlockSpec((1, D), lambda i: (0, 0)),
        ],
        out_specs=pl.BlockSpec((ROW_BLOCK, D), lambda i: (i, 0)),
        out_shape=jax.ShapeDtypeStruct((N_NODES, D), jnp.float32),
    )(partial, x, w1, b1, w2, b2)


def kernel(x, edge_index, edge_attr, W1, b1, W2, b2):
    src = edge_index[0].astype(jnp.int32)
    dst = edge_index[1].astype(jnp.int32)
    partial = _sc_agg(x, src, dst, edge_attr)
    return _mlp(partial, x, W1, b1.reshape(1, D), W2, b2.reshape(1, D))

# --- scband reference (transcript-rebuilt; emitter-appended) ---
"""Pipeline reference for scband-gineconv-74500502716622 (READ-ONLY COPY).

The authoritative reference and input builder live on the scoring server;
editing this copy changes nothing except your own understanding.
"""

import jax, jax.numpy as jnp
import numpy as np

N_NODES = 10000
N_EDGES = 320000
D = 128

def setup_inputs(seed: int = 0) -> dict:
    key = jax.random.key(seed)
    k1, k2, k3, k4, k5, k6, k7 = jax.random.split(key, 7)
    x = jax.random.normal(k1, (N_NODES, D), dtype=jnp.float32)
    edge_index = jax.random.randint(k2, (2, N_EDGES), 0, N_NODES, dtype=jnp.int64)
    edge_attr = jax.random.normal(k3, (N_EDGES, D), dtype=jnp.float32)
    # MLP params: Linear(D, D) -> ReLU -> Linear(D, D), Kaiming-ish init
    s1 = 1.0 / np.sqrt(D)
    W1 = jax.random.uniform(k4, (D, D), dtype=jnp.float32, minval=-s1, maxval=s1)
    b1 = jax.random.uniform(k5, (D,), dtype=jnp.float32, minval=-s1, maxval=s1)
    W2 = jax.random.uniform(k6, (D, D), dtype=jnp.float32, minval=-s1, maxval=s1)
    b2 = jax.random.uniform(k7, (D,), dtype=jnp.float32, minval=-s1, maxval=s1)
    return {"x": x, "edge_index": edge_index, "edge_attr": edge_attr,
            "W1": W1, "b1": b1, "W2": W2, "b2": b2}

def reference(x, edge_index, edge_attr, W1, b1, W2, b2):
    # GINEConv: out = MLP((1 + eps) * x + sum_{j->i} ReLU(x_j + e_{ji})), eps = 0
    src = edge_index[0]
    dst = edge_index[1]
    msg = jax.nn.relu(jnp.take(x, src, axis=0) + edge_attr)          # [E, D] gather
    agg = jnp.zeros_like(x).at[dst].add(msg)                          # [N, D] scatter-add
    h = (1.0 + 0.0) * x + agg
    h = jax.nn.relu(h @ W1.T + b1)
    out = h @ W2.T + b2
    return out

if __name__ == "__main__":
    import jax
    _d = setup_inputs()
    print(jax.jit(kernel)(*tuple(_d.values())))

</pallas_src>

<mosaic_0001>
#map = affine_map<(d0, d1) -> (0, 0)>
#map1 = affine_map<(d0, d1) -> (0)>
#map2 = affine_map<(d0, d1) -> (0, 0, 0)>
module attributes {stable_mosaic.version = 14 : i64} {
  func.func @_sc_agg_kernel(%arg0: i32, %arg1: i32, %arg2: memref<10000x128xf32, #tpu.memory_space<hbm>>, %arg3: memref<320000xi32, #tpu.memory_space<hbm>>, %arg4: memref<320000xi32, #tpu.memory_space<hbm>>, %arg5: memref<320000x128xf32, #tpu.memory_space<hbm>>, %arg6: memref<2x10000x128xf32, #tpu.memory_space<hbm>>, %arg7: memref<80xi32, #tpu.memory_space<vmem>>, %arg8: memref<80xi32, #tpu.memory_space<vmem>>, %arg9: memref<80xi32, #tpu.memory_space<vmem>>, %arg10: memref<80xi32, #tpu.memory_space<vmem>>, %arg11: memref<80xi32, #tpu.memory_space<vmem>>, %arg12: memref<80xi32, #tpu.memory_space<vmem>>, %arg13: memref<80x128xf32, #tpu.memory_space<vmem>>, %arg14: memref<80x128xf32, #tpu.memory_space<vmem>>, %arg15: memref<80x128xf32, #tpu.memory_space<vmem>>, %arg16: memref<80x128xf32, #tpu.memory_space<vmem>>, %arg17: memref<48x128xf32, #tpu.memory_space<vmem>>, %arg18: memref<10000x128xf32, #tpu.memory_space<vmem_shared>>, %arg19: memref<!tpu.dma_semaphore, #tpu.memory_space<semaphore_mem>>, %arg20: memref<!tpu.dma_semaphore, #tpu.memory_space<semaphore_mem>>, %arg21: memref<!tpu.dma_semaphore, #tpu.memory_space<semaphore_mem>>, %arg22: memref<!tpu.dma_semaphore, #tpu.memory_space<semaphore_mem>>, %arg23: memref<!tpu.dma_semaphore, #tpu.memory_space<semaphore_mem>>, %arg24: memref<!tpu.dma_semaphore, #tpu.memory_space<semaphore_mem>>, %arg25: memref<!tpu.dma_semaphore, #tpu.memory_space<semaphore_mem>>, %arg26: memref<!tpu.dma_semaphore, #tpu.memory_space<semaphore_mem>>, %arg27: memref<!tpu.dma_semaphore, #tpu.memory_space<semaphore_mem>>, %arg28: memref<!tpu.dma_semaphore, #tpu.memory_space<semaphore_mem>>, %arg29: memref<!tpu.dma_semaphore, #tpu.memory_space<semaphore_mem>>, %arg30: memref<!tpu.dma_semaphore, #tpu.memory_space<semaphore_mem>>) attributes {dimension_semantics = [#tpu.dimension_semantics<core_parallel>, #tpu.dimension_semantics<subcore_parallel>], iteration_bounds = array<i64: 2, 16>, scalar_prefetch = 0 : i64, scratch_operands = 24 : i64, tpu.core_type = #tpu.core_type<sc_vector_subcore>, window_params = [{transform_indices = #map}, {transform_indices = #map1}, {transform_indices = #map1}, {transform_indices = #map}, {transform_indices = #map2}]} {
    %scan3A = arith.constant 0 : i32
    %scan3A_0 = arith.constant 0 : i32
    %scan3A_1 = arith.constant 48 : i32
    %scan3A_2 = arith.addi %scan3A_0, %scan3A_1 : i32
    %scan3A_3 = arith.constant 1 : i32
    scf.for %scan3A_101 = %scan3A_0 to %scan3A_2 step %scan3A_3  : i32 {
      %broadcast_in_dim3A = arith.constant 0.000000e+00 : f32
      %broadcast_in_dim3A_102 = vector.broadcast %broadcast_in_dim3A : f32 to vector<16xf32>
      %swap3A = arith.index_cast %scan3A_101 : i32 to index
      %swap3A_103 = arith.constant 0 : index
      %swap3A_104 = tpu.vector_load %arg17[%swap3A, %swap3A_103] {strides = array<i32>} : memref<48x128xf32, #tpu.memory_space<vmem>>, vector<1x16xf32>,
      %swap3A_105 = vector.shape_cast %swap3A_104 : vector<1x16xf32> to vector<16xf32>
      %swap3A_106 = vector.shape_cast %broadcast_in_dim3A_102 : vector<16xf32> to vector<1x16xf32>
      tpu.vector_store %arg17[%swap3A, %swap3A_103], %swap3A_106 {strides = array<i32>} : memref<48x128xf32, #tpu.memory_space<vmem>>, vector<1x16xf32>,
      %broadcast_in_dim3A_107 = arith.constant 0.000000e+00 : f32
      %broadcast_in_dim3A_108 = vector.broadcast %broadcast_in_dim3A_107 : f32 to vector<16xf32>
      %swap3A_109 = arith.index_cast %scan3A_101 : i32 to index
      %swap3A_110 = arith.constant 16 : index
      %swap3A_111 = tpu.vector_load %arg17[%swap3A_109, %swap3A_110] {strides = array<i32>} : memref<48x128xf32, #tpu.memory_space<vmem>>, vector<1x16xf32>,
      %swap3A_112 = vector.shape_cast %swap3A_111 : vector<1x16xf32> to vector<16xf32>
      %swap3A_113 = vector.shape_cast %broadcast_in_dim3A_108 : vector<16xf32> to vector<1x16xf32>
      tpu.vector_store %arg17[%swap3A_109, %swap3A_110], %swap3A_113 {strides = array<i32>} : memref<48x128xf32, #tpu.memory_space<vmem>>, vector<1x16xf32>,
      %broadcast_in_dim3A_114 = arith.constant 0.000000e+00 : f32
      %broadcast_in_dim3A_115 = vector.broadcast %broadcast_in_dim3A_114 : f32 to vector<16xf32>
      %swap3A_116 = arith.index_cast %scan3A_101 : i32 to index
      %swap3A_117 = arith.constant 32 : index
      %swap3A_118 = tpu.vector_load %arg17[%swap3A_116, %swap3A_117] {strides = array<i32>} : memref<48x128xf32, #tpu.memory_space<vmem>>, vector<1x16xf32>,
      %swap3A_119 = vector.shape_cast %swap3A_118 : vector<1x16xf32> to vector<16xf32>
      %swap3A_120 = vector.shape_cast %broadcast_in_dim3A_115 : vector<16xf32> to vector<1x16xf32>
      tpu.vector_store %arg17[%swap3A_116, %swap3A_117], %swap3A_120 {strides = array<i32>} : memref<48x128xf32, #tpu.memory_space<vmem>>, vector<1x16xf32>,
      %broadcast_in_dim3A_121 = arith.constant 0.000000e+00 : f32
      %broadcast_in_dim3A_122 = vector.broadcast %broadcast_in_dim3A_121 : f32 to vector<16xf32>
      %swap3A_123 = arith.index_cast %scan3A_101 : i32 to index
      %swap3A_124 = arith.constant 48 : index
      %swap3A_125 = tpu.vector_load %arg17[%swap3A_123, %swap3A_124] {strides = array<i32>} : memref<48x128xf32, #tpu.memory_space<vmem>>, vector<1x16xf32>,
      %swap3A_126 = vector.shape_cast %swap3A_125 : vector<1x16xf32> to vector<16xf32>
      %swap3A_127 = vector.shape_cast %broadcast_in_dim3A_122 : vector<16xf32> to vector<1x16xf32>
      tpu.vector_store %arg17[%swap3A_123, %swap3A_124], %swap3A_127 {strides = array<i32>} : memref<48x128xf32, #tpu.memory_space<vmem>>, vector<1x16xf32>,
      %broadcast_in_dim3A_128 = arith.constant 0.000000e+00 : f32
      %broadcast_in_dim3A_129 = vector.broadcast %broadcast_in_dim3A_128 : f32 to vector<16xf32>
      %swap3A_130 = arith.index_cast %scan3A_101 : i32 to index
      %swap3A_131 = arith.constant 64 : index
      %swap3A_132 = tpu.vector_load %arg17[%swap3A_130, %swap3A_131] {strides = array<i32>} : memref<48x128xf32, #tpu.memory_space<vmem>>, vector<1x16xf32>,
      %swap3A_133 = vector.shape_cast %swap3A_132 : vector<1x16xf32> to vector<16xf32>
      %swap3A_134 = vector.shape_cast %broadcast_in_dim3A_129 : vector<16xf32> to vector<1x16xf32>
      tpu.vector_store %arg17[%swap3A_130, %swap3A_131], %swap3A_134 {strides = array<i32>} : memref<48x128xf32, #tpu.memory_space<vmem>>, vector<1x16xf32>,
      %broadcast_in_dim3A_135 = arith.constant 0.000000e+00 : f32
      %broadcast_in_dim3A_136 = vector.broadcast %broadcast_in_dim3A_135 : f32 to vector<16xf32>
      %swap3A_137 = arith.index_cast %scan3A_101 : i32 to index
      %swap3A_138 = arith.constant 80 : index
      %swap3A_139 = tpu.vector_load %arg17[%swap3A_137, %swap3A_138] {strides = array<i32>} : memref<48x128xf32, #tpu.memory_space<vmem>>, vector<1x16xf32>,
      %swap3A_140 = vector.shape_cast %swap3A_139 : vector<1x16xf32> to vector<16xf32>
      %swap3A_141 = vector.shape_cast %broadcast_in_dim3A_136 : vector<16xf32> to vector<1x16xf32>
      tpu.vector_store %arg17[%swap3A_137, %swap3A_138], %swap3A_141 {strides = array<i32>} : memref<48x128xf32, #tpu.memory_space<vmem>>, vector<1x16xf32>,
      %broadcast_in_dim3A_142 = arith.constant 0.000000e+00 : f32
      %broadcast_in_dim3A_143 = vector.broadcast %broadcast_in_dim3A_142 : f32 to vector<16xf32>
      %swap3A_144 = arith.index_cast %scan3A_101 : i32 to index
      %swap3A_145 = arith.constant 96 : index
      %swap3A_146 = tpu.vector_load %arg17[%swap3A_144, %swap3A_145] {strides = array<i32>} : memref<48x128xf32, #tpu.memory_space<vmem>>, vector<1x16xf32>,
      %swap3A_147 = vector.shape_cast %swap3A_146 : vector<1x16xf32> to vector<16xf32>
      %swap3A_148 = vector.shape_cast %broadcast_in_dim3A_143 : vector<16xf32> to vector<1x16xf32>
      tpu.vector_store %arg17[%swap3A_144, %swap3A_145], %swap3A_148 {strides = array<i32>} : memref<48x128xf32, #tpu.memory_space<vmem>>, vector<1x16xf32>,
      %broadcast_in_dim3A_149 = arith.constant 0.000000e+00 : f32
      %broadcast_in_dim3A_150 = vector.broadcast %broadcast_in_dim3A_149 : f32 to vector<16xf32>
      %swap3A_151 = arith.index_cast %scan3A_101 : i32 to index
      %swap3A_152 = arith.constant 112 : index
      %swap3A_153 = tpu.vector_load %arg17[%swap3A_151, %swap3A_152] {strides = array<i32>} : memref<48x128xf32, #tpu.memory_space<vmem>>, vector<1x16xf32>,
      %swap3A_154 = vector.shape_cast %swap3A_153 : vector<1x16xf32> to vector<16xf32>
      %swap3A_155 = vector.shape_cast %broadcast_in_dim3A_150 : vector<16xf32> to vector<1x16xf32>
      tpu.vector_store %arg17[%swap3A_151, %swap3A_152], %swap3A_155 {strides = array<i32>} : memref<48x128xf32, #tpu.memory_space<vmem>>, vector<1x16xf32>,
    }
    %scan3A_4 = arith.constant 48 : i32
    %mul3A = arith.constant 624 : i32
    %mul3A_5 = arith.muli %arg1, %mul3A : i32
    %add3A = arith.constant 0 : i32
    %add3A_6 = arith.addi %mul3A_5, %add3A : i32
    "tpu.region"() ({
      %run_scoped3A = tpu.sem_alloc : memref<!tpu.dma_semaphore, #tpu.memory_space<semaphore_mem>>
      %dma_start3A_101 = arith.constant 0 : i32
      %dma_start3A_102 = tpu.memref_slice %arg18[%add3A_6, %dma_start3A_101] : memref<10000x128xf32, #tpu.memory_space<vmem_shared>> -> memref<48x128xf32, #tpu.memory_space<vmem_shared>>
      %dma_start3A_103 = arith.constant 0 : i32
      %dma_start3A_104 = tpu.memref_slice %arg18[%add3A_6, %dma_start3A_103] : memref<10000x128xf32, #tpu.memory_space<vmem_shared>> -> memref<48x128xf32, #tpu.memory_space<vmem_shared>>
      tpu.enqueue_dma source(%arg17 : memref<48x128xf32, #tpu.memory_space<vmem>>) target(%dma_start3A_104 : memref<48x128xf32, #tpu.memory_space<vmem_shared>>) target_semaphore(%run_scoped3A : memref<!tpu.dma_semaphore, #tpu.memory_space<semaphore_mem>>)
      %dma_wait3A_105 = arith.constant 0 : i32
      %dma_wait3A_106 = tpu.memref_slice %arg18[%add3A_6, %dma_wait3A_105] : memref<10000x128xf32, #tpu.memory_space<vmem_shared>> -> memref<48x128xf32, #tpu.memory_space<vmem_shared>>
      %dma_wait3A_107 = arith.constant 0 : i32
      %dma_wait3A_108 = tpu.memref_slice %arg18[%add3A_6, %dma_wait3A_107] : memref<10000x128xf32, #tpu.memory_space<vmem_shared>> -> memref<48x128xf32, #tpu.memory_space<vmem_shared>>
      tpu.wait_dma2 semaphore(%run_scoped3A : memref<!tpu.dma_semaphore, #tpu.memory_space<semaphore_mem>>) src(%arg17 : memref<48x128xf32, #tpu.memory_space<vmem>>) dst(%dma_wait3A_108 : memref<48x128xf32, #tpu.memory_space<vmem_shared>>)
      tpu.yield
    }) : () -> ()
    %add3A_7 = arith.constant 48 : i32
    %add3A_8 = arith.addi %mul3A_5, %add3A_7 : i32
    "tpu.region"() ({
      %run_scoped3A = tpu.sem_alloc : memref<!tpu.dma_semaphore, #tpu.memory_space<semaphore_mem>>
      %dma_start3A_101 = arith.constant 0 : i32
      %dma_start3A_102 = tpu.memref_slice %arg18[%add3A_8, %dma_start3A_101] : memref<10000x128xf32, #tpu.memory_space<vmem_shared>> -> memref<48x128xf32, #tpu.memory_space<vmem_shared>>
      %dma_start3A_103 = arith.constant 0 : i32
      %dma_start3A_104 = tpu.memref_slice %arg18[%add3A_8, %dma_start3A_103] : memref<10000x128xf32, #tpu.memory_space<vmem_shared>> -> memref<48x128xf32, #tpu.memory_space<vmem_shared>>
      tpu.enqueue_dma source(%arg17 : memref<48x128xf32, #tpu.memory_space<vmem>>) target(%dma_start3A_104 : memref<48x128xf32, #tpu.memory_space<vmem_shared>>) target_semaphore(%run_scoped3A : memref<!tpu.dma_semaphore, #tpu.memory_space<semaphore_mem>>)
      %dma_wait3A_105 = arith.constant 0 : i32
      %dma_wait3A_106 = tpu.memref_slice %arg18[%add3A_8, %dma_wait3A_105] : memref<10000x128xf32, #tpu.memory_space<vmem_shared>> -> memref<48x128xf32, #tpu.memory_space<vmem_shared>>
      %dma_wait3A_107 = arith.constant 0 : i32
      %dma_wait3A_108 = tpu.memref_slice %arg18[%add3A_8, %dma_wait3A_107] : memref<10000x128xf32, #tpu.memory_space<vmem_shared>> -> memref<48x128xf32, #tpu.memory_space<vmem_shared>>
      tpu.wait_dma2 semaphore(%run_scoped3A : memref<!tpu.dma_semaphore, #tpu.memory_space<semaphore_mem>>) src(%arg17 : memref<48x128xf32, #tpu.memory_space<vmem>>) dst(%dma_wait3A_108 : memref<48x128xf32, #tpu.memory_space<vmem_shared>>)
      tpu.yield
    }) : () -> ()
    %add3A_9 = arith.constant 96 : i32
    %add3A_10 = arith.addi %mul3A_5, %add3A_9 : i32
    "tpu.region"() ({
      %run_scoped3A = tpu.sem_alloc : memref<!tpu.dma_semaphore, #tpu.memory_space<semaphore_mem>>
      %dma_start3A_101 = arith.constant 0 : i32
      %dma_start3A_102 = tpu.memref_slice %arg18[%add3A_10, %dma_start3A_101] : memref<10000x128xf32, #tpu.memory_space<vmem_shared>> -> memref<48x128xf32, #tpu.memory_space<vmem_shared>>
      %dma_start3A_103 = arith.constant 0 : i32
      %dma_start3A_104 = tpu.memref_slice %arg18[%add3A_10, %dma_start3A_103] : memref<10000x128xf32, #tpu.memory_space<vmem_shared>> -> memref<48x128xf32, #tpu.memory_space<vmem_shared>>
      tpu.enqueue_dma source(%arg17 : memref<48x128xf32, #tpu.memory_space<vmem>>) target(%dma_start3A_104 : memref<48x128xf32, #tpu.memory_space<vmem_shared>>) target_semaphore(%run_scoped3A : memref<!tpu.dma_semaphore, #tpu.memory_space<semaphore_mem>>)
      %dma_wait3A_105 = arith.constant 0 : i32
      %dma_wait3A_106 = tpu.memref_slice %arg18[%add3A_10, %dma_wait3A_105] : memref<10000x128xf32, #tpu.memory_space<vmem_shared>> -> memref<48x128xf32, #tpu.memory_space<vmem_shared>>
      %dma_wait3A_107 = arith.constant 0 : i32
      %dma_wait3A_108 = tpu.memref_slice %arg18[%add3A_10, %dma_wait3A_107] : memref<10000x128xf32, #tpu.memory_space<vmem_shared>> -> memref<48x128xf32, #tpu.memory_space<vmem_shared>>
      tpu.wait_dma2 semaphore(%run_scoped3A : memref<!tpu.dma_semaphore, #tpu.memory_space<semaphore_mem>>) src(%arg17 : memref<48x128xf32, #tpu.memory_space<vmem>>) dst(%dma_wait3A_108 : memref<48x128xf32, #tpu.memory_space<vmem_shared>>)
      tpu.yield
    }) : () -> ()
    %add3A_11 = arith.constant 144 : i32
    %add3A_12 = arith.addi %mul3A_5, %add3A_11 : i32
    "tpu.region"() ({
      %run_scoped3A = tpu.sem_alloc : memref<!tpu.dma_semaphore, #tpu.memory_space<semaphore_mem>>
      %dma_start3A_101 = arith.constant 0 : i32
      %dma_start3A_102 = tpu.memref_slice %arg18[%add3A_12, %dma_start3A_101] : memref<10000x128xf32, #tpu.memory_space<vmem_shared>> -> memref<48x128xf32, #tpu.memory_space<vmem_shared>>
      %dma_start3A_103 = arith.constant 0 : i32
      %dma_start3A_104 = tpu.memref_slice %arg18[%add3A_12, %dma_start3A_103] : memref<10000x128xf32, #tpu.memory_space<vmem_shared>> -> memref<48x128xf32, #tpu.memory_space<vmem_shared>>
      tpu.enqueue_dma source(%arg17 : memref<48x128xf32, #tpu.memory_space<vmem>>) target(%dma_start3A_104 : memref<48x128xf32, #tpu.memory_space<vmem_shared>>) target_semaphore(%run_scoped3A : memref<!tpu.dma_semaphore, #tpu.memory_space<semaphore_mem>>)
      %dma_wait3A_105 = arith.constant 0 : i32
      %dma_wait3A_106 = tpu.memref_slice %arg18[%add3A_12, %dma_wait3A_105] : memref<10000x128xf32, #tpu.memory_space<vmem_shared>> -> memref<48x128xf32, #tpu.memory_space<vmem_shared>>
      %dma_wait3A_107 = arith.constant 0 : i32
      %dma_wait3A_108 = tpu.memref_slice %arg18[%add3A_12, %dma_wait3A_107] : memref<10000x128xf32, #tpu.memory_space<vmem_shared>> -> memref<48x128xf32, #tpu.memory_space<vmem_shared>>
      tpu.wait_dma2 semaphore(%run_scoped3A : memref<!tpu.dma_semaphore, #tpu.memory_space<semaphore_mem>>) src(%arg17 : memref<48x128xf32, #tpu.memory_space<vmem>>) dst(%dma_wait3A_108 : memref<48x128xf32, #tpu.memory_space<vmem_shared>>)
      tpu.yield
    }) : () -> ()
    %add3A_13 = arith.constant 192 : i32
    %add3A_14 = arith.addi %mul3A_5, %add3A_13 : i32
    "tpu.region"() ({
      %run_scoped3A = tpu.sem_alloc : memref<!tpu.dma_semaphore, #tpu.memory_space<semaphore_mem>>
      %dma_start3A_101 = arith.constant 0 : i32
      %dma_start3A_102 = tpu.memref_slice %arg18[%add3A_14, %dma_start3A_101] : memref<10000x128xf32, #tpu.memory_space<vmem_shared>> -> memref<48x128xf32, #tpu.memory_space<vmem_shared>>
      %dma_start3A_103 = arith.constant 0 : i32
      %dma_start3A_104 = tpu.memref_slice %arg18[%add3A_14, %dma_start3A_103] : memref<10000x128xf32, #tpu.memory_space<vmem_shared>> -> memref<48x128xf32, #tpu.memory_space<vmem_shared>>
      tpu.enqueue_dma source(%arg17 : memref<48x128xf32, #tpu.memory_space<vmem>>) target(%dma_start3A_104 : memref<48x128xf32, #tpu.memory_space<vmem_shared>>) target_semaphore(%run_scoped3A : memref<!tpu.dma_semaphore, #tpu.memory_space<semaphore_mem>>)
      %dma_wait3A_105 = arith.constant 0 : i32
      %dma_wait3A_106 = tpu.memref_slice %arg18[%add3A_14, %dma_wait3A_105] : memref<10000x128xf32, #tpu.memory_space<vmem_shared>> -> memref<48x128xf32, #tpu.memory_space<vmem_shared>>
      %dma_wait3A_107 = arith.constant 0 : i32
      %dma_wait3A_108 = tpu.memref_slice %arg18[%add3A_14, %dma_wait3A_107] : memref<10000x128xf32, #tpu.memory_space<vmem_shared>> -> memref<48x128xf32, #tpu.memory_space<vmem_shared>>
      tpu.wait_dma2 semaphore(%run_scoped3A : memref<!tpu.dma_semaphore, #tpu.memory_space<semaphore_mem>>) src(%arg17 : memref<48x128xf32, #tpu.memory_space<vmem>>) dst(%dma_wait3A_108 : memref<48x128xf32, #tpu.memory_space<vmem_shared>>)
      tpu.yield
    }) : () -> ()
    %add3A_15 = arith.constant 240 : i32
    %add3A_16 = arith.addi %mul3A_5, %add3A_15 : i32
    "tpu.region"() ({
      %run_scoped3A = tpu.sem_alloc : memref<!tpu.dma_semaphore, #tpu.memory_space<semaphore_mem>>
      %dma_start3A_101 = arith.constant 0 : i32
      %dma_start3A_102 = tpu.memref_slice %arg18[%add3A_16, %dma_start3A_101] : memref<10000x128xf32, #tpu.memory_space<vmem_shared>> -> memref<48x128xf32, #tpu.memory_space<vmem_shared>>
      %dma_start3A_103 = arith.constant 0 : i32
      %dma_start3A_104 = tpu.memref_slice %arg18[%add3A_16, %dma_start3A_103] : memref<10000x128xf32, #tpu.memory_space<vmem_shared>> -> memref<48x128xf32, #tpu.memory_space<vmem_shared>>
      tpu.enqueue_dma source(%arg17 : memref<48x128xf32, #tpu.memory_space<vmem>>) target(%dma_start3A_104 : memref<48x128xf32, #tpu.memory_space<vmem_shared>>) target_semaphore(%run_scoped3A : memref<!tpu.dma_semaphore, #tpu.memory_space<semaphore_mem>>)
      %dma_wait3A_105 = arith.constant 0 : i32
      %dma_wait3A_106 = tpu.memref_slice %arg18[%add3A_16, %dma_wait3A_105] : memref<10000x128xf32, #tpu.memory_space<vmem_shared>> -> memref<48x128xf32, #tpu.memory_space<vmem_shared>>
      %dma_wait3A_107 = arith.constant 0 : i32
      %dma_wait3A_108 = tpu.memref_slice %arg18[%add3A_16, %dma_wait3A_107] : memref<10000x128xf32, #tpu.memory_space<vmem_shared>> -> memref<48x128xf32, #tpu.memory_space<vmem_shared>>
      tpu.wait_dma2 semaphore(%run_scoped3A : memref<!tpu.dma_semaphore, #tpu.memory_space<semaphore_mem>>) src(%arg17 : memref<48x128xf32, #tpu.memory_space<vmem>>) dst(%dma_wait3A_108 : memref<48x128xf32, #tpu.memory_space<vmem_shared>>)
      tpu.yield
    }) : () -> ()
    %add3A_17 = arith.constant 288 : i32
    %add3A_18 = arith.addi %mul3A_5, %add3A_17 : i32
    "tpu.region"() ({
      %run_scoped3A = tpu.sem_alloc : memref<!tpu.dma_semaphore, #tpu.memory_space<semaphore_mem>>
      %dma_start3A_101 = arith.constant 0 : i32
      %dma_start3A_102 = tpu.memref_slice %arg18[%add3A_18, %dma_start3A_101] : memref<10000x128xf32, #tpu.memory_space<vmem_shared>> -> memref<48x128xf32, #tpu.memory_space<vmem_shared>>
      %dma_start3A_103 = arith.constant 0 : i32
      %dma_start3A_104 = tpu.memref_slice %arg18[%add3A_18, %dma_start3A_103] : memref<10000x128xf32, #tpu.memory_space<vmem_shared>> -> memref<48x128xf32, #tpu.memory_space<vmem_shared>>
      tpu.enqueue_dma source(%arg17 : memref<48x128xf32, #tpu.memory_space<vmem>>) target(%dma_start3A_104 : memref<48x128xf32, #tpu.memory_space<vmem_shared>>) target_semaphore(%run_scoped3A : memref<!tpu.dma_semaphore, #tpu.memory_space<semaphore_mem>>)
      %dma_wait3A_105 = arith.constant 0 : i32
      %dma_wait3A_106 = tpu.memref_slice %arg18[%add3A_18, %dma_wait3A_105] : memref<10000x128xf32, #tpu.memory_space<vmem_shared>> -> memref<48x128xf32, #tpu.memory_space<vmem_shared>>
      %dma_wait3A_107 = arith.constant 0 : i32
      %dma_wait3A_108 = tpu.memref_slice %arg18[%add3A_18, %dma_wait3A_107] : memref<10000x128xf32, #tpu.memory_space<vmem_shared>> -> memref<48x128xf32, #tpu.memory_space<vmem_shared>>
      tpu.wait_dma2 semaphore(%run_scoped3A : memref<!tpu.dma_semaphore, #tpu.memory_space<semaphore_mem>>) src(%arg17 : memref<48x128xf32, #tpu.memory_space<vmem>>) dst(%dma_wait3A_108 : memref<48x128xf32, #tpu.memory_space<vmem_shared>>)
      tpu.yield
    }) : () -> ()
    %add3A_19 = arith.constant 336 : i32
    %add3A_20 = arith.addi %mul3A_5, %add3A_19 : i32
    "tpu.region"() ({
      %run_scoped3A = tpu.sem_alloc : memref<!tpu.dma_semaphore, #tpu.memory_space<semaphore_mem>>
      %dma_start3A_101 = arith.constant 0 : i32
      %dma_start3A_102 = tpu.memref_slice %arg18[%add3A_20, %dma_start3A_101] : memref<10000x128xf32, #tpu.memory_space<vmem_shared>> -> memref<48x128xf32, #tpu.memory_space<vmem_shared>>
      %dma_start3A_103 = arith.constant 0 : i32
      %dma_start3A_104 = tpu.memref_slice %arg18[%add3A_20, %dma_start3A_103] : memref<10000x128xf32, #tpu.memory_space<vmem_shared>> -> memref<48x128xf32, #tpu.memory_space<vmem_shared>>
      tpu.enqueue_dma source(%arg17 : memref<48x128xf32, #tpu.memory_space<vmem>>) target(%dma_start3A_104 : memref<48x128xf32, #tpu.memory_space<vmem_shared>>) target_semaphore(%run_scoped3A : memref<!tpu.dma_semaphore, #tpu.memory_space<semaphore_mem>>)
      %dma_wait3A_105 = arith.constant 0 : i32
      %dma_wait3A_106 = tpu.memref_slice %arg18[%add3A_20, %dma_wait3A_105] : memref<10000x128xf32, #tpu.memory_space<vmem_shared>> -> memref<48x128xf32, #tpu.memory_space<vmem_shared>>
      %dma_wait3A_107 = arith.constant 0 : i32
      %dma_wait3A_108 = tpu.memref_slice %arg18[%add3A_20, %dma_wait3A_107] : memref<10000x128xf32, #tpu.memory_space<vmem_shared>> -> memref<48x128xf32, #tpu.memory_space<vmem_shared>>
      tpu.wait_dma2 semaphore(%run_scoped3A : memref<!tpu.dma_semaphore, #tpu.memory_space<semaphore_mem>>) src(%arg17 : memref<48x128xf32, #tpu.memory_space<vmem>>) dst(%dma_wait3A_108 : memref<48x128xf32, #tpu.memory_space<vmem_shared>>)
      tpu.yield
    }) : () -> ()
    %add3A_21 = arith.constant 384 : i32
    %add3A_22 = arith.addi %mul3A_5, %add3A_21 : i32
    "tpu.region"() ({
      %run_scoped3A = tpu.sem_alloc : memref<!tpu.dma_semaphore, #tpu.memory_space<semaphore_mem>>
      %dma_start3A_101 = arith.constant 0 : i32
      %dma_start3A_102 = tpu.memref_slice %arg18[%add3A_22, %dma_start3A_101] : memref<10000x128xf32, #tpu.memory_space<vmem_shared>> -> memref<48x128xf32, #tpu.memory_space<vmem_shared>>
      %dma_start3A_103 = arith.constant 0 : i32
      %dma_start3A_104 = tpu.memref_slice %arg18[%add3A_22, %dma_start3A_103] : memref<10000x128xf32, #tpu.memory_space<vmem_shared>> -> memref<48x128xf32, #tpu.memory_space<vmem_shared>>
      tpu.enqueue_dma source(%arg17 : memref<48x128xf32, #tpu.memory_space<vmem>>) target(%dma_start3A_104 : memref<48x128xf32, #tpu.memory_space<vmem_shared>>) target_semaphore(%run_scoped3A : memref<!tpu.dma_semaphore, #tpu.memory_space<semaphore_mem>>)
      %dma_wait3A_105 = arith.constant 0 : i32
      %dma_wait3A_106 = tpu.memref_slice %arg18[%add3A_22, %dma_wait3A_105] : memref<10000x128xf32, #tpu.memory_space<vmem_shared>> -> memref<48x128xf32, #tpu.memory_space<vmem_shared>>
      %dma_wait3A_107 = arith.constant 0 : i32
      %dma_wait3A_108 = tpu.memref_slice %arg18[%add3A_22, %dma_wait3A_107] : memref<10000x128xf32, #tpu.memory_space<vmem_shared>> -> memref<48x128xf32, #tpu.memory_space<vmem_shared>>
      tpu.wait_dma2 semaphore(%run_scoped3A : memref<!tpu.dma_semaphore, #tpu.memory_space<semaphore_mem>>) src(%arg17 : memref<48x128xf32, #tpu.memory_space<vmem>>) dst(%dma_wait3A_108 : memref<48x128xf32, #tpu.memory_space<vmem_shared>>)
      tpu.yield
    }) : () -> ()
    %add3A_23 = arith.constant 432 : i32
    %add3A_24 = arith.addi %mul3A_5, %add3A_23 : i32
    "tpu.region"() ({
      %run_scoped3A = tpu.sem_alloc : memref<!tpu.dma_semaphore, #tpu.memory_space<semaphore_mem>>
      %dma_start3A_101 = arith.constant 0 : i32
      %dma_start3A_102 = tpu.memref_slice %arg18[%add3A_24, %dma_start3A_101] : memref<10000x128xf32, #tpu.memory_space<vmem_shared>> -> memref<48x128xf32, #tpu.memory_space<vmem_shared>>
      %dma_start3A_103 = arith.constant 0 : i32
      %dma_start3A_104 = tpu.memref_slice %arg18[%add3A_24, %dma_start3A_103] : memref<10000x128xf32, #tpu.memory_space<vmem_shared>> -> memref<48x128xf32, #tpu.memory_space<vmem_shared>>
      tpu.enqueue_dma source(%arg17 : memref<48x128xf32, #tpu.memory_space<vmem>>) target(%dma_start3A_104 : memref<48x128xf32, #tpu.memory_space<vmem_shared>>) target_semaphore(%run_scoped3A : memref<!tpu.dma_semaphore, #tpu.memory_space<semaphore_mem>>)
      %dma_wait3A_105 = arith.constant 0 : i32
      %dma_wait3A_106 = tpu.memref_slice %arg18[%add3A_24, %dma_wait3A_105] : memref<10000x128xf32, #tpu.memory_space<vmem_shared>> -> memref<48x128xf32, #tpu.memory_space<vmem_shared>>
      %dma_wait3A_107 = arith.constant 0 : i32
      %dma_wait3A_108 = tpu.memref_slice %arg18[%add3A_24, %dma_wait3A_107] : memref<10000x128xf32, #tpu.memory_space<vmem_shared>> -> memref<48x128xf32, #tpu.memory_space<vmem_shared>>
      tpu.wait_dma2 semaphore(%run_scoped3A : memref<!tpu.dma_semaphore, #tpu.memory_space<semaphore_mem>>) src(%arg17 : memref<48x128xf32, #tpu.memory_space<vmem>>) dst(%dma_wait3A_108 : memref<48x128xf32, #tpu.memory_space<vmem_shared>>)
      tpu.yield
    }) : () -> ()
    %add3A_25 = arith.constant 480 : i32
    %add3A_26 = arith.addi %mul3A_5, %add3A_25 : i32
    "tpu.region"() ({
      %run_scoped3A = tpu.sem_alloc : memref<!tpu.dma_semaphore, #tpu.memory_space<semaphore_mem>>
      %dma_start3A_101 = arith.constant 0 : i32
      %dma_start3A_102 = tpu.memref_slice %arg18[%add3A_26, %dma_start3A_101] : memref<10000x128xf32, #tpu.memory_space<vmem_shared>> -> memref<48x128xf32, #tpu.memory_space<vmem_shared>>
      %dma_start3A_103 = arith.constant 0 : i32
      %dma_start3A_104 = tpu.memref_slice %arg18[%add3A_26, %dma_start3A_103] : memref<10000x128xf32, #tpu.memory_space<vmem_shared>> -> memref<48x128xf32, #tpu.memory_space<vmem_shared>>
      tpu.enqueue_dma source(%arg17 : memref<48x128xf32, #tpu.memory_space<vmem>>) target(%dma_start3A_104 : memref<48x128xf32, #tpu.memory_space<vmem_shared>>) target_semaphore(%run_scoped3A : memref<!tpu.dma_semaphore, #tpu.memory_space<semaphore_mem>>)
      %dma_wait3A_105 = arith.constant 0 : i32
      %dma_wait3A_106 = tpu.memref_slice %arg18[%add3A_26, %dma_wait3A_105] : memref<10000x128xf32, #tpu.memory_space<vmem_shared>> -> memref<48x128xf32, #tpu.memory_space<vmem_shared>>
      %dma_wait3A_107 = arith.constant 0 : i32
      %dma_wait3A_108 = tpu.memref_slice %arg18[%add3A_26, %dma_wait3A_107] : memref<10000x128xf32, #tpu.memory_space<vmem_shared>> -> memref<48x128xf32, #tpu.memory_space<vmem_shared>>
      tpu.wait_dma2 semaphore(%run_scoped3A : memref<!tpu.dma_semaphore, #tpu.memory_space<semaphore_mem>>) src(%arg17 : memref<48x128xf32, #tpu.memory_space<vmem>>) dst(%dma_wait3A_108 : memref<48x128xf32, #tpu.memory_space<vmem_shared>>)
      tpu.yield
    }) : () -> ()
    %add3A_27 = arith.constant 528 : i32
    %add3A_28 = arith.addi %mul3A_5, %add3A_27 : i32
    "tpu.region"() ({
      %run_scoped3A = tpu.sem_alloc : memref<!tpu.dma_semaphore, #tpu.memory_space<semaphore_mem>>
      %dma_start3A_101 = arith.constant 0 : i32
      %dma_start3A_102 = tpu.memref_slice %arg18[%add3A_28, %dma_start3A_101] : memref<10000x128xf32, #tpu.memory_space<vmem_shared>> -> memref<48x128xf32, #tpu.memory_space<vmem_shared>>
      %dma_start3A_103 = arith.constant 0 : i32
      %dma_start3A_104 = tpu.memref_slice %arg18[%add3A_28, %dma_start3A_103] : memref<10000x128xf32, #tpu.memory_space<vmem_shared>> -> memref<48x128xf32, #tpu.memory_space<vmem_shared>>
      tpu.enqueue_dma source(%arg17 : memref<48x128xf32, #tpu.memory_space<vmem>>) target(%dma_start3A_104 : memref<48x128xf32, #tpu.memory_space<vmem_shared>>) target_semaphore(%run_scoped3A : memref<!tpu.dma_semaphore, #tpu.memory_space<semaphore_mem>>)
      %dma_wait3A_105 = arith.constant 0 : i32
      %dma_wait3A_106 = tpu.memref_slice %arg18[%add3A_28, %dma_wait3A_105] : memref<10000x128xf32, #tpu.memory_space<vmem_shared>> -> memref<48x128xf32, #tpu.memory_space<vmem_shared>>
      %dma_wait3A_107 = arith.constant 0 : i32
      %dma_wait3A_108 = tpu.memref_slice %arg18[%add3A_28, %dma_wait3A_107] : memref<10000x128xf32, #tpu.memory_space<vmem_shared>> -> memref<48x128xf32, #tpu.memory_space<vmem_shared>>
      tpu.wait_dma2 semaphore(%run_scoped3A : memref<!tpu.dma_semaphore, #tpu.memory_space<semaphore_mem>>) src(%arg17 : memref<48x128xf32, #tpu.memory_space<vmem>>) dst(%dma_wait3A_108 : memref<48x128xf32, #tpu.memory_space<vmem_shared>>)
      tpu.yield
    }) : () -> ()
    %add3A_29 = arith.constant 576 : i32
    %add3A_30 = arith.addi %mul3A_5, %add3A_29 : i32
    "tpu.region"() ({
      %run_scoped3A = tpu.sem_alloc : memref<!tpu.dma_semaphore, #tpu.memory_space<semaphore_mem>>
      %dma_start3A_101 = arith.constant 0 : i32
      %dma_start3A_102 = tpu.memref_slice %arg18[%add3A_30, %dma_start3A_101] : memref<10000x128xf32, #tpu.memory_space<vmem_shared>> -> memref<48x128xf32, #tpu.memory_space<vmem_shared>>
      %dma_start3A_103 = arith.constant 0 : i32
      %dma_start3A_104 = tpu.memref_slice %arg18[%add3A_30, %dma_start3A_103] : memref<10000x128xf32, #tpu.memory_space<vmem_shared>> -> memref<48x128xf32, #tpu.memory_space<vmem_shared>>
      tpu.enqueue_dma source(%arg17 : memref<48x128xf32, #tpu.memory_space<vmem>>) target(%dma_start3A_104 : memref<48x128xf32, #tpu.memory_space<vmem_shared>>) target_semaphore(%run_scoped3A : memref<!tpu.dma_semaphore, #tpu.memory_space<semaphore_mem>>)
      %dma_wait3A_105 = arith.constant 0 : i32
      %dma_wait3A_106 = tpu.memref_slice %arg18[%add3A_30, %dma_wait3A_105] : memref<10000x128xf32, #tpu.memory_space<vmem_shared>> -> memref<48x128xf32, #tpu.memory_space<vmem_shared>>
      %dma_wait3A_107 = arith.constant 0 : i32
      %dma_wait3A_108 = tpu.memref_slice %arg18[%add3A_30, %dma_wait3A_107] : memref<10000x128xf32, #tpu.memory_space<vmem_shared>> -> memref<48x128xf32, #tpu.memory_space<vmem_shared>>
      tpu.wait_dma2 semaphore(%run_scoped3A : memref<!tpu.dma_semaphore, #tpu.memory_space<semaphore_mem>>) src(%arg17 : memref<48x128xf32, #tpu.memory_space<vmem>>) dst(%dma_wait3A_108 : memref<48x128xf32, #tpu.memory_space<vmem_shared>>)
      tpu.yield
    }) : () -> ()
    %eq3A = arith.constant 15 : i32
    %eq3A_31 = arith.cmpi eq, %arg1, %eq3A : i32
    %convert_element_type3A = arith.extui %eq3A_31 : i1 to i32
    %cond3A = arith.constant 0 : i32
    %cond3A_32 = arith.cmpi ne, %convert_element_type3A, %cond3A : i32
    scf.if %cond3A_32 {
      "tpu.region"() ({
        %run_scoped3A = tpu.sem_alloc : memref<!tpu.dma_semaphore, #tpu.memory_space<semaphore_mem>>
        %dma_start3A_101 = arith.constant 0 : i32
        %dma_start3A_102 = arith.constant 0 : i32
        %dma_start3A_103 = tpu.memref_slice %arg17[%dma_start3A_101, %dma_start3A_102] : memref<48x128xf32, #tpu.memory_space<vmem>> -> memref<16x128xf32, #tpu.memory_space<vmem>>
        %dma_start3A_104 = arith.constant 9984 : i32
        %dma_start3A_105 = arith.constant 0 : i32
        %dma_start3A_106 = tpu.memref_slice %arg18[%dma_start3A_104, %dma_start3A_105] : memref<10000x128xf32, #tpu.memory_space<vmem_shared>> -> memref<16x128xf32, #tpu.memory_space<vmem_shared>>
        %dma_start3A_107 = arith.constant 9984 : i32
        %dma_start3A_108 = arith.constant 0 : i32
        %dma_start3A_109 = tpu.memref_slice %arg18[%dma_start3A_107, %dma_start3A_108] : memref<10000x128xf32, #tpu.memory_space<vmem_shared>> -> memref<16x128xf32, #tpu.memory_space<vmem_shared>>
        %dma_start3A_110 = arith.constant 0 : i32
        %dma_start3A_111 = arith.constant 0 : i32
        %dma_start3A_112 = tpu.memref_slice %arg17[%dma_start3A_110, %dma_start3A_111] : memref<48x128xf32, #tpu.memory_space<vmem>> -> memref<16x128xf32, #tpu.memory_space<vmem>>
        tpu.enqueue_dma source(%dma_start3A_112 : memref<16x128xf32, #tpu.memory_space<vmem>>) target(%dma_start3A_109 : memref<16x128xf32, #tpu.memory_space<vmem_shared>>) target_semaphore(%run_scoped3A : memref<!tpu.dma_semaphore, #tpu.memory_space<semaphore_mem>>)
        %dma_wait3A_113 = arith.constant 0 : i32
        %dma_wait3A_114 = arith.constant 0 : i32
        %dma_wait3A_115 = tpu.memref_slice %arg17[%dma_wait3A_113, %dma_wait3A_114] : memref<48x128xf32, #tpu.memory_space<vmem>> -> memref<16x128xf32, #tpu.memory_space<vmem>>
        %dma_wait3A_116 = arith.constant 9984 : i32
        %dma_wait3A_117 = arith.constant 0 : i32
        %dma_wait3A_118 = tpu.memref_slice %arg18[%dma_wait3A_116, %dma_wait3A_117] : memref<10000x128xf32, #tpu.memory_space<vmem_shared>> -> memref<16x128xf32, #tpu.memory_space<vmem_shared>>
        %dma_wait3A_119 = arith.constant 9984 : i32
        %dma_wait3A_120 = arith.constant 0 : i32
        %dma_wait3A_121 = tpu.memref_slice %arg18[%dma_wait3A_119, %dma_wait3A_120] : memref<10000x128xf32, #tpu.memory_space<vmem_shared>> -> memref<16x128xf32, #tpu.memory_space<vmem_shared>>
        %dma_wait3A_122 = arith.constant 0 : i32
        %dma_wait3A_123 = arith.constant 0 : i32
        %dma_wait3A_124 = tpu.memref_slice %arg17[%dma_wait3A_122, %dma_wait3A_123] : memref<48x128xf32, #tpu.memory_space<vmem>> -> memref<16x128xf32, #tpu.memory_space<vmem>>
        tpu.wait_dma2 semaphore(%run_scoped3A : memref<!tpu.dma_semaphore, #tpu.memory_space<semaphore_mem>>) src(%dma_wait3A_124 : memref<16x128xf32, #tpu.memory_space<vmem>>) dst(%dma_wait3A_121 : memref<16x128xf32, #tpu.memory_space<vmem_shared>>)
        tpu.yield
      }) : () -> ()
    } else {
    }
    %barrier3A = arith.constant 0 : index
    tpu.barrier barrier_id(%barrier3A)
    %mul3A_33 = arith.constant 16 : i32
    %mul3A_34 = arith.muli %arg0, %mul3A_33 : i32
    %add3A_35 = arith.addi %mul3A_34, %arg1 : i32
    %mul3A_36 = arith.constant 10000 : i32
    %mul3A_37 = arith.muli %add3A_35, %mul3A_36 : i32
    %add3A_38 = arith.constant 0 : i32
    %add3A_39 = arith.addi %mul3A_37, %add3A_38 : i32
    %dma_start3A = tpu.memref_slice %arg3[%add3A_39] : memref<320000xi32, #tpu.memory_space<hbm>> -> memref<80xi32, #tpu.memory_space<hbm>>
    %dma_start3A_40 = tpu.memref_slice %arg3[%add3A_39] : memref<320000xi32, #tpu.memory_space<hbm>> -> memref<80xi32, #tpu.memory_space<hbm>>
    tpu.enqueue_dma source(%dma_start3A_40 : memref<80xi32, #tpu.memory_space<hbm>>) target(%arg7 : memref<80xi32, #tpu.memory_space<vmem>>) target_semaphore(%arg19 : memref<!tpu.dma_semaphore, #tpu.memory_space<semaphore_mem>>)
    %dma_start3A_41 = tpu.memref_slice %arg4[%add3A_39] : memref<320000xi32, #tpu.memory_space<hbm>> -> memref<80xi32, #tpu.memory_space<hbm>>
    %dma_start3A_42 = tpu.memref_slice %arg4[%add3A_39] : memref<320000xi32, #tpu.memory_space<hbm>> -> memref<80xi32, #tpu.memory_space<hbm>>
    tpu.enqueue_dma source(%dma_start3A_42 : memref<80xi32, #tpu.memory_space<hbm>>) target(%arg9 : memref<80xi32, #tpu.memory_space<vmem>>) target_semaphore(%arg21 : memref<!tpu.dma_semaphore, #tpu.memory_space<semaphore_mem>>)
    %add3A_43 = arith.constant 80 : i32
    %add3A_44 = arith.addi %mul3A_37, %add3A_43 : i32
    %dma_start3A_45 = tpu.memref_slice %arg3[%add3A_44] : memref<320000xi32, #tpu.memory_space<hbm>> -> memref<80xi32, #tpu.memory_space<hbm>>
    %dma_start3A_46 = tpu.memref_slice %arg3[%add3A_44] : memref<320000xi32, #tpu.memory_space<hbm>> -> memref<80xi32, #tpu.memory_space<hbm>>
    tpu.enqueue_dma source(%dma_start3A_46 : memref<80xi32, #tpu.memory_space<hbm>>) target(%arg8 : memref<80xi32, #tpu.memory_space<vmem>>) target_semaphore(%arg20 : memref<!tpu.dma_semaphore, #tpu.memory_space<semaphore_mem>>)
    %dma_start3A_47 = tpu.memref_slice %arg4[%add3A_44] : memref<320000xi32, #tpu.memory_space<hbm>> -> memref<80xi32, #tpu.memory_space<hbm>>
    %dma_start3A_48 = tpu.memref_slice %arg4[%add3A_44] : memref<320000xi32, #tpu.memory_space<hbm>> -> memref<80xi32, #tpu.memory_space<hbm>>
    tpu.enqueue_dma source(%dma_start3A_48 : memref<80xi32, #tpu.memory_space<hbm>>) target(%arg10 : memref<80xi32, #tpu.memory_space<vmem>>) target_semaphore(%arg22 : memref<!tpu.dma_semaphore, #tpu.memory_space<semaphore_mem>>)
    %dma_wait3A = arith.constant 0 : i32
    %dma_wait3A_49 = tpu.memref_slice %arg3[%dma_wait3A] : memref<320000xi32, #tpu.memory_space<hbm>> -> memref<80xi32, #tpu.memory_space<hbm>>
    %dma_wait3A_50 = arith.constant 0 : i32
    %dma_wait3A_51 = tpu.memref_slice %arg3[%dma_wait3A_50] : memref<320000xi32, #tpu.memory_space<hbm>> -> memref<80xi32, #tpu.memory_space<hbm>>
    tpu.wait_dma2 semaphore(%arg19 : memref<!tpu.dma_semaphore, #tpu.memory_space<semaphore_mem>>) src(%dma_wait3A_51 : memref<80xi32, #tpu.memory_space<hbm>>) dst(%arg7 : memref<80xi32, #tpu.memory_space<vmem>>)
    %dma_wait3A_52 = arith.constant 0 : i32
    %dma_wait3A_53 = tpu.memref_slice %arg4[%dma_wait3A_52] : memref<320000xi32, #tpu.memory_space<hbm>> -> memref<80xi32, #tpu.memory_space<hbm>>
    %dma_wait3A_54 = arith.constant 0 : i32
    %dma_wait3A_55 = tpu.memref_slice %arg4[%dma_wait3A_54] : memref<320000xi32, #tpu.memory_space<hbm>> -> memref<80xi32, #tpu.memory_space<hbm>>
    tpu.wait_dma2 semaphore(%arg21 : memref<!tpu.dma_semaphore, #tpu.memory_space<semaphore_mem>>) src(%dma_wait3A_55 : memref<80xi32, #tpu.memory_space<hbm>>) dst(%arg9 : memref<80xi32, #tpu.memory_space<vmem>>)
    %dma_start3A_56 = arith.constant 0 : i32
    %dma_start3A_57 = arith.constant 0 : i32
    %dma_start3A_58 = tpu.memref_slice %arg2[%dma_start3A_56, %dma_start3A_57] : memref<10000x128xf32, #tpu.memory_space<hbm>> -> memref<10000x128xf32, #tpu.memory_space<hbm>>
    tpu.enqueue_indirect_dma source(%dma_start3A_58 : memref<10000x128xf32, #tpu.memory_space<hbm>>) target(%arg13 : memref<80x128xf32, #tpu.memory_space<vmem>>) offsets(%arg7 : memref<80xi32, #tpu.memory_space<vmem>>) semaphore(%arg25 : memref<!tpu.dma_semaphore, #tpu.memory_space<semaphore_mem>>)
    %add3A_59 = arith.constant 0 : i32
    %add3A_60 = arith.addi %mul3A_37, %add3A_59 : i32
    %dma_start3A_61 = arith.constant 0 : i32
    %dma_start3A_62 = tpu.memref_slice %arg5[%add3A_60, %dma_start3A_61] : memref<320000x128xf32, #tpu.memory_space<hbm>> -> memref<80x128xf32, #tpu.memory_space<hbm>>
    %dma_start3A_63 = arith.constant 0 : i32
    %dma_start3A_64 = tpu.memref_slice %arg5[%add3A_60, %dma_start3A_63] : memref<320000x128xf32, #tpu.memory_space<hbm>> -> memref<80x128xf32, #tpu.memory_space<hbm>>
    tpu.enqueue_dma source(%dma_start3A_64 : memref<80x128xf32, #tpu.memory_space<hbm>>) target(%arg15 : memref<80x128xf32, #tpu.memory_space<vmem>>) target_semaphore(%arg27 : memref<!tpu.dma_semaphore, #tpu.memory_space<semaphore_mem>>)
    %scan3A_65 = arith.constant 0 : i32
    %scan3A_66 = arith.constant 0 : i32
    %scan3A_67 = arith.constant 31 : i32
    %scan3A_68 = arith.addi %scan3A_66, %scan3A_67 : i32
    %scan3A_69 = arith.constant 1 : i32
    scf.for %scan3A_101 = %scan3A_66 to %scan3A_68 step %scan3A_69  : i32 {
      %mul3A_102 = arith.constant 4 : i32
      %mul3A_103 = arith.muli %mul3A_102, %scan3A_101 : i32
      %add3A_104 = arith.constant 0 : i32
      %add3A_105 = arith.addi %mul3A_103, %add3A_104 : i32
      %dma_wait3A_106 = arith.constant 0 : i32
      %dma_wait3A_107 = tpu.memref_slice %arg3[%dma_wait3A_106] : memref<320000xi32, #tpu.memory_space<hbm>> -> memref<80xi32, #tpu.memory_space<hbm>>
      %dma_wait3A_108 = arith.constant 0 : i32
      %dma_wait3A_109 = tpu.memref_slice %arg3[%dma_wait3A_108] : memref<320000xi32, #tpu.memory_space<hbm>> -> memref<80xi32, #tpu.memory_space<hbm>>
      tpu.wait_dma2 semaphore(%arg20 : memref<!tpu.dma_semaphore, #tpu.memory_space<semaphore_mem>>) src(%dma_wait3A_109 : memref<80xi32, #tpu.memory_space<hbm>>) dst(%arg8 : memref<80xi32, #tpu.memory_space<vmem>>)
      %dma_wait3A_110 = arith.constant 0 : i32
      %dma_wait3A_111 = tpu.memref_slice %arg4[%dma_wait3A_110] : memref<320000xi32, #tpu.memory_space<hbm>> -> memref<80xi32, #tpu.memory_space<hbm>>
      %dma_wait3A_112 = arith.constant 0 : i32
      %dma_wait3A_113 = tpu.memref_slice %arg4[%dma_wait3A_112] : memref<320000xi32, #tpu.memory_space<hbm>> -> memref<80xi32, #tpu.memory_space<hbm>>
      tpu.wait_dma2 semaphore(%arg22 : memref<!tpu.dma_semaphore, #tpu.memory_space<semaphore_mem>>) src(%dma_wait3A_113 : memref<80xi32, #tpu.memory_space<hbm>>) dst(%arg10 : memref<80xi32, #tpu.memory_space<vmem>>)
      %dma_start3A_114 = arith.constant 0 : i32
      %dma_start3A_115 = arith.constant 0 : i32
      %dma_start3A_116 = tpu.memref_slice %arg2[%dma_start3A_114, %dma_start3A_115] : memref<10000x128xf32, #tpu.memory_space<hbm>> -> memref<10000x128xf32, #tpu.memory_space<hbm>>
      tpu.enqueue_indirect_dma source(%dma_start3A_116 : memref<10000x128xf32, #tpu.memory_space<hbm>>) target(%arg14 : memref<80x128xf32, #tpu.memory_space<vmem>>) offsets(%arg8 : memref<80xi32, #tpu.memory_space<vmem>>) semaphore(%arg26 : memref<!tpu.dma_semaphore, #tpu.memory_space<semaphore_mem>>)
      %ge3A = arith.constant 1 : i32
      %ge3A_117 = arith.cmpi sge, %add3A_105, %ge3A : i32
      %convert_element_type3A_118 = arith.extui %ge3A_117 : i1 to i32
      %cond3A_119 = arith.constant 0 : i32
      %cond3A_120 = arith.cmpi ne, %convert_element_type3A_118, %cond3A_119 : i32
      scf.if %cond3A_120 {
        %dma_wait3A_316 = arith.constant 0 : i32
        %dma_wait3A_317 = arith.constant 0 : i32
        %dma_wait3A_318 = tpu.memref_slice %arg18[%dma_wait3A_316, %dma_wait3A_317] : memref<10000x128xf32, #tpu.memory_space<vmem_shared>> -> memref<10000x128xf32, #tpu.memory_space<vmem_shared>>
        tpu.wait_indirect_dma semaphore(%arg30 : memref<!tpu.dma_semaphore, #tpu.memory_space<semaphore_mem>>) src(%arg16 : memref<80x128xf32, #tpu.memory_space<vmem>>) dst(%dma_wait3A_318 : memref<10000x128xf32, #tpu.memory_space<vmem_shared>>)
      } else {
      }
      %add3A_121 = arith.constant 1 : i32
      %add3A_122 = arith.addi %add3A_105, %add3A_121 : i32
      %mul3A_123 = arith.constant 80 : i32
      %mul3A_124 = arith.muli %add3A_122, %mul3A_123 : i32
      %add3A_125 = arith.addi %mul3A_37, %mul3A_124 : i32
      %dma_start3A_126 = arith.constant 0 : i32
      %dma_start3A_127 = tpu.memref_slice %arg5[%add3A_125, %dma_start3A_126] : memref<320000x128xf32, #tpu.memory_space<hbm>> -> memref<80x128xf32, #tpu.memory_space<hbm>>
      %dma_start3A_128 = arith.constant 0 : i32
      %dma_start3A_129 = tpu.memref_slice %arg5[%add3A_125, %dma_start3A_128] : memref<320000x128xf32, #tpu.memory_space<hbm>> -> memref<80x128xf32, #tpu.memory_space<hbm>>
      tpu.enqueue_dma source(%dma_start3A_129 : memref<80x128xf32, #tpu.memory_space<hbm>>) target(%arg16 : memref<80x128xf32, #tpu.memory_space<vmem>>) target_semaphore(%arg28 : memref<!tpu.dma_semaphore, #tpu.memory_space<semaphore_mem>>)
      %dma_wait3A_130 = arith.constant 0 : i32
      %dma_wait3A_131 = arith.constant 0 : i32
      %dma_wait3A_132 = tpu.memref_slice %arg2[%dma_wait3A_130, %dma_wait3A_131] : memref<10000x128xf32, #tpu.memory_space<hbm>> -> memref<10000x128xf32, #tpu.memory_space<hbm>>
      tpu.wait_indirect_dma semaphore(%arg25 : memref<!tpu.dma_semaphore, #tpu.memory_space<semaphore_mem>>) src(%dma_wait3A_132 : memref<10000x128xf32, #tpu.memory_space<hbm>>) dst(%arg13 : memref<80x128xf32, #tpu.memory_space<vmem>>)
      %dma_wait3A_133 = arith.constant 0 : i32
      %dma_wait3A_134 = arith.constant 0 : i32
      %dma_wait3A_135 = tpu.memref_slice %arg5[%dma_wait3A_133, %dma_wait3A_134] : memref<320000x128xf32, #tpu.memory_space<hbm>> -> memref<80x128xf32, #tpu.memory_space<hbm>>
      %dma_wait3A_136 = arith.constant 0 : i32
      %dma_wait3A_137 = arith.constant 0 : i32
      %dma_wait3A_138 = tpu.memref_slice %arg5[%dma_wait3A_136, %dma_wait3A_137] : memref<320000x128xf32, #tpu.memory_space<hbm>> -> memref<80x128xf32, #tpu.memory_space<hbm>>
      tpu.wait_dma2 semaphore(%arg27 : memref<!tpu.dma_semaphore, #tpu.memory_space<semaphore_mem>>) src(%dma_wait3A_138 : memref<80x128xf32, #tpu.memory_space<hbm>>) dst(%arg15 : memref<80x128xf32, #tpu.memory_space<vmem>>)
      %add3A_139 = arith.constant 2 : i32
      %add3A_140 = arith.addi %add3A_105, %add3A_139 : i32
      %lt3A = arith.constant 125 : i32
      %lt3A_141 = arith.cmpi slt, %add3A_140, %lt3A : i32
      %convert_element_type3A_142 = arith.extui %lt3A_141 : i1 to i32
      %cond3A_143 = arith.constant 0 : i32
      %cond3A_144 = arith.cmpi ne, %convert_element_type3A_142, %cond3A_143 : i32
      scf.if %cond3A_144 {
        %add3A_316 = arith.constant 2 : i32
        %add3A_317 = arith.addi %add3A_105, %add3A_316 : i32
        %mul3A_318 = arith.constant 80 : i32
        %mul3A_319 = arith.muli %add3A_317, %mul3A_318 : i32
        %add3A_320 = arith.addi %mul3A_37, %mul3A_319 : i32
        %dma_start3A_321 = tpu.memref_slice %arg3[%add3A_320] : memref<320000xi32, #tpu.memory_space<hbm>> -> memref<80xi32, #tpu.memory_space<hbm>>
        %dma_start3A_322 = tpu.memref_slice %arg3[%add3A_320] : memref<320000xi32, #tpu.memory_space<hbm>> -> memref<80xi32, #tpu.memory_space<hbm>>
        tpu.enqueue_dma source(%dma_start3A_322 : memref<80xi32, #tpu.memory_space<hbm>>) target(%arg7 : memref<80xi32, #tpu.memory_space<vmem>>) target_semaphore(%arg19 : memref<!tpu.dma_semaphore, #tpu.memory_space<semaphore_mem>>)
        %dma_start3A_323 = tpu.memref_slice %arg4[%add3A_320] : memref<320000xi32, #tpu.memory_space<hbm>> -> memref<80xi32, #tpu.memory_space<hbm>>
        %dma_start3A_324 = tpu.memref_slice %arg4[%add3A_320] : memref<320000xi32, #tpu.memory_space<hbm>> -> memref<80xi32, #tpu.memory_space<hbm>>
        tpu.enqueue_dma source(%dma_start3A_324 : memref<80xi32, #tpu.memory_space<hbm>>) target(%arg11 : memref<80xi32, #tpu.memory_space<vmem>>) target_semaphore(%arg23 : memref<!tpu.dma_semaphore, #tpu.memory_space<semaphore_mem>>)
      } else {
      }
      %scan3A_145 = arith.constant 0 : i32
      %scan3A_146 = arith.constant 0 : i32
      %scan3A_147 = arith.constant 40 : i32
      %scan3A_148 = arith.addi %scan3A_146, %scan3A_147 : i32
      %scan3A_149 = arith.constant 1 : i32
      scf.for %scan3A_316 = %scan3A_146 to %scan3A_148 step %scan3A_149  : i32 {
        %mul3A_317 = arith.constant 2 : i32
        %mul3A_318 = arith.muli %mul3A_317, %scan3A_316 : i32
        %add3A_319 = arith.constant 0 : i32
        %add3A_320 = arith.addi %mul3A_318, %add3A_319 : i32
        %get3A = arith.index_cast %add3A_320 : i32 to index
        %get3A_321 = arith.constant 0 : index
        %get3A_322 = tpu.vector_load %arg13[%get3A, %get3A_321] {strides = array<i32>} : memref<80x128xf32, #tpu.memory_space<vmem>>, vector<1x16xf32>,
        %get3A_323 = vector.shape_cast %get3A_322 : vector<1x16xf32> to vector<16xf32>
        %add3A_324 = arith.constant 0 : i32
        %add3A_325 = arith.addi %mul3A_318, %add3A_324 : i32
        %get3A_326 = arith.index_cast %add3A_325 : i32 to index
        %get3A_327 = arith.constant 0 : index
        %get3A_328 = tpu.vector_load %arg15[%get3A_326, %get3A_327] {strides = array<i32>} : memref<80x128xf32, #tpu.memory_space<vmem>>, vector<1x16xf32>,
        %get3A_329 = vector.shape_cast %get3A_328 : vector<1x16xf32> to vector<16xf32>
        %add3A_330 = arith.addf %get3A_323, %get3A_329 : vector<16xf32>
        %max3A = arith.constant 0.000000e+00 : f32
        %max3A_331 = vector.broadcast %max3A : f32 to vector<16xf32>
        %max3A_332 = arith.maximumf %add3A_330, %max3A_331 : vector<16xf32>
        %add3A_333 = arith.constant 0 : i32
        %add3A_334 = arith.addi %mul3A_318, %add3A_333 : i32
        %swap3A = arith.index_cast %add3A_334 : i32 to index
        %swap3A_335 = arith.constant 0 : index
        %swap3A_336 = tpu.vector_load %arg15[%swap3A, %swap3A_335] {strides = array<i32>} : memref<80x128xf32, #tpu.memory_space<vmem>>, vector<1x16xf32>,
        %swap3A_337 = vector.shape_cast %swap3A_336 : vector<1x16xf32> to vector<16xf32>
        %swap3A_338 = vector.shape_cast %max3A_332 : vector<16xf32> to vector<1x16xf32>
        tpu.vector_store %arg15[%swap3A, %swap3A_335], %swap3A_338 {strides = array<i32>} : memref<80x128xf32, #tpu.memory_space<vmem>>, vector<1x16xf32>,
        %add3A_339 = arith.constant 0 : i32
        %add3A_340 = arith.addi %mul3A_318, %add3A_339 : i32
        %get3A_341 = arith.index_cast %add3A_340 : i32 to index
        %get3A_342 = arith.constant 16 : index
        %get3A_343 = tpu.vector_load %arg13[%get3A_341, %get3A_342] {strides = array<i32>} : memref<80x128xf32, #tpu.memory_space<vmem>>, vector<1x16xf32>,
        %get3A_344 = vector.shape_cast %get3A_343 : vector<1x16xf32> to vector<16xf32>
        %add3A_345 = arith.constant 0 : i32
        %add3A_346 = arith.addi %mul3A_318, %add3A_345 : i32
        %get3A_347 = arith.index_cast %add3A_346 : i32 to index
        %get3A_348 = arith.constant 16 : index
        %get3A_349 = tpu.vector_load %arg15[%get3A_347, %get3A_348] {strides = array<i32>} : memref<80x128xf32, #tpu.memory_space<vmem>>, vector<1x16xf32>,
        %get3A_350 = vector.shape_cast %get3A_349 : vector<1x16xf32> to vector<16xf32>
        %add3A_351 = arith.addf %get3A_344, %get3A_350 : vector<16xf32>
        %max3A_352 = arith.constant 0.000000e+00 : f32
        %max3A_353 = vector.broadcast %max3A_352 : f32 to vector<16xf32>
        %max3A_354 = arith.maximumf %add3A_351, %max3A_353 : vector<16xf32>
        %add3A_355 = arith.constant 0 : i32
        %add3A_356 = arith.addi %mul3A_318, %add3A_355 : i32
        %swap3A_357 = arith.index_cast %add3A_356 : i32 to index
        %swap3A_358 = arith.constant 16 : index
        %swap3A_359 = tpu.vector_load %arg15[%swap3A_357, %swap3A_358] {strides = array<i32>} : memref<80x128xf32, #tpu.memory_space<vmem>>, vector<1x16xf32>,
        %swap3A_360 = vector.shape_cast %swap3A_359 : vector<1x16xf32> to vector<16xf32>
        %swap3A_361 = vector.shape_cast %max3A_354 : vector<16xf32> to vector<1x16xf32>
        tpu.vector_store %arg15[%swap3A_357, %swap3A_358], %swap3A_361 {strides = array<i32>} : memref<80x128xf32, #tpu.memory_space<vmem>>, vector<1x16xf32>,
        %add3A_362 = arith.constant 0 : i32
        %add3A_363 = arith.addi %mul3A_318, %add3A_362 : i32
        %get3A_364 = arith.index_cast %add3A_363 : i32 to index
        %get3A_365 = arith.constant 32 : index
        %get3A_366 = tpu.vector_load %arg13[%get3A_364, %get3A_365] {strides = array<i32>} : memref<80x128xf32, #tpu.memory_space<vmem>>, vector<1x16xf32>,
        %get3A_367 = vector.shape_cast %get3A_366 : vector<1x16xf32> to vector<16xf32>
        %add3A_368 = arith.constant 0 : i32
        %add3A_369 = arith.addi %mul3A_318, %add3A_368 : i32
        %get3A_370 = arith.index_cast %add3A_369 : i32 to index
        %get3A_371 = arith.constant 32 : index
        %get3A_372 = tpu.vector_load %arg15[%get3A_370, %get3A_371] {strides = array<i32>} : memref<80x128xf32, #tpu.memory_space<vmem>>, vector<1x16xf32>,
        %get3A_373 = vector.shape_cast %get3A_372 : vector<1x16xf32> to vector<16xf32>
        %add3A_374 = arith.addf %get3A_367, %get3A_373 : vector<16xf32>
        %max3A_375 = arith.constant 0.000000e+00 : f32
        %max3A_376 = vector.broadcast %max3A_375 : f32 to vector<16xf32>
        %max3A_377 = arith.maximumf %add3A_374, %max3A_376 : vector<16xf32>
        %add3A_378 = arith.constant 0 : i32
        %add3A_379 = arith.addi %mul3A_318, %add3A_378 : i32
        %swap3A_380 = arith.index_cast %add3A_379 : i32 to index
        %swap3A_381 = arith.constant 32 : index
        %swap3A_382 = tpu.vector_load %arg15[%swap3A_380, %swap3A_381] {strides = array<i32>} : memref<80x128xf32, #tpu.memory_space<vmem>>, vector<1x16xf32>,
        %swap3A_383 = vector.shape_cast %swap3A_382 : vector<1x16xf32> to vector<16xf32>
        %swap3A_384 = vector.shape_cast %max3A_377 : vector<16xf32> to vector<1x16xf32>
        tpu.vector_store %arg15[%swap3A_380, %swap3A_381], %swap3A_384 {strides = array<i32>} : memref<80x128xf32, #tpu.memory_space<vmem>>, vector<1x16xf32>,
        %add3A_385 = arith.constant 0 : i32
        %add3A_386 = arith.addi %mul3A_318, %add3A_385 : i32
        %get3A_387 = arith.index_cast %add3A_386 : i32 to index
        %get3A_388 = arith.constant 48 : index
        %get3A_389 = tpu.vector_load %arg13[%get3A_387, %get3A_388] {strides = array<i32>} : memref<80x128xf32, #tpu.memory_space<vmem>>, vector<1x16xf32>,
        %get3A_390 = vector.shape_cast %get3A_389 : vector<1x16xf32> to vector<16xf32>
        %add3A_391 = arith.constant 0 : i32
        %add3A_392 = arith.addi %mul3A_318, %add3A_391 : i32
        %get3A_393 = arith.index_cast %add3A_392 : i32 to index
        %get3A_394 = arith.constant 48 : index
        %get3A_395 = tpu.vector_load %arg15[%get3A_393, %get3A_394] {strides = array<i32>} : memref<80x128xf32, #tpu.memory_space<vmem>>, vector<1x16xf32>,
        %get3A_396 = vector.shape_cast %get3A_395 : vector<1x16xf32> to vector<16xf32>
        %add3A_397 = arith.addf %get3A_390, %get3A_396 : vector<16xf32>
        %max3A_398 = arith.constant 0.000000e+00 : f32
        %max3A_399 = vector.broadcast %max3A_398 : f32 to vector<16xf32>
        %max3A_400 = arith.maximumf %add3A_397, %max3A_399 : vector<16xf32>
        %add3A_401 = arith.constant 0 : i32
        %add3A_402 = arith.addi %mul3A_318, %add3A_401 : i32
        %swap3A_403 = arith.index_cast %add3A_402 : i32 to index
        %swap3A_404 = arith.constant 48 : index
        %swap3A_405 = tpu.vector_load %arg15[%swap3A_403, %swap3A_404] {strides = array<i32>} : memref<80x128xf32, #tpu.memory_space<vmem>>, vector<1x16xf32>,
        %swap3A_406 = vector.shape_cast %swap3A_405 : vector<1x16xf32> to vector<16xf32>
        %swap3A_407 = vector.shape_cast %max3A_400 : vector<16xf32> to vector<1x16xf32>
        tpu.vector_store %arg15[%swap3A_403, %swap3A_404], %swap3A_407 {strides = array<i32>} : memref<80x128xf32, #tpu.memory_space<vmem>>, vector<1x16xf32>,
        %add3A_408 = arith.constant 0 : i32
        %add3A_409 = arith.addi %mul3A_318, %add3A_408 : i32
        %get3A_410 = arith.index_cast %add3A_409 : i32 to index
        %get3A_411 = arith.constant 64 : index
        %get3A_412 = tpu.vector_load %arg13[%get3A_410, %get3A_411] {strides = array<i32>} : memref<80x128xf32, #tpu.memory_space<vmem>>, vector<1x16xf32>,
        %get3A_413 = vector.shape_cast %get3A_412 : vector<1x16xf32> to vector<16xf32>
        %add3A_414 = arith.constant 0 : i32
        %add3A_415 = arith.addi %mul3A_318, %add3A_414 : i32
        %get3A_416 = arith.index_cast %add3A_415 : i32 to index
        %get3A_417 = arith.constant 64 : index
        %get3A_418 = tpu.vector_load %arg15[%get3A_416, %get3A_417] {strides = array<i32>} : memref<80x128xf32, #tpu.memory_space<vmem>>, vector<1x16xf32>,
        %get3A_419 = vector.shape_cast %get3A_418 : vector<1x16xf32> to vector<16xf32>
        %add3A_420 = arith.addf %get3A_413, %get3A_419 : vector<16xf32>
        %max3A_421 = arith.constant 0.000000e+00 : f32
        %max3A_422 = vector.broadcast %max3A_421 : f32 to vector<16xf32>
        %max3A_423 = arith.maximumf %add3A_420, %max3A_422 : vector<16xf32>
        %add3A_424 = arith.constant 0 : i32
        %add3A_425 = arith.addi %mul3A_318, %add3A_424 : i32
        %swap3A_426 = arith.index_cast %add3A_425 : i32 to index
        %swap3A_427 = arith.constant 64 : index
        %swap3A_428 = tpu.vector_load %arg15[%swap3A_426, %swap3A_427] {strides = array<i32>} : memref<80x128xf32, #tpu.memory_space<vmem>>, vector<1x16xf32>,
        %swap3A_429 = vector.shape_cast %swap3A_428 : vector<1x16xf32> to vector<16xf32>
        %swap3A_430 = vector.shape_cast %max3A_423 : vector<16xf32> to vector<1x16xf32>
        tpu.vector_store %arg15[%swap3A_426, %swap3A_427], %swap3A_430 {strides = array<i32>} : memref<80x128xf32, #tpu.memory_space<vmem>>, vector<1x16xf32>,
        %add3A_431 = arith.constant 0 : i32
        %add3A_432 = arith.addi %mul3A_318, %add3A_431 : i32
        %get3A_433 = arith.index_cast %add3A_432 : i32 to index
        %get3A_434 = arith.constant 80 : index
        %get3A_435 = tpu.vector_load %arg13[%get3A_433, %get3A_434] {strides = array<i32>} : memref<80x128xf32, #tpu.memory_space<vmem>>, vector<1x16xf32>,
        %get3A_436 = vector.shape_cast %get3A_435 : vector<1x16xf32> to vector<16xf32>
        %add3A_437 = arith.constant 0 : i32
        %add3A_438 = arith.addi %mul3A_318, %add3A_437 : i32
        %get3A_439 = arith.index_cast %add3A_438 : i32 to index
        %get3A_440 = arith.constant 80 : index
        %get3A_441 = tpu.vector_load %arg15[%get3A_439, %get3A_440] {strides = array<i32>} : memref<80x128xf32, #tpu.memory_space<vmem>>, vector<1x16xf32>,
        %get3A_442 = vector.shape_cast %get3A_441 : vector<1x16xf32> to vector<16xf32>
        %add3A_443 = arith.addf %get3A_436, %get3A_442 : vector<16xf32>
        %max3A_444 = arith.constant 0.000000e+00 : f32
        %max3A_445 = vector.broadcast %max3A_444 : f32 to vector<16xf32>
        %max3A_446 = arith.maximumf %add3A_443, %max3A_445 : vector<16xf32>
        %add3A_447 = arith.constant 0 : i32
        %add3A_448 = arith.addi %mul3A_318, %add3A_447 : i32
        %swap3A_449 = arith.index_cast %add3A_448 : i32 to index
        %swap3A_450 = arith.constant 80 : index
        %swap3A_451 = tpu.vector_load %arg15[%swap3A_449, %swap3A_450] {strides = array<i32>} : memref<80x128xf32, #tpu.memory_space<vmem>>, vector<1x16xf32>,
        %swap3A_452 = vector.shape_cast %swap3A_451 : vector<1x16xf32> to vector<16xf32>
        %swap3A_453 = vector.shape_cast %max3A_446 : vector<16xf32> to vector<1x16xf32>
        tpu.vector_store %arg15[%swap3A_449, %swap3A_450], %swap3A_453 {strides = array<i32>} : memref<80x128xf32, #tpu.memory_space<vmem>>, vector<1x16xf32>,
        %add3A_454 = arith.constant 0 : i32
        %add3A_455 = arith.addi %mul3A_318, %add3A_454 : i32
        %get3A_456 = arith.index_cast %add3A_455 : i32 to index
        %get3A_457 = arith.constant 96 : index
        %get3A_458 = tpu.vector_load %arg13[%get3A_456, %get3A_457] {strides = array<i32>} : memref<80x128xf32, #tpu.memory_space<vmem>>, vector<1x16xf32>,
        %get3A_459 = vector.shape_cast %get3A_458 : vector<1x16xf32> to vector<16xf32>
        %add3A_460 = arith.constant 0 : i32
        %add3A_461 = arith.addi %mul3A_318, %add3A_460 : i32
        %get3A_462 = arith.index_cast %add3A_461 : i32 to index
        %get3A_463 = arith.constant 96 : index
        %get3A_464 = tpu.vector_load %arg15[%get3A_462, %get3A_463] {strides = array<i32>} : memref<80x128xf32, #tpu.memory_space<vmem>>, vector<1x16xf32>,
        %get3A_465 = vector.shape_cast %get3A_464 : vector<1x16xf32> to vector<16xf32>
        %add3A_466 = arith.addf %get3A_459, %get3A_465 : vector<16xf32>
        %max3A_467 = arith.constant 0.000000e+00 : f32
        %max3A_468 = vector.broadcast %max3A_467 : f32 to vector<16xf32>
        %max3A_469 = arith.maximumf %add3A_466, %max3A_468 : vector<16xf32>
        %add3A_470 = arith.constant 0 : i32
        %add3A_471 = arith.addi %mul3A_318, %add3A_470 : i32
        %swap3A_472 = arith.index_cast %add3A_471 : i32 to index
        %swap3A_473 = arith.constant 96 : index
        %swap3A_474 = tpu.vector_load %arg15[%swap3A_472, %swap3A_473] {strides = array<i32>} : memref<80x128xf32, #tpu.memory_space<vmem>>, vector<1x16xf32>,
        %swap3A_475 = vector.shape_cast %swap3A_474 : vector<1x16xf32> to vector<16xf32>
        %swap3A_476 = vector.shape_cast %max3A_469 : vector<16xf32> to vector<1x16xf32>
        tpu.vector_store %arg15[%swap3A_472, %swap3A_473], %swap3A_476 {strides = array<i32>} : memref<80x128xf32, #tpu.memory_space<vmem>>, vector<1x16xf32>,
        %add3A_477 = arith.constant 0 : i32
        %add3A_478 = arith.addi %mul3A_318, %add3A_477 : i32
        %get3A_479 = arith.index_cast %add3A_478 : i32 to index
        %get3A_480 = arith.constant 112 : index
        %get3A_481 = tpu.vector_load %arg13[%get3A_479, %get3A_480] {strides = array<i32>} : memref<80x128xf32, #tpu.memory_space<vmem>>, vector<1x16xf32>,
        %get3A_482 = vector.shape_cast %get3A_481 : vector<1x16xf32> to vector<16xf32>
        %add3A_483 = arith.constant 0 : i32
        %add3A_484 = arith.addi %mul3A_318, %add3A_483 : i32
        %get3A_485 = arith.index_cast %add3A_484 : i32 to index
        %get3A_486 = arith.constant 112 : index
        %get3A_487 = tpu.vector_load %arg15[%get3A_485, %get3A_486] {strides = array<i32>} : memref<80x128xf32, #tpu.memory_space<vmem>>, vector<1x16xf32>,
        %get3A_488 = vector.shape_cast %get3A_487 : vector<1x16xf32> to vector<16xf32>
        %add3A_489 = arith.addf %get3A_482, %get3A_488 : vector<16xf32>
        %max3A_490 = arith.constant 0.000000e+00 : f32
        %max3A_491 = vector.broadcast %max3A_490 : f32 to vector<16xf32>
        %max3A_492 = arith.maximumf %add3A_489, %max3A_491 : vector<16xf32>
        %add3A_493 = arith.constant 0 : i32
        %add3A_494 = arith.addi %mul3A_318, %add3A_493 : i32
        %swap3A_495 = arith.index_cast %add3A_494 : i32 to index
        %swap3A_496 = arith.constant 112 : index
        %swap3A_497 = tpu.vector_load %arg15[%swap3A_495, %swap3A_496] {strides = array<i32>} : memref<80x128xf32, #tpu.memory_space<vmem>>, vector<1x16xf32>,
        %swap3A_498 = vector.shape_cast %swap3A_497 : vector<1x16xf32> to vector<16xf32>
        %swap3A_499 = vector.shape_cast %max3A_492 : vector<16xf32> to vector<1x16xf32>
        tpu.vector_store %arg15[%swap3A_495, %swap3A_496], %swap3A_499 {strides = array<i32>} : memref<80x128xf32, #tpu.memory_space<vmem>>, vector<1x16xf32>,
        %add3A_500 = arith.constant 1 : i32
        %add3A_501 = arith.addi %mul3A_318, %add3A_500 : i32
        %get3A_502 = arith.index_cast %add3A_501 : i32 to index
        %get3A_503 = arith.constant 0 : index
        %get3A_504 = tpu.vector_load %arg13[%get3A_502, %get3A_503] {strides = array<i32>} : memref<80x128xf32, #tpu.memory_space<vmem>>, vector<1x16xf32>,
        %get3A_505 = vector.shape_cast %get3A_504 : vector<1x16xf32> to vector<16xf32>
        %add3A_506 = arith.constant 1 : i32
        %add3A_507 = arith.addi %mul3A_318, %add3A_506 : i32
        %get3A_508 = arith.index_cast %add3A_507 : i32 to index
        %get3A_509 = arith.constant 0 : index
        %get3A_510 = tpu.vector_load %arg15[%get3A_508, %get3A_509] {strides = array<i32>} : memref<80x128xf32, #tpu.memory_space<vmem>>, vector<1x16xf32>,
        %get3A_511 = vector.shape_cast %get3A_510 : vector<1x16xf32> to vector<16xf32>
        %add3A_512 = arith.addf %get3A_505, %get3A_511 : vector<16xf32>
        %max3A_513 = arith.constant 0.000000e+00 : f32
        %max3A_514 = vector.broadcast %max3A_513 : f32 to vector<16xf32>
        %max3A_515 = arith.maximumf %add3A_512, %max3A_514 : vector<16xf32>
        %add3A_516 = arith.constant 1 : i32
        %add3A_517 = arith.addi %mul3A_318, %add3A_516 : i32
        %swap3A_518 = arith.index_cast %add3A_517 : i32 to index
        %swap3A_519 = arith.constant 0 : index
        %swap3A_520 = tpu.vector_load %arg15[%swap3A_518, %swap3A_519] {strides = array<i32>} : memref<80x128xf32, #tpu.memory_space<vmem>>, vector<1x16xf32>,
        %swap3A_521 = vector.shape_cast %swap3A_520 : vector<1x16xf32> to vector<16xf32>
        %swap3A_522 = vector.shape_cast %max3A_515 : vector<16xf32> to vector<1x16xf32>
        tpu.vector_store %arg15[%swap3A_518, %swap3A_519], %swap3A_522 {strides = array<i32>} : memref<80x128xf32, #tpu.memory_space<vmem>>, vector<1x16xf32>,
        %add3A_523 = arith.constant 1 : i32
        %add3A_524 = arith.addi %mul3A_318, %add3A_523 : i32
        %get3A_525 = arith.index_cast %add3A_524 : i32 to index
        %get3A_526 = arith.constant 16 : index
        %get3A_527 = tpu.vector_load %arg13[%get3A_525, %get3A_526] {strides = array<i32>} : memref<80x128xf32, #tpu.memory_space<vmem>>, vector<1x16xf32>,
        %get3A_528 = vector.shape_cast %get3A_527 : vector<1x16xf32> to vector<16xf32>
        %add3A_529 = arith.constant 1 : i32
        %add3A_530 = arith.addi %mul3A_318, %add3A_529 : i32
        %get3A_531 = arith.index_cast %add3A_530 : i32 to index
        %get3A_532 = arith.constant 16 : index
        %get3A_533 = tpu.vector_load %arg15[%get3A_531, %get3A_532] {strides = array<i32>} : memref<80x128xf32, #tpu.memory_space<vmem>>, vector<1x16xf32>,
        %get3A_534 = vector.shape_cast %get3A_533 : vector<1x16xf32> to vector<16xf32>
        %add3A_535 = arith.addf %get3A_528, %get3A_534 : vector<16xf32>
        %max3A_536 = arith.constant 0.000000e+00 : f32
        %max3A_537 = vector.broadcast %max3A_536 : f32 to vector<16xf32>
        %max3A_538 = arith.maximumf %add3A_535, %max3A_537 : vector<16xf32>
        %add3A_539 = arith.constant 1 : i32
        %add3A_540 = arith.addi %mul3A_318, %add3A_539 : i32
        %swap3A_541 = arith.index_cast %add3A_540 : i32 to index
        %swap3A_542 = arith.constant 16 : index
        %swap3A_543 = tpu.vector_load %arg15[%swap3A_541, %swap3A_542] {strides = array<i32>} : memref<80x128xf32, #tpu.memory_space<vmem>>, vector<1x16xf32>,
        %swap3A_544 = vector.shape_cast %swap3A_543 : vector<1x16xf32> to vector<16xf32>
        %swap3A_545 = vector.shape_cast %max3A_538 : vector<16xf32> to vector<1x16xf32>
        tpu.vector_store %arg15[%swap3A_541, %swap3A_542], %swap3A_545 {strides = array<i32>} : memref<80x128xf32, #tpu.memory_space<vmem>>, vector<1x16xf32>,
        %add3A_546 = arith.constant 1 : i32
        %add3A_547 = arith.addi %mul3A_318, %add3A_546 : i32
        %get3A_548 = arith.index_cast %add3A_547 : i32 to index
        %get3A_549 = arith.constant 32 : index
        %get3A_550 = tpu.vector_load %arg13[%get3A_548, %get3A_549] {strides = array<i32>} : memref<80x128xf32, #tpu.memory_space<vmem>>, vector<1x16xf32>,
        %get3A_551 = vector.shape_cast %get3A_550 : vector<1x16xf32> to vector<16xf32>
        %add3A_552 = arith.constant 1 : i32
        %add3A_553 = arith.addi %mul3A_318, %add3A_552 : i32
        %get3A_554 = arith.index_cast %add3A_553 : i32 to index
        %get3A_555 = arith.constant 32 : index
        %get3A_556 = tpu.vector_load %arg15[%get3A_554, %get3A_555] {strides = array<i32>} : memref<80x128xf32, #tpu.memory_space<vmem>>, vector<1x16xf32>,
        %get3A_557 = vector.shape_cast %get3A_556 : vector<1x16xf32> to vector<16xf32>
        %add3A_558 = arith.addf %get3A_551, %get3A_557 : vector<16xf32>
        %max3A_559 = arith.constant 0.000000e+00 : f32
        %max3A_560 = vector.broadcast %max3A_559 : f32 to vector<16xf32>
        %max3A_561 = arith.maximumf %add3A_558, %max3A_560 : vector<16xf32>
        %add3A_562 = arith.constant 1 : i32
        %add3A_563 = arith.addi %mul3A_318, %add3A_562 : i32
        %swap3A_564 = arith.index_cast %add3A_563 : i32 to index
        %swap3A_565 = arith.constant 32 : index
        %swap3A_566 = tpu.vector_load %arg15[%swap3A_564, %swap3A_565] {strides = array<i32>} : memref<80x128xf32, #tpu.memory_space<vmem>>, vector<1x16xf32>,
        %swap3A_567 = vector.shape_cast %swap3A_566 : vector<1x16xf32> to vector<16xf32>
        %swap3A_568 = vector.shape_cast %max3A_561 : vector<16xf32> to vector<1x16xf32>
        tpu.vector_store %arg15[%swap3A_564, %swap3A_565], %swap3A_568 {strides = array<i32>} : memref<80x128xf32, #tpu.memory_space<vmem>>, vector<1x16xf32>,
        %add3A_569 = arith.constant 1 : i32
        %add3A_570 = arith.addi %mul3A_318, %add3A_569 : i32
        %get3A_571 = arith.index_cast %add3A_570 : i32 to index
        %get3A_572 = arith.constant 48 : index
        %get3A_573 = tpu.vector_load %arg13[%get3A_571, %get3A_572] {strides = array<i32>} : memref<80x128xf32, #tpu.memory_space<vmem>>, vector<1x16xf32>,
        %get3A_574 = vector.shape_cast %get3A_573 : vector<1x16xf32> to vector<16xf32>
        %add3A_575 = arith.constant 1 : i32
        %add3A_576 = arith.addi %mul3A_318, %add3A_575 : i32
        %get3A_577 = arith.index_cast %add3A_576 : i32 to index
        %get3A_578 = arith.constant 48 : index
        %get3A_579 = tpu.vector_load %arg15[%get3A_577, %get3A_578] {strides = array<i32>} : memref<80x128xf32, #tpu.memory_space<vmem>>, vector<1x16xf32>,
        %get3A_580 = vector.shape_cast %get3A_579 : vector<1x16xf32> to vector<16xf32>
        %add3A_581 = arith.addf %get3A_574, %get3A_580 : vector<16xf32>
        %max3A_582 = arith.constant 0.000000e+00 : f32
        %max3A_583 = vector.broadcast %max3A_582 : f32 to vector<16xf32>
        %max3A_584 = arith.maximumf %add3A_581, %max3A_583 : vector<16xf32>
        %add3A_585 = arith.constant 1 : i32
        %add3A_586 = arith.addi %mul3A_318, %add3A_585 : i32
        %swap3A_587 = arith.index_cast %add3A_586 : i32 to index
        %swap3A_588 = arith.constant 48 : index
        %swap3A_589 = tpu.vector_load %arg15[%swap3A_587, %swap3A_588] {strides = array<i32>} : memref<80x128xf32, #tpu.memory_space<vmem>>, vector<1x16xf32>,
        %swap3A_590 = vector.shape_cast %swap3A_589 : vector<1x16xf32> to vector<16xf32>
        %swap3A_591 = vector.shape_cast %max3A_584 : vector<16xf32> to vector<1x16xf32>
        tpu.vector_store %arg15[%swap3A_587, %swap3A_588], %swap3A_591 {strides = array<i32>} : memref<80x128xf32, #tpu.memory_space<vmem>>, vector<1x16xf32>,
        %add3A_592 = arith.constant 1 : i32
        %add3A_593 = arith.addi %mul3A_318, %add3A_592 : i32
        %get3A_594 = arith.index_cast %add3A_593 : i32 to index
        %get3A_595 = arith.constant 64 : index
        %get3A_596 = tpu.vector_load %arg13[%get3A_594, %get3A_595] {strides = array<i32>} : memref<80x128xf32, #tpu.memory_space<vmem>>, vector<1x16xf32>,
        %get3A_597 = vector.shape_cast %get3A_596 : vector<1x16xf32> to vector<16xf32>
        %add3A_598 = arith.constant 1 : i32
        %add3A_599 = arith.addi %mul3A_318, %add3A_598 : i32
        %get3A_600 = arith.index_cast %add3A_599 : i32 to index
        %get3A_601 = arith.constant 64 : index
        %get3A_602 = tpu.vector_load %arg15[%get3A_600, %get3A_601] {strides = array<i32>} : memref<80x128xf32, #tpu.memory_space<vmem>>, vector<1x16xf32>,
        %get3A_603 = vector.shape_cast %get3A_602 : vector<1x16xf32> to vector<16xf32>
        %add3A_604 = arith.addf %get3A_597, %get3A_603 : vector<16xf32>
        %max3A_605 = arith.constant 0.000000e+00 : f32
        %max3A_606 = vector.broadcast %max3A_605 : f32 to vector<16xf32>
        %max3A_607 = arith.maximumf %add3A_604, %max3A_606 : vector<16xf32>
        %add3A_608 = arith.constant 1 : i32
        %add3A_609 = arith.addi %mul3A_318, %add3A_608 : i32
        %swap3A_610 = arith.index_cast %add3A_609 : i32 to index
        %swap3A_611 = arith.constant 64 : index
        %swap3A_612 = tpu.vector_load %arg15[%swap3A_610, %swap3A_611] {strides = array<i32>} : memref<80x128xf32, #tpu.memory_space<vmem>>, vector<1x16xf32>,
        %swap3A_613 = vector.shape_cast %swap3A_612 : vector<1x16xf32> to vector<16xf32>
        %swap3A_614 = vector.shape_cast %max3A_607 : vector<16xf32> to vector<1x16xf32>
        tpu.vector_store %arg15[%swap3A_610, %swap3A_611], %swap3A_614 {strides = array<i32>} : memref<80x128xf32, #tpu.memory_space<vmem>>, vector<1x16xf32>,
        %add3A_615 = arith.constant 1 : i32
        %add3A_616 = arith.addi %mul3A_318, %add3A_615 : i32
        %get3A_617 = arith.index_cast %add3A_616 : i32 to index
        %get3A_618 = arith.constant 80 : index
        %get3A_619 = tpu.vector_load %arg13[%get3A_617, %get3A_618] {strides = array<i32>} : memref<80x128xf32, #tpu.memory_space<vmem>>, vector<1x16xf32>,
        %get3A_620 = vector.shape_cast %get3A_619 : vector<1x16xf32> to vector<16xf32>
        %add3A_621 = arith.constant 1 : i32
        %add3A_622 = arith.addi %mul3A_318, %add3A_621 : i32
        %get3A_623 = arith.index_cast %add3A_622 : i32 to index
        %get3A_624 = arith.constant 80 : index
        %get3A_625 = tpu.vector_load %arg15[%get3A_623, %get3A_624] {strides = array<i32>} : memref<80x128xf32, #tpu.memory_space<vmem>>, vector<1x16xf32>,
        %get3A_626 = vector.shape_cast %get3A_625 : vector<1x16xf32> to vector<16xf32>
        %add3A_627 = arith.addf %get3A_620, %get3A_626 : vector<16xf32>
        %max3A_628 = arith.constant 0.000000e+00 : f32
        %max3A_629 = vector.broadcast %max3A_628 : f32 to vector<16xf32>
        %max3A_630 = arith.maximumf %add3A_627, %max3A_629 : vector<16xf32>
        %add3A_631 = arith.constant 1 : i32
        %add3A_632 = arith.addi %mul3A_318, %add3A_631 : i32
        %swap3A_633 = arith.index_cast %add3A_632 : i32 to index
        %swap3A_634 = arith.constant 80 : index
        %swap3A_635 = tpu.vector_load %arg15[%swap3A_633, %swap3A_634] {strides = array<i32>} : memref<80x128xf32, #tpu.memory_space<vmem>>, vector<1x16xf32>,
        %swap3A_636 = vector.shape_cast %swap3A_635 : vector<1x16xf32> to vector<16xf32>
        %swap3A_637 = vector.shape_cast %max3A_630 : vector<16xf32> to vector<1x16xf32>
        tpu.vector_store %arg15[%swap3A_633, %swap3A_634], %swap3A_637 {strides = array<i32>} : memref<80x128xf32, #tpu.memory_space<vmem>>, vector<1x16xf32>,
        %add3A_638 = arith.constant 1 : i32
        %add3A_639 = arith.addi %mul3A_318, %add3A_638 : i32
        %get3A_640 = arith.index_cast %add3A_639 : i32 to index
        %get3A_641 = arith.constant 96 : index
        %get3A_642 = tpu.vector_load %arg13[%get3A_640, %get3A_641] {strides = array<i32>} : memref<80x128xf32, #tpu.memory_space<vmem>>, vector<1x16xf32>,
        %get3A_643 = vector.shape_cast %get3A_642 : vector<1x16xf32> to vector<16xf32>
        %add3A_644 = arith.constant 1 : i32
        %add3A_645 = arith.addi %mul3A_318, %add3A_644 : i32
        %get3A_646 = arith.index_cast %add3A_645 : i32 to index
        %get3A_647 = arith.constant 96 : index
        %get3A_648 = tpu.vector_load %arg15[%get3A_646, %get3A_647] {strides = array<i32>} : memref<80x128xf32, #tpu.memory_space<vmem>>, vector<1x16xf32>,
        %get3A_649 = vector.shape_cast %get3A_648 : vector<1x16xf32> to vector<16xf32>
        %add3A_650 = arith.addf %get3A_643, %get3A_649 : vector<16xf32>
        %max3A_651 = arith.constant 0.000000e+00 : f32
        %max3A_652 = vector.broadcast %max3A_651 : f32 to vector<16xf32>
        %max3A_653 = arith.maximumf %add3A_650, %max3A_652 : vector<16xf32>
        %add3A_654 = arith.constant 1 : i32
        %add3A_655 = arith.addi %mul3A_318, %add3A_654 : i32
        %swap3A_656 = arith.index_cast %add3A_655 : i32 to index
        %swap3A_657 = arith.constant 96 : index
        %swap3A_658 = tpu.vector_load %arg15[%swap3A_656, %swap3A_657] {strides = array<i32>} : memref<80x128xf32, #tpu.memory_space<vmem>>, vector<1x16xf32>,
        %swap3A_659 = vector.shape_cast %swap3A_658 : vector<1x16xf32> to vector<16xf32>
        %swap3A_660 = vector.shape_cast %max3A_653 : vector<16xf32> to vector<1x16xf32>
        tpu.vector_store %arg15[%swap3A_656, %swap3A_657], %swap3A_660 {strides = array<i32>} : memref<80x128xf32, #tpu.memory_space<vmem>>, vector<1x16xf32>,
        %add3A_661 = arith.constant 1 : i32
        %add3A_662 = arith.addi %mul3A_318, %add3A_661 : i32
        %get3A_663 = arith.index_cast %add3A_662 : i32 to index
        %get3A_664 = arith.constant 112 : index
        %get3A_665 = tpu.vector_load %arg13[%get3A_663, %get3A_664] {strides = array<i32>} : memref<80x128xf32, #tpu.memory_space<vmem>>, vector<1x16xf32>,
        %get3A_666 = vector.shape_cast %get3A_665 : vector<1x16xf32> to vector<16xf32>
        %add3A_667 = arith.constant 1 : i32
        %add3A_668 = arith.addi %mul3A_318, %add3A_667 : i32
        %get3A_669 = arith.index_cast %add3A_668 : i32 to index
        %get3A_670 = arith.constant 112 : index
        %get3A_671 = tpu.vector_load %arg15[%get3A_669, %get3A_670] {strides = array<i32>} : memref<80x128xf32, #tpu.memory_space<vmem>>, vector<1x16xf32>,
        %get3A_672 = vector.shape_cast %get3A_671 : vector<1x16xf32> to vector<16xf32>
        %add3A_673 = arith.addf %get3A_666, %get3A_672 : vector<16xf32>
        %max3A_674 = arith.constant 0.000000e+00 : f32
        %max3A_675 = vector.broadcast %max3A_674 : f32 to vector<16xf32>
        %max3A_676 = arith.maximumf %add3A_673, %max3A_675 : vector<16xf32>
        %add3A_677 = arith.constant 1 : i32
        %add3A_678 = arith.addi %mul3A_318, %add3A_677 : i32
        %swap3A_679 = arith.index_cast %add3A_678 : i32 to index
        %swap3A_680 = arith.constant 112 : index
        %swap3A_681 = tpu.vector_load %arg15[%swap3A_679, %swap3A_680] {strides = array<i32>} : memref<80x128xf32, #tpu.memory_space<vmem>>, vector<1x16xf32>,
        %swap3A_682 = vector.shape_cast %swap3A_681 : vector<1x16xf32> to vector<16xf32>
        %swap3A_683 = vector.shape_cast %max3A_676 : vector<16xf32> to vector<1x16xf32>
        tpu.vector_store %arg15[%swap3A_679, %swap3A_680], %swap3A_683 {strides = array<i32>} : memref<80x128xf32, #tpu.memory_space<vmem>>, vector<1x16xf32>,
      }
      %scan3A_150 = arith.constant 40 : i32
      %dma_start3A_151 = arith.constant 0 : i32
      %dma_start3A_152 = arith.constant 0 : i32
      %dma_start3A_153 = tpu.memref_slice %arg18[%dma_start3A_151, %dma_start3A_152] : memref<10000x128xf32, #tpu.memory_space<vmem_shared>> -> memref<10000x128xf32, #tpu.memory_space<vmem_shared>>
      tpu.enqueue_indirect_dma source(%arg15 : memref<80x128xf32, #tpu.memory_space<vmem>>) target(%dma_start3A_153 : memref<10000x128xf32, #tpu.memory_space<vmem_shared>>) offsets(%arg9 : memref<80xi32, #tpu.memory_space<vmem>>) semaphore(%arg29 : memref<!tpu.dma_semaphore, #tpu.memory_space<semaphore_mem>>) {add = true}
      %mul3A_154 = arith.constant 4 : i32
      %mul3A_155 = arith.muli %mul3A_154, %scan3A_101 : i32
      %add3A_156 = arith.constant 1 : i32
      %add3A_157 = arith.addi %mul3A_155, %add3A_156 : i32
      %dma_wait3A_158 = arith.constant 0 : i32
      %dma_wait3A_159 = tpu.memref_slice %arg3[%dma_wait3A_158] : memref<320000xi32, #tpu.memory_space<hbm>> -> memref<80xi32, #tpu.memory_space<hbm>>
      %dma_wait3A_160 = arith.constant 0 : i32
      %dma_wait3A_161 = tpu.memref_slice %arg3[%dma_wait3A_160] : memref<320000xi32, #tpu.memory_space<hbm>> -> memref<80xi32, #tpu.memory_space<hbm>>
      tpu.wait_dma2 semaphore(%arg19 : memref<!tpu.dma_semaphore, #tpu.memory_space<semaphore_mem>>) src(%dma_wait3A_161 : memref<80xi32, #tpu.memory_space<hbm>>) dst(%arg7 : memref<80xi32, #tpu.memory_space<vmem>>)
      %dma_wait3A_162 = arith.constant 0 : i32
      %dma_wait3A_163 = tpu.memref_slice %arg4[%dma_wait3A_162] : memref<320000xi32, #tpu.memory_space<hbm>> -> memref<80xi32, #tpu.memory_space<hbm>>
      %dma_wait3A_164 = arith.constant 0 : i32
      %dma_wait3A_165 = tpu.memref_slice %arg4[%dma_wait3A_164] : memref<320000xi32, #tpu.memory_space<hbm>> -> memref<80xi32, #tpu.memory_space<hbm>>
      tpu.wait_dma2 semaphore(%arg23 : memref<!tpu.dma_semaphore, #tpu.memory_space<semaphore_mem>>) src(%dma_wait3A_165 : memref<80xi32, #tpu.memory_space<hbm>>) dst(%arg11 : memref<80xi32, #tpu.memory_space<vmem>>)
      %dma_start3A_166 = arith.constant 0 : i32
      %dma_start3A_167 = arith.constant 0 : i32
      %dma_start3A_168 = tpu.memref_slice %arg2[%dma_start3A_166, %dma_start3A_167] : memref<10000x128xf32, #tpu.memory_space<hbm>> -> memref<10000x128xf32, #tpu.memory_space<hbm>>
      tpu.enqueue_indirect_dma source(%dma_start3A_168 : memref<10000x128xf32, #tpu.memory_space<hbm>>) target(%arg13 : memref<80x128xf32, #tpu.memory_space<vmem>>) offsets(%arg7 : memref<80xi32, #tpu.memory_space<vmem>>) semaphore(%arg25 : memref<!tpu.dma_semaphore, #tpu.memory_space<semaphore_mem>>)
      %ge3A_169 = arith.constant 1 : i32
      %ge3A_170 = arith.cmpi sge, %add3A_157, %ge3A_169 : i32
      %convert_element_type3A_171 = arith.extui %ge3A_170 : i1 to i32
      %cond3A_172 = arith.constant 0 : i32
      %cond3A_173 = arith.cmpi ne, %convert_element_type3A_171, %cond3A_172 : i32
      scf.if %cond3A_173 {
        %dma_wait3A_316 = arith.constant 0 : i32
        %dma_wait3A_317 = arith.constant 0 : i32
        %dma_wait3A_318 = tpu.memref_slice %arg18[%dma_wait3A_316, %dma_wait3A_317] : memref<10000x128xf32, #tpu.memory_space<vmem_shared>> -> memref<10000x128xf32, #tpu.memory_space<vmem_shared>>
        tpu.wait_indirect_dma semaphore(%arg29 : memref<!tpu.dma_semaphore, #tpu.memory_space<semaphore_mem>>) src(%arg15 : memref<80x128xf32, #tpu.memory_space<vmem>>) dst(%dma_wait3A_318 : memref<10000x128xf32, #tpu.memory_space<vmem_shared>>)
      } else {
      }
      %add3A_174 = arith.constant 1 : i32
      %add3A_175 = arith.addi %add3A_157, %add3A_174 : i32
      %mul3A_176 = arith.constant 80 : i32
      %mul3A_177 = arith.muli %add3A_175, %mul3A_176 : i32
      %add3A_178 = arith.addi %mul3A_37, %mul3A_177 : i32
      %dma_start3A_179 = arith.constant 0 : i32
      %dma_start3A_180 = tpu.memref_slice %arg5[%add3A_178, %dma_start3A_179] : memref<320000x128xf32, #tpu.memory_space<hbm>> -> memref<80x128xf32, #tpu.memory_space<hbm>>
      %dma_start3A_181 = arith.constant 0 : i32
      %dma_start3A_182 = tpu.memref_slice %arg5[%add3A_178, %dma_start3A_181] : memref<320000x128xf32, #tpu.memory_space<hbm>> -> memref<80x128xf32, #tpu.memory_space<hbm>>
      tpu.enqueue_dma source(%dma_start3A_182 : memref<80x128xf32, #tpu.memory_space<hbm>>) target(%arg15 : memref<80x128xf32, #tpu.memory_space<vmem>>) target_semaphore(%arg27 : memref<!tpu.dma_semaphore, #tpu.memory_space<semaphore_mem>>)
      %dma_wait3A_183 = arith.constant 0 : i32
      %dma_wait3A_184 = arith.constant 0 : i32
      %dma_wait3A_185 = tpu.memref_slice %arg2[%dma_wait3A_183, %dma_wait3A_184] : memref<10000x128xf32, #tpu.memory_space<hbm>> -> memref<10000x128xf32, #tpu.memory_space<hbm>>
      tpu.wait_indirect_dma semaphore(%arg26 : memref<!tpu.dma_semaphore, #tpu.memory_space<semaphore_mem>>) src(%dma_wait3A_185 : memref<10000x128xf32, #tpu.memory_space<hbm>>) dst(%arg14 : memref<80x128xf32, #tpu.memory_space<vmem>>)
      %dma_wait3A_186 = arith.constant 0 : i32
      %dma_wait3A_187 = arith.constant 0 : i32
      %dma_wait3A_188 = tpu.memref_slice %arg5[%dma_wait3A_186, %dma_wait3A_187] : memref<320000x128xf32, #tpu.memory_space<hbm>> -> memref<80x128xf32, #tpu.memory_space<hbm>>
      %dma_wait3A_189 = arith.constant 0 : i32
      %dma_wait3A_190 = arith.constant 0 : i32
      %dma_wait3A_191 = tpu.memref_slice %arg5[%dma_wait3A_189, %dma_wait3A_190] : memref<320000x128xf32, #tpu.memory_space<hbm>> -> memref<80x128xf32, #tpu.memory_space<hbm>>
      tpu.wait_dma2 semaphore(%arg28 : memref<!tpu.dma_semaphore, #tpu.memory_space<semaphore_mem>>) src(%dma_wait3A_191 : memref<80x128xf32, #tpu.memory_space<hbm>>) dst(%arg16 : memref<80x128xf32, #tpu.memory_space<vmem>>)
      %add3A_192 = arith.constant 2 : i32
      %add3A_193 = arith.addi %add3A_157, %add3A_192 : i32
      %lt3A_194 = arith.constant 125 : i32
      %lt3A_195 = arith.cmpi slt, %add3A_193, %lt3A_194 : i32
      %convert_element_type3A_196 = arith.extui %lt3A_195 : i1 to i32
      %cond3A_197 = arith.constant 0 : i32
      %cond3A_198 = arith.cmpi ne, %convert_element_type3A_196, %cond3A_197 : i32
      scf.if %cond3A_198 {
        %add3A_316 = arith.constant 2 : i32
        %add3A_317 = arith.addi %add3A_157, %add3A_316 : i32
        %mul3A_318 = arith.constant 80 : i32
        %mul3A_319 = arith.muli %add3A_317, %mul3A_318 : i32
        %add3A_320 = arith.addi %mul3A_37, %mul3A_319 : i32
        %dma_start3A_321 = tpu.memref_slice %arg3[%add3A_320] : memref<320000xi32, #tpu.memory_space<hbm>> -> memref<80xi32, #tpu.memory_space<hbm>>
        %dma_start3A_322 = tpu.memref_slice %arg3[%add3A_320] : memref<320000xi32, #tpu.memory_space<hbm>> -> memref<80xi32, #tpu.memory_space<hbm>>
        tpu.enqueue_dma source(%dma_start3A_322 : memref<80xi32, #tpu.memory_space<hbm>>) target(%arg8 : memref<80xi32, #tpu.memory_space<vmem>>) target_semaphore(%arg20 : memref<!tpu.dma_semaphore, #tpu.memory_space<semaphore_mem>>)
        %dma_start3A_323 = tpu.memref_slice %arg4[%add3A_320] : memref<320000xi32, #tpu.memory_space<hbm>> -> memref<80xi32, #tpu.memory_space<hbm>>
        %dma_start3A_324 = tpu.memref_slice %arg4[%add3A_320] : memref<320000xi32, #tpu.memory_space<hbm>> -> memref<80xi32, #tpu.memory_space<hbm>>
        tpu.enqueue_dma source(%dma_start3A_324 : memref<80xi32, #tpu.memory_space<hbm>>) target(%arg12 : memref<80xi32, #tpu.memory_space<vmem>>) target_semaphore(%arg24 : memref<!tpu.dma_semaphore, #tpu.memory_space<semaphore_mem>>)
      } else {
      }
      %scan3A_199 = arith.constant 0 : i32
      %scan3A_200 = arith.constant 0 : i32
      %scan3A_201 = arith.constant 40 : i32
      %scan3A_202 = arith.addi %scan3A_200, %scan3A_201 : i32
      %scan3A_203 = arith.constant 1 : i32
      scf.for %scan3A_316 = %scan3A_200 to %scan3A_202 step %scan3A_203  : i32 {
        %mul3A_317 = arith.constant 2 : i32
        %mul3A_318 = arith.muli %mul3A_317, %scan3A_316 : i32
        %add3A_319 = arith.constant 0 : i32
        %add3A_320 = arith.addi %mul3A_318, %add3A_319 : i32
        %get3A = arith.index_cast %add3A_320 : i32 to index
        %get3A_321 = arith.constant 0 : index
        %get3A_322 = tpu.vector_load %arg14[%get3A, %get3A_321] {strides = array<i32>} : memref<80x128xf32, #tpu.memory_space<vmem>>, vector<1x16xf32>,
        %get3A_323 = vector.shape_cast %get3A_322 : vector<1x16xf32> to vector<16xf32>
        %add3A_324 = arith.constant 0 : i32
        %add3A_325 = arith.addi %mul3A_318, %add3A_324 : i32
        %get3A_326 = arith.index_cast %add3A_325 : i32 to index
        %get3A_327 = arith.constant 0 : index
        %get3A_328 = tpu.vector_load %arg16[%get3A_326, %get3A_327] {strides = array<i32>} : memref<80x128xf32, #tpu.memory_space<vmem>>, vector<1x16xf32>,
        %get3A_329 = vector.shape_cast %get3A_328 : vector<1x16xf32> to vector<16xf32>
        %add3A_330 = arith.addf %get3A_323, %get3A_329 : vector<16xf32>
        %max3A = arith.constant 0.000000e+00 : f32
        %max3A_331 = vector.broadcast %max3A : f32 to vector<16xf32>
        %max3A_332 = arith.maximumf %add3A_330, %max3A_331 : vector<16xf32>
        %add3A_333 = arith.constant 0 : i32
        %add3A_334 = arith.addi %mul3A_318, %add3A_333 : i32
        %swap3A = arith.index_cast %add3A_334 : i32 to index
        %swap3A_335 = arith.constant 0 : index
        %swap3A_336 = tpu.vector_load %arg16[%swap3A, %swap3A_335] {strides = array<i32>} : memref<80x128xf32, #tpu.memory_space<vmem>>, vector<1x16xf32>,
        %swap3A_337 = vector.shape_cast %swap3A_336 : vector<1x16xf32> to vector<16xf32>
        %swap3A_338 = vector.shape_cast %max3A_332 : vector<16xf32> to vector<1x16xf32>
        tpu.vector_store %arg16[%swap3A, %swap3A_335], %swap3A_338 {strides = array<i32>} : memref<80x128xf32, #tpu.memory_space<vmem>>, vector<1x16xf32>,
        %add3A_339 = arith.constant 0 : i32
        %add3A_340 = arith.addi %mul3A_318, %add3A_339 : i32
        %get3A_341 = arith.index_cast %add3A_340 : i32 to index
        %get3A_342 = arith.constant 16 : index
        %get3A_343 = tpu.vector_load %arg14[%get3A_341, %get3A_342] {strides = array<i32>} : memref<80x128xf32, #tpu.memory_space<vmem>>, vector<1x16xf32>,
        %get3A_344 = vector.shape_cast %get3A_343 : vector<1x16xf32> to vector<16xf32>
        %add3A_345 = arith.constant 0 : i32
        %add3A_346 = arith.addi %mul3A_318, %add3A_345 : i32
        %get3A_347 = arith.index_cast %add3A_346 : i32 to index
        %get3A_348 = arith.constant 16 : index
        %get3A_349 = tpu.vector_load %arg16[%get3A_347, %get3A_348] {strides = array<i32>} : memref<80x128xf32, #tpu.memory_space<vmem>>, vector<1x16xf32>,
        %get3A_350 = vector.shape_cast %get3A_349 : vector<1x16xf32> to vector<16xf32>
        %add3A_351 = arith.addf %get3A_344, %get3A_350 : vector<16xf32>
        %max3A_352 = arith.constant 0.000000e+00 : f32
        %max3A_353 = vector.broadcast %max3A_352 : f32 to vector<16xf32>
        %max3A_354 = arith.maximumf %add3A_351, %max3A_353 : vector<16xf32>
        %add3A_355 = arith.constant 0 : i32
        %add3A_356 = arith.addi %mul3A_318, %add3A_355 : i32
        %swap3A_357 = arith.index_cast %add3A_356 : i32 to index
        %swap3A_358 = arith.constant 16 : index
        %swap3A_359 = tpu.vector_load %arg16[%swap3A_357, %swap3A_358] {strides = array<i32>} : memref<80x128xf32, #tpu.memory_space<vmem>>, vector<1x16xf32>,
        %swap3A_360 = vector.shape_cast %swap3A_359 : vector<1x16xf32> to vector<16xf32>
        %swap3A_361 = vector.shape_cast %max3A_354 : vector<16xf32> to vector<1x16xf32>
        tpu.vector_store %arg16[%swap3A_357, %swap3A_358], %swap3A_361 {strides = array<i32>} : memref<80x128xf32, #tpu.memory_space<vmem>>, vector<1x16xf32>,
        %add3A_362 = arith.constant 0 : i32
        %add3A_363 = arith.addi %mul3A_318, %add3A_362 : i32
        %get3A_364 = arith.index_cast %add3A_363 : i32 to index
        %get3A_365 = arith.constant 32 : index
        %get3A_366 = tpu.vector_load %arg14[%get3A_364, %get3A_365] {strides = array<i32>} : memref<80x128xf32, #tpu.memory_space<vmem>>, vector<1x16xf32>,
        %get3A_367 = vector.shape_cast %get3A_366 : vector<1x16xf32> to vector<16xf32>
        %add3A_368 = arith.constant 0 : i32
        %add3A_369 = arith.addi %mul3A_318, %add3A_368 : i32
        %get3A_370 = arith.index_cast %add3A_369 : i32 to index
        %get3A_371 = arith.constant 32 : index
        %get3A_372 = tpu.vector_load %arg16[%get3A_370, %get3A_371] {strides = array<i32>} : memref<80x128xf32, #tpu.memory_space<vmem>>, vector<1x16xf32>,
        %get3A_373 = vector.shape_cast %get3A_372 : vector<1x16xf32> to vector<16xf32>
        %add3A_374 = arith.addf %get3A_367, %get3A_373 : vector<16xf32>
        %max3A_375 = arith.constant 0.000000e+00 : f32
        %max3A_376 = vector.broadcast %max3A_375 : f32 to vector<16xf32>
        %max3A_377 = arith.maximumf %add3A_374, %max3A_376 : vector<16xf32>
        %add3A_378 = arith.constant 0 : i32
        %add3A_379 = arith.addi %mul3A_318, %add3A_378 : i32
        %swap3A_380 = arith.index_cast %add3A_379 : i32 to index
        %swap3A_381 = arith.constant 32 : index
        %swap3A_382 = tpu.vector_load %arg16[%swap3A_380, %swap3A_381] {strides = array<i32>} : memref<80x128xf32, #tpu.memory_space<vmem>>, vector<1x16xf32>,
        %swap3A_383 = vector.shape_cast %swap3A_382 : vector<1x16xf32> to vector<16xf32>
        %swap3A_384 = vector.shape_cast %max3A_377 : vector<16xf32> to vector<1x16xf32>
        tpu.vector_store %arg16[%swap3A_380, %swap3A_381], %swap3A_384 {strides = array<i32>} : memref<80x128xf32, #tpu.memory_space<vmem>>, vector<1x16xf32>,
        %add3A_385 = arith.constant 0 : i32
        %add3A_386 = arith.addi %mul3A_318, %add3A_385 : i32
        %get3A_387 = arith.index_cast %add3A_386 : i32 to index
        %get3A_388 = arith.constant 48 : index
        %get3A_389 = tpu.vector_load %arg14[%get3A_387, %get3A_388] {strides = array<i32>} : memref<80x128xf32, #tpu.memory_space<vmem>>, vector<1x16xf32>,
        %get3A_390 = vector.shape_cast %get3A_389 : vector<1x16xf32> to vector<16xf32>
        %add3A_391 = arith.constant 0 : i32
        %add3A_392 = arith.addi %mul3A_318, %add3A_391 : i32
        %get3A_393 = arith.index_cast %add3A_392 : i32 to index
        %get3A_394 = arith.constant 48 : index
        %get3A_395 = tpu.vector_load %arg16[%get3A_393, %get3A_394] {strides = array<i32>} : memref<80x128xf32, #tpu.memory_space<vmem>>, vector<1x16xf32>,
        %get3A_396 = vector.shape_cast %get3A_395 : vector<1x16xf32> to vector<16xf32>
        %add3A_397 = arith.addf %get3A_390, %get3A_396 : vector<16xf32>
        %max3A_398 = arith.constant 0.000000e+00 : f32
        %max3A_399 = vector.broadcast %max3A_398 : f32 to vector<16xf32>
        %max3A_400 = arith.maximumf %add3A_397, %max3A_399 : vector<16xf32>
        %add3A_401 = arith.constant 0 : i32
        %add3A_402 = arith.addi %mul3A_318, %add3A_401 : i32
        %swap3A_403 = arith.index_cast %add3A_402 : i32 to index
        %swap3A_404 = arith.constant 48 : index
        %swap3A_405 = tpu.vector_load %arg16[%swap3A_403, %swap3A_404] {strides = array<i32>} : memref<80x128xf32, #tpu.memory_space<vmem>>, vector<1x16xf32>,
        %swap3A_406 = vector.shape_cast %swap3A_405 : vector<1x16xf32> to vector<16xf32>
        %swap3A_407 = vector.shape_cast %max3A_400 : vector<16xf32> to vector<1x16xf32>
        tpu.vector_store %arg16[%swap3A_403, %swap3A_404], %swap3A_407 {strides = array<i32>} : memref<80x128xf32, #tpu.memory_space<vmem>>, vector<1x16xf32>,
        %add3A_408 = arith.constant 0 : i32
        %add3A_409 = arith.addi %mul3A_318, %add3A_408 : i32
        %get3A_410 = arith.index_cast %add3A_409 : i32 to index
        %get3A_411 = arith.constant 64 : index
        %get3A_412 = tpu.vector_load %arg14[%get3A_410, %get3A_411] {strides = array<i32>} : memref<80x128xf32, #tpu.memory_space<vmem>>, vector<1x16xf32>,
        %get3A_413 = vector.shape_cast %get3A_412 : vector<1x16xf32> to vector<16xf32>
        %add3A_414 = arith.constant 0 : i32
        %add3A_415 = arith.addi %mul3A_318, %add3A_414 : i32
        %get3A_416 = arith.index_cast %add3A_415 : i32 to index
        %get3A_417 = arith.constant 64 : index
        %get3A_418 = tpu.vector_load %arg16[%get3A_416, %get3A_417] {strides = array<i32>} : memref<80x128xf32, #tpu.memory_space<vmem>>, vector<1x16xf32>,
        %get3A_419 = vector.shape_cast %get3A_418 : vector<1x16xf32> to vector<16xf32>
        %add3A_420 = arith.addf %get3A_413, %get3A_419 : vector<16xf32>
        %max3A_421 = arith.constant 0.000000e+00 : f32
        %max3A_422 = vector.broadcast %max3A_421 : f32 to vector<16xf32>
        %max3A_423 = arith.maximumf %add3A_420, %max3A_422 : vector<16xf32>
        %add3A_424 = arith.constant 0 : i32
        %add3A_425 = arith.addi %mul3A_318, %add3A_424 : i32
        %swap3A_426 = arith.index_cast %add3A_425 : i32 to index
        %swap3A_427 = arith.constant 64 : index
        %swap3A_428 = tpu.vector_load %arg16[%swap3A_426, %swap3A_427] {strides = array<i32>} : memref<80x128xf32, #tpu.memory_space<vmem>>, vector<1x16xf32>,
        %swap3A_429 = vector.shape_cast %swap3A_428 : vector<1x16xf32> to vector<16xf32>
        %swap3A_430 = vector.shape_cast %max3A_423 : vector<16xf32> to vector<1x16xf32>
        tpu.vector_store %arg16[%swap3A_426, %swap3A_427], %swap3A_430 {strides = array<i32>} : memref<80x128xf32, #tpu.memory_space<vmem>>, vector<1x16xf32>,
        %add3A_431 = arith.constant 0 : i32
        %add3A_432 = arith.addi %mul3A_318, %add3A_431 : i32
        %get3A_433 = arith.index_cast %add3A_432 : i32 to index
        %get3A_434 = arith.constant 80 : index
        %get3A_435 = tpu.vector_load %arg14[%get3A_433, %get3A_434] {strides = array<i32>} : memref<80x128xf32, #tpu.memory_space<vmem>>, vector<1x16xf32>,
        %get3A_436 = vector.shape_cast %get3A_435 : vector<1x16xf32> to vector<16xf32>
        %add3A_437 = arith.constant 0 : i32
        %add3A_438 = arith.addi %mul3A_318, %add3A_437 : i32
        %get3A_439 = arith.index_cast %add3A_438 : i32 to index
        %get3A_440 = arith.constant 80 : index
        %get3A_441 = tpu.vector_load %arg16[%get3A_439, %get3A_440] {strides = array<i32>} : memref<80x128xf32, #tpu.memory_space<vmem>>, vector<1x16xf32>,
        %get3A_442 = vector.shape_cast %get3A_441 : vector<1x16xf32> to vector<16xf32>
        %add3A_443 = arith.addf %get3A_436, %get3A_442 : vector<16xf32>
        %max3A_444 = arith.constant 0.000000e+00 : f32
        %max3A_445 = vector.broadcast %max3A_444 : f32 to vector<16xf32>
        %max3A_446 = arith.maximumf %add3A_443, %max3A_445 : vector<16xf32>
        %add3A_447 = arith.constant 0 : i32
        %add3A_448 = arith.addi %mul3A_318, %add3A_447 : i32
        %swap3A_449 = arith.index_cast %add3A_448 : i32 to index
        %swap3A_450 = arith.constant 80 : index
        %swap3A_451 = tpu.vector_load %arg16[%swap3A_449, %swap3A_450] {strides = array<i32>} : memref<80x128xf32, #tpu.memory_space<vmem>>, vector<1x16xf32>,
        %swap3A_452 = vector.shape_cast %swap3A_451 : vector<1x16xf32> to vector<16xf32>
        %swap3A_453 = vector.shape_cast %max3A_446 : vector<16xf32> to vector<1x16xf32>
        tpu.vector_store %arg16[%swap3A_449, %swap3A_450], %swap3A_453 {strides = array<i32>} : memref<80x128xf32, #tpu.memory_space<vmem>>, vector<1x16xf32>,
        %add3A_454 = arith.constant 0 : i32
        %add3A_455 = arith.addi %mul3A_318, %add3A_454 : i32
        %get3A_456 = arith.index_cast %add3A_455 : i32 to index
        %get3A_457 = arith.constant 96 : index
        %get3A_458 = tpu.vector_load %arg14[%get3A_456, %get3A_457] {strides = array<i32>} : memref<80x128xf32, #tpu.memory_space<vmem>>, vector<1x16xf32>,
        %get3A_459 = vector.shape_cast %get3A_458 : vector<1x16xf32> to vector<16xf32>
        %add3A_460 = arith.constant 0 : i32
        %add3A_461 = arith.addi %mul3A_318, %add3A_460 : i32
        %get3A_462 = arith.index_cast %add3A_461 : i32 to index
        %get3A_463 = arith.constant 96 : index
        %get3A_464 = tpu.vector_load %arg16[%get3A_462, %get3A_463] {strides = array<i32>} : memref<80x128xf32, #tpu.memory_space<vmem>>, vector<1x16xf32>,
        %get3A_465 = vector.shape_cast %get3A_464 : vector<1x16xf32> to vector<16xf32>
        %add3A_466 = arith.addf %get3A_459, %get3A_465 : vector<16xf32>
        %max3A_467 = arith.constant 0.000000e+00 : f32
        %max3A_468 = vector.broadcast %max3A_467 : f32 to vector<16xf32>
        %max3A_469 = arith.maximumf %add3A_466, %max3A_468 : vector<16xf32>
        %add3A_470 = arith.constant 0 : i32
        %add3A_471 = arith.addi %mul3A_318, %add3A_470 : i32
        %swap3A_472 = arith.index_cast %add3A_471 : i32 to index
        %swap3A_473 = arith.constant 96 : index
        %swap3A_474 = tpu.vector_load %arg16[%swap3A_472, %swap3A_473] {strides = array<i32>} : memref<80x128xf32, #tpu.memory_space<vmem>>, vector<1x16xf32>,
        %swap3A_475 = vector.shape_cast %swap3A_474 : vector<1x16xf32> to vector<16xf32>
        %swap3A_476 = vector.shape_cast %max3A_469 : vector<16xf32> to vector<1x16xf32>
        tpu.vector_store %arg16[%swap3A_472, %swap3A_473], %swap3A_476 {strides = array<i32>} : memref<80x128xf32, #tpu.memory_space<vmem>>, vector<1x16xf32>,
        %add3A_477 = arith.constant 0 : i32
        %add3A_478 = arith.addi %mul3A_318, %add3A_477 : i32
        %get3A_479 = arith.index_cast %add3A_478 : i32 to index
        %get3A_480 = arith.constant 112 : index
        %get3A_481 = tpu.vector_load %arg14[%get3A_479, %get3A_480] {strides = array<i32>} : memref<80x128xf32, #tpu.memory_space<vmem>>, vector<1x16xf32>,
        %get3A_482 = vector.shape_cast %get3A_481 : vector<1x16xf32> to vector<16xf32>
        %add3A_483 = arith.constant 0 : i32
        %add3A_484 = arith.addi %mul3A_318, %add3A_483 : i32
        %get3A_485 = arith.index_cast %add3A_484 : i32 to index
        %get3A_486 = arith.constant 112 : index
        %get3A_487 = tpu.vector_load %arg16[%get3A_485, %get3A_486] {strides = array<i32>} : memref<80x128xf32, #tpu.memory_space<vmem>>, vector<1x16xf32>,
        %get3A_488 = vector.shape_cast %get3A_487 : vector<1x16xf32> to vector<16xf32>
        %add3A_489 = arith.addf %get3A_482, %get3A_488 : vector<16xf32>
        %max3A_490 = arith.constant 0.000000e+00 : f32
        %max3A_491 = vector.broadcast %max3A_490 : f32 to vector<16xf32>
        %max3A_492 = arith.maximumf %add3A_489, %max3A_491 : vector<16xf32>
        %add3A_493 = arith.constant 0 : i32
        %add3A_494 = arith.addi %mul3A_318, %add3A_493 : i32
        %swap3A_495 = arith.index_cast %add3A_494 : i32 to index
        %swap3A_496 = arith.constant 112 : index
        %swap3A_497 = tpu.vector_load %arg16[%swap3A_495, %swap3A_496] {strides = array<i32>} : memref<80x128xf32, #tpu.memory_space<vmem>>, vector<1x16xf32>,
        %swap3A_498 = vector.shape_cast %swap3A_497 : vector<1x16xf32> to vector<16xf32>
        %swap3A_499 = vector.shape_cast %max3A_492 : vector<16xf32> to vector<1x16xf32>
        tpu.vector_store %arg16[%swap3A_495, %swap3A_496], %swap3A_499 {strides = array<i32>} : memref<80x128xf32, #tpu.memory_space<vmem>>, vector<1x16xf32>,
        %add3A_500 = arith.constant 1 : i32
        %add3A_501 = arith.addi %mul3A_318, %add3A_500 : i32
        %get3A_502 = arith.index_cast %add3A_501 : i32 to index
        %get3A_503 = arith.constant 0 : index
        %get3A_504 = tpu.vector_load %arg14[%get3A_502, %get3A_503] {strides = array<i32>} : memref<80x128xf32, #tpu.memory_space<vmem>>, vector<1x16xf32>,
        %get3A_505 = vector.shape_cast %get3A_504 : vector<1x16xf32> to vector<16xf32>
        %add3A_506 = arith.constant 1 : i32
        %add3A_507 = arith.addi %mul3A_318, %add3A_506 : i32
        %get3A_508 = arith.index_cast %add3A_507 : i32 to index
        %get3A_509 = arith.constant 0 : index
        %get3A_510 = tpu.vector_load %arg16[%get3A_508, %get3A_509] {strides = array<i32>} : memref<80x128xf32, #tpu.memory_space<vmem>>, vector<1x16xf32>,
        %get3A_511 = vector.shape_cast %get3A_510 : vector<1x16xf32> to vector<16xf32>
        %add3A_512 = arith.addf %get3A_505, %get3A_511 : vector<16xf32>
        %max3A_513 = arith.constant 0.000000e+00 : f32
        %max3A_514 = vector.broadcast %max3A_513 : f32 to vector<16xf32>
        %max3A_515 = arith.maximumf %add3A_512, %max3A_514 : vector<16xf32>
        %add3A_516 = arith.constant 1 : i32
        %add3A_517 = arith.addi %mul3A_318, %add3A_516 : i32
        %swap3A_518 = arith.index_cast %add3A_517 : i32 to index
        %swap3A_519 = arith.constant 0 : index
        %swap3A_520 = tpu.vector_load %arg16[%swap3A_518, %swap3A_519] {strides = array<i32>} : memref<80x128xf32, #tpu.memory_space<vmem>>, vector<1x16xf32>,
        %swap3A_521 = vector.shape_cast %swap3A_520 : vector<1x16xf32> to vector<16xf32>
        %swap3A_522 = vector.shape_cast %max3A_515 : vector<16xf32> to vector<1x16xf32>
        tpu.vector_store %arg16[%swap3A_518, %swap3A_519], %swap3A_522 {strides = array<i32>} : memref<80x128xf32, #tpu.memory_space<vmem>>, vector<1x16xf32>,
        %add3A_523 = arith.constant 1 : i32
        %add3A_524 = arith.addi %mul3A_318, %add3A_523 : i32
        %get3A_525 = arith.index_cast %add3A_524 : i32 to index
        %get3A_526 = arith.constant 16 : index
        %get3A_527 = tpu.vector_load %arg14[%get3A_525, %get3A_526] {strides = array<i32>} : memref<80x128xf32, #tpu.memory_space<vmem>>, vector<1x16xf32>,
        %get3A_528 = vector.shape_cast %get3A_527 : vector<1x16xf32> to vector<16xf32>
        %add3A_529 = arith.constant 1 : i32
        %add3A_530 = arith.addi %mul3A_318, %add3A_529 : i32
        %get3A_531 = arith.index_cast %add3A_530 : i32 to index
        %get3A_532 = arith.constant 16 : index
        %get3A_533 = tpu.vector_load %arg16[%get3A_531, %get3A_532] {strides = array<i32>} : memref<80x128xf32, #tpu.memory_space<vmem>>, vector<1x16xf32>,
        %get3A_534 = vector.shape_cast %get3A_533 : vector<1x16xf32> to vector<16xf32>
        %add3A_535 = arith.addf %get3A_528, %get3A_534 : vector<16xf32>
        %max3A_536 = arith.constant 0.000000e+00 : f32
        %max3A_537 = vector.broadcast %max3A_536 : f32 to vector<16xf32>
        %max3A_538 = arith.maximumf %add3A_535, %max3A_537 : vector<16xf32>
        %add3A_539 = arith.constant 1 : i32
        %add3A_540 = arith.addi %mul3A_318, %add3A_539 : i32
        %swap3A_541 = arith.index_cast %add3A_540 : i32 to index
        %swap3A_542 = arith.constant 16 : index
        %swap3A_543 = tpu.vector_load %arg16[%swap3A_541, %swap3A_542] {strides = array<i32>} : memref<80x128xf32, #tpu.memory_space<vmem>>, vector<1x16xf32>,
        %swap3A_544 = vector.shape_cast %swap3A_543 : vector<1x16xf32> to vector<16xf32>
        %swap3A_545 = vector.shape_cast %max3A_538 : vector<16xf32> to vector<1x16xf32>
        tpu.vector_store %arg16[%swap3A_541, %swap3A_542], %swap3A_545 {strides = array<i32>} : memref<80x128xf32, #tpu.memory_space<vmem>>, vector<1x16xf32>,
        %add3A_546 = arith.constant 1 : i32
        %add3A_547 = arith.addi %mul3A_318, %add3A_546 : i32
        %get3A_548 = arith.index_cast %add3A_547 : i32 to index
        %get3A_549 = arith.constant 32 : index
        %get3A_550 = tpu.vector_load %arg14[%get3A_548, %get3A_549] {strides = array<i32>} : memref<80x128xf32, #tpu.memory_space<vmem>>, vector<1x16xf32>,
        %get3A_551 = vector.shape_cast %get3A_550 : vector<1x16xf32> to vector<16xf32>
        %add3A_552 = arith.constant 1 : i32
        %add3A_553 = arith.addi %mul3A_318, %add3A_552 : i32
        %get3A_554 = arith.index_cast %add3A_553 : i32 to index
        %get3A_555 = arith.constant 32 : index
        %get3A_556 = tpu.vector_load %arg16[%get3A_554, %get3A_555] {strides = array<i32>} : memref<80x128xf32, #tpu.memory_space<vmem>>, vector<1x16xf32>,
        %get3A_557 = vector.shape_cast %get3A_556 : vector<1x16xf32> to vector<16xf32>
        %add3A_558 = arith.addf %get3A_551, %get3A_557 : vector<16xf32>
        %max3A_559 = arith.constant 0.000000e+00 : f32
        %max3A_560 = vector.broadcast %max3A_559 : f32 to vector<16xf32>
        %max3A_561 = arith.maximumf %add3A_558, %max3A_560 : vector<16xf32>
        %add3A_562 = arith.constant 1 : i32
        %add3A_563 = arith.addi %mul3A_318, %add3A_562 : i32
        %swap3A_564 = arith.index_cast %add3A_563 : i32 to index
        %swap3A_565 = arith.constant 32 : index
        %swap3A_566 = tpu.vector_load %arg16[%swap3A_564, %swap3A_565] {strides = array<i32>} : memref<80x128xf32, #tpu.memory_space<vmem>>, vector<1x16xf32>,
        %swap3A_567 = vector.shape_cast %swap3A_566 : vector<1x16xf32> to vector<16xf32>
        %swap3A_568 = vector.shape_cast %max3A_561 : vector<16xf32> to vector<1x16xf32>
        tpu.vector_store %arg16[%swap3A_564, %swap3A_565], %swap3A_568 {strides = array<i32>} : memref<80x128xf32, #tpu.memory_space<vmem>>, vector<1x16xf32>,
        %add3A_569 = arith.constant 1 : i32
        %add3A_570 = arith.addi %mul3A_318, %add3A_569 : i32
        %get3A_571 = arith.index_cast %add3A_570 : i32 to index
        %get3A_572 = arith.constant 48 : index
        %get3A_573 = tpu.vector_load %arg14[%get3A_571, %get3A_572] {strides = array<i32>} : memref<80x128xf32, #tpu.memory_space<vmem>>, vector<1x16xf32>,
        %get3A_574 = vector.shape_cast %get3A_573 : vector<1x16xf32> to vector<16xf32>
        %add3A_575 = arith.constant 1 : i32
        %add3A_576 = arith.addi %mul3A_318, %add3A_575 : i32
        %get3A_577 = arith.index_cast %add3A_576 : i32 to index
        %get3A_578 = arith.constant 48 : index
        %get3A_579 = tpu.vector_load %arg16[%get3A_577, %get3A_578] {strides = array<i32>} : memref<80x128xf32, #tpu.memory_space<vmem>>, vector<1x16xf32>,
        %get3A_580 = vector.shape_cast %get3A_579 : vector<1x16xf32> to vector<16xf32>
        %add3A_581 = arith.addf %get3A_574, %get3A_580 : vector<16xf32>
        %max3A_582 = arith.constant 0.000000e+00 : f32
        %max3A_583 = vector.broadcast %max3A_582 : f32 to vector<16xf32>
        %max3A_584 = arith.maximumf %add3A_581, %max3A_583 : vector<16xf32>
        %add3A_585 = arith.constant 1 : i32
        %add3A_586 = arith.addi %mul3A_318, %add3A_585 : i32
        %swap3A_587 = arith.index_cast %add3A_586 : i32 to index
        %swap3A_588 = arith.constant 48 : index
        %swap3A_589 = tpu.vector_load %arg16[%swap3A_587, %swap3A_588] {strides = array<i32>} : memref<80x128xf32, #tpu.memory_space<vmem>>, vector<1x16xf32>,
        %swap3A_590 = vector.shape_cast %swap3A_589 : vector<1x16xf32> to vector<16xf32>
        %swap3A_591 = vector.shape_cast %max3A_584 : vector<16xf32> to vector<1x16xf32>
        tpu.vector_store %arg16[%swap3A_587, %swap3A_588], %swap3A_591 {strides = array<i32>} : memref<80x128xf32, #tpu.memory_space<vmem>>, vector<1x16xf32>,
        %add3A_592 = arith.constant 1 : i32
        %add3A_593 = arith.addi %mul3A_318, %add3A_592 : i32
        %get3A_594 = arith.index_cast %add3A_593 : i32 to index
        %get3A_595 = arith.constant 64 : index
        %get3A_596 = tpu.vector_load %arg14[%get3A_594, %get3A_595] {strides = array<i32>} : memref<80x128xf32, #tpu.memory_space<vmem>>, vector<1x16xf32>,
        %get3A_597 = vector.shape_cast %get3A_596 : vector<1x16xf32> to vector<16xf32>
        %add3A_598 = arith.constant 1 : i32
        %add3A_599 = arith.addi %mul3A_318, %add3A_598 : i32
        %get3A_600 = arith.index_cast %add3A_599 : i32 to index
        %get3A_601 = arith.constant 64 : index
        %get3A_602 = tpu.vector_load %arg16[%get3A_600, %get3A_601] {strides = array<i32>} : memref<80x128xf32, #tpu.memory_space<vmem>>, vector<1x16xf32>,
        %get3A_603 = vector.shape_cast %get3A_602 : vector<1x16xf32> to vector<16xf32>
        %add3A_604 = arith.addf %get3A_597, %get3A_603 : vector<16xf32>
        %max3A_605 = arith.constant 0.000000e+00 : f32
        %max3A_606 = vector.broadcast %max3A_605 : f32 to vector<16xf32>
        %max3A_607 = arith.maximumf %add3A_604, %max3A_606 : vector<16xf32>
        %add3A_608 = arith.constant 1 : i32
        %add3A_609 = arith.addi %mul3A_318, %add3A_608 : i32
        %swap3A_610 = arith.index_cast %add3A_609 : i32 to index
        %swap3A_611 = arith.constant 64 : index
        %swap3A_612 = tpu.vector_load %arg16[%swap3A_610, %swap3A_611] {strides = array<i32>} : memref<80x128xf32, #tpu.memory_space<vmem>>, vector<1x16xf32>,
        %swap3A_613 = vector.shape_cast %swap3A_612 : vector<1x16xf32> to vector<16xf32>
        %swap3A_614 = vector.shape_cast %max3A_607 : vector<16xf32> to vector<1x16xf32>
        tpu.vector_store %arg16[%swap3A_610, %swap3A_611], %swap3A_614 {strides = array<i32>} : memref<80x128xf32, #tpu.memory_space<vmem>>, vector<1x16xf32>,
        %add3A_615 = arith.constant 1 : i32
        %add3A_616 = arith.addi %mul3A_318, %add3A_615 : i32
        %get3A_617 = arith.index_cast %add3A_616 : i32 to index
        %get3A_618 = arith.constant 80 : index
        %get3A_619 = tpu.vector_load %arg14[%get3A_617, %get3A_618] {strides = array<i32>} : memref<80x128xf32, #tpu.memory_space<vmem>>, vector<1x16xf32>,
        %get3A_620 = vector.shape_cast %get3A_619 : vector<1x16xf32> to vector<16xf32>
        %add3A_621 = arith.constant 1 : i32
        %add3A_622 = arith.addi %mul3A_318, %add3A_621 : i32
        %get3A_623 = arith.index_cast %add3A_622 : i32 to index
        %get3A_624 = arith.constant 80 : index
        %get3A_625 = tpu.vector_load %arg16[%get3A_623, %get3A_624] {strides = array<i32>} : memref<80x128xf32, #tpu.memory_space<vmem>>, vector<1x16xf32>,
        %get3A_626 = vector.shape_cast %get3A_625 : vector<1x16xf32> to vector<16xf32>
        %add3A_627 = arith.addf %get3A_620, %get3A_626 : vector<16xf32>
        %max3A_628 = arith.constant 0.000000e+00 : f32
        %max3A_629 = vector.broadcast %max3A_628 : f32 to vector<16xf32>
        %max3A_630 = arith.maximumf %add3A_627, %max3A_629 : vector<16xf32>
        %add3A_631 = arith.constant 1 : i32
        %add3A_632 = arith.addi %mul3A_318, %add3A_631 : i32
        %swap3A_633 = arith.index_cast %add3A_632 : i32 to index
        %swap3A_634 = arith.constant 80 : index
        %swap3A_635 = tpu.vector_load %arg16[%swap3A_633, %swap3A_634] {strides = array<i32>} : memref<80x128xf32, #tpu.memory_space<vmem>>, vector<1x16xf32>,
        %swap3A_636 = vector.shape_cast %swap3A_635 : vector<1x16xf32> to vector<16xf32>
        %swap3A_637 = vector.shape_cast %max3A_630 : vector<16xf32> to vector<1x16xf32>
        tpu.vector_store %arg16[%swap3A_633, %swap3A_634], %swap3A_637 {strides = array<i32>} : memref<80x128xf32, #tpu.memory_space<vmem>>, vector<1x16xf32>,
        %add3A_638 = arith.constant 1 : i32
        %add3A_639 = arith.addi %mul3A_318, %add3A_638 : i32
        %get3A_640 = arith.index_cast %add3A_639 : i32 to index
        %get3A_641 = arith.constant 96 : index
        %get3A_642 = tpu.vector_load %arg14[%get3A_640, %get3A_641] {strides = array<i32>} : memref<80x128xf32, #tpu.memory_space<vmem>>, vector<1x16xf32>,
        %get3A_643 = vector.shape_cast %get3A_642 : vector<1x16xf32> to vector<16xf32>
        %add3A_644 = arith.constant 1 : i32
        %add3A_645 = arith.addi %mul3A_318, %add3A_644 : i32
        %get3A_646 = arith.index_cast %add3A_645 : i32 to index
        %get3A_647 = arith.constant 96 : index
        %get3A_648 = tpu.vector_load %arg16[%get3A_646, %get3A_647] {strides = array<i32>} : memref<80x128xf32, #tpu.memory_space<vmem>>, vector<1x16xf32>,
        %get3A_649 = vector.shape_cast %get3A_648 : vector<1x16xf32> to vector<16xf32>
        %add3A_650 = arith.addf %get3A_643, %get3A_649 : vector<16xf32>
        %max3A_651 = arith.constant 0.000000e+00 : f32
        %max3A_652 = vector.broadcast %max3A_651 : f32 to vector<16xf32>
        %max3A_653 = arith.maximumf %add3A_650, %max3A_652 : vector<16xf32>
        %add3A_654 = arith.constant 1 : i32
        %add3A_655 = arith.addi %mul3A_318, %add3A_654 : i32
        %swap3A_656 = arith.index_cast %add3A_655 : i32 to index
        %swap3A_657 = arith.constant 96 : index
        %swap3A_658 = tpu.vector_load %arg16[%swap3A_656, %swap3A_657] {strides = array<i32>} : memref<80x128xf32, #tpu.memory_space<vmem>>, vector<1x16xf32>,
        %swap3A_659 = vector.shape_cast %swap3A_658 : vector<1x16xf32> to vector<16xf32>
        %swap3A_660 = vector.shape_cast %max3A_653 : vector<16xf32> to vector<1x16xf32>
        tpu.vector_store %arg16[%swap3A_656, %swap3A_657], %swap3A_660 {strides = array<i32>} : memref<80x128xf32, #tpu.memory_space<vmem>>, vector<1x16xf32>,
        %add3A_661 = arith.constant 1 : i32
        %add3A_662 = arith.addi %mul3A_318, %add3A_661 : i32
        %get3A_663 = arith.index_cast %add3A_662 : i32 to index
        %get3A_664 = arith.constant 112 : index
        %get3A_665 = tpu.vector_load %arg14[%get3A_663, %get3A_664] {strides = array<i32>} : memref<80x128xf32, #tpu.memory_space<vmem>>, vector<1x16xf32>,
        %get3A_666 = vector.shape_cast %get3A_665 : vector<1x16xf32> to vector<16xf32>
        %add3A_667 = arith.constant 1 : i32
        %add3A_668 = arith.addi %mul3A_318, %add3A_667 : i32
        %get3A_669 = arith.index_cast %add3A_668 : i32 to index
        %get3A_670 = arith.constant 112 : index
        %get3A_671 = tpu.vector_load %arg16[%get3A_669, %get3A_670] {strides = array<i32>} : memref<80x128xf32, #tpu.memory_space<vmem>>, vector<1x16xf32>,
        %get3A_672 = vector.shape_cast %get3A_671 : vector<1x16xf32> to vector<16xf32>
        %add3A_673 = arith.addf %get3A_666, %get3A_672 : vector<16xf32>
        %max3A_674 = arith.constant 0.000000e+00 : f32
        %max3A_675 = vector.broadcast %max3A_674 : f32 to vector<16xf32>
        %max3A_676 = arith.maximumf %add3A_673, %max3A_675 : vector<16xf32>
        %add3A_677 = arith.constant 1 : i32
        %add3A_678 = arith.addi %mul3A_318, %add3A_677 : i32
        %swap3A_679 = arith.index_cast %add3A_678 : i32 to index
        %swap3A_680 = arith.constant 112 : index
        %swap3A_681 = tpu.vector_load %arg16[%swap3A_679, %swap3A_680] {strides = array<i32>} : memref<80x128xf32, #tpu.memory_space<vmem>>, vector<1x16xf32>,
        %swap3A_682 = vector.shape_cast %swap3A_681 : vector<1x16xf32> to vector<16xf32>
        %swap3A_683 = vector.shape_cast %max3A_676 : vector<16xf32> to vector<1x16xf32>
        tpu.vector_store %arg16[%swap3A_679, %swap3A_680], %swap3A_683 {strides = array<i32>} : memref<80x128xf32, #tpu.memory_space<vmem>>, vector<1x16xf32>,
      }
      %scan3A_204 = arith.constant 40 : i32
      %dma_start3A_205 = arith.constant 0 : i32
      %dma_start3A_206 = arith.constant 0 : i32
      %dma_start3A_207 = tpu.memref_slice %arg18[%dma_start3A_205, %dma_start3A_206] : memref<10000x128xf32, #tpu.memory_space<vmem_shared>> -> memref<10000x128xf32, #tpu.memory_space<vmem_shared>>
      tpu.enqueue_indirect_dma source(%arg16 : memref<80x128xf32, #tpu.memory_space<vmem>>) target(%dma_start3A_207 : memref<10000x128xf32, #tpu.memory_space<vmem_shared>>) offsets(%arg10 : memref<80xi32, #tpu.memory_space<vmem>>) semaphore(%arg30 : memref<!tpu.dma_semaphore, #tpu.memory_space<semaphore_mem>>) {add = true}
      %mul3A_208 = arith.constant 4 : i32
      %mul3A_209 = arith.muli %mul3A_208, %scan3A_101 : i32
      %add3A_210 = arith.constant 2 : i32
      %add3A_211 = arith.addi %mul3A_209, %add3A_210 : i32
      %dma_wait3A_212 = arith.constant 0 : i32
      %dma_wait3A_213 = tpu.memref_slice %arg3[%dma_wait3A_212] : memref<320000xi32, #tpu.memory_space<hbm>> -> memref<80xi32, #tpu.memory_space<hbm>>
      %dma_wait3A_214 = arith.constant 0 : i32
      %dma_wait3A_215 = tpu.memref_slice %arg3[%dma_wait3A_214] : memref<320000xi32, #tpu.memory_space<hbm>> -> memref<80xi32, #tpu.memory_space<hbm>>
      tpu.wait_dma2 semaphore(%arg20 : memref<!tpu.dma_semaphore, #tpu.memory_space<semaphore_mem>>) src(%dma_wait3A_215 : memref<80xi32, #tpu.memory_space<hbm>>) dst(%arg8 : memref<80xi32, #tpu.memory_space<vmem>>)
      %dma_wait3A_216 = arith.constant 0 : i32
      %dma_wait3A_217 = tpu.memref_slice %arg4[%dma_wait3A_216] : memref<320000xi32, #tpu.memory_space<hbm>> -> memref<80xi32, #tpu.memory_space<hbm>>
      %dma_wait3A_218 = arith.constant 0 : i32
      %dma_wait3A_219 = tpu.memref_slice %arg4[%dma_wait3A_218] : memref<320000xi32, #tpu.memory_space<hbm>> -> memref<80xi32, #tpu.memory_space<hbm>>
      tpu.wait_dma2 semaphore(%arg24 : memref<!tpu.dma_semaphore, #tpu.memory_space<semaphore_mem>>) src(%dma_wait3A_219 : memref<80xi32, #tpu.memory_space<hbm>>) dst(%arg12 : memref<80xi32, #tpu.memory_space<vmem>>)
      %dma_start3A_220 = arith.constant 0 : i32
      %dma_start3A_221 = arith.constant 0 : i32
      %dma_start3A_222 = tpu.memref_slice %arg2[%dma_start3A_220, %dma_start3A_221] : memref<10000x128xf32, #tpu.memory_space<hbm>> -> memref<10000x128xf32, #tpu.memory_space<hbm>>
      tpu.enqueue_indirect_dma source(%dma_start3A_222 : memref<10000x128xf32, #tpu.memory_space<hbm>>) target(%arg14 : memref<80x128xf32, #tpu.memory_space<vmem>>) offsets(%arg8 : memref<80xi32, #tpu.memory_space<vmem>>) semaphore(%arg26 : memref<!tpu.dma_semaphore, #tpu.memory_space<semaphore_mem>>)
      %ge3A_223 = arith.constant 1 : i32
      %ge3A_224 = arith.cmpi sge, %add3A_211, %ge3A_223 : i32
      %convert_element_type3A_225 = arith.extui %ge3A_224 : i1 to i32
      %cond3A_226 = arith.constant 0 : i32
      %cond3A_227 = arith.cmpi ne, %convert_element_type3A_225, %cond3A_226 : i32
      scf.if %cond3A_227 {
        %dma_wait3A_316 = arith.constant 0 : i32
        %dma_wait3A_317 = arith.constant 0 : i32
        %dma_wait3A_318 = tpu.memref_slice %arg18[%dma_wait3A_316, %dma_wait3A_317] : memref<10000x128xf32, #tpu.memory_space<vmem_shared>> -> memref<10000x128xf32, #tpu.memory_space<vmem_shared>>
        tpu.wait_indirect_dma semaphore(%arg30 : memref<!tpu.dma_semaphore, #tpu.memory_space<semaphore_mem>>) src(%arg16 : memref<80x128xf32, #tpu.memory_space<vmem>>) dst(%dma_wait3A_318 : memref<10000x128xf32, #tpu.memory_space<vmem_shared>>)
      } else {
      }
      %add3A_228 = arith.constant 1 : i32
      %add3A_229 = arith.addi %add3A_211, %add3A_228 : i32
      %mul3A_230 = arith.constant 80 : i32
      %mul3A_231 = arith.muli %add3A_229, %mul3A_230 : i32
      %add3A_232 = arith.addi %mul3A_37, %mul3A_231 : i32
      %dma_start3A_233 = arith.constant 0 : i32
      %dma_start3A_234 = tpu.memref_slice %arg5[%add3A_232, %dma_start3A_233] : memref<320000x128xf32, #tpu.memory_space<hbm>> -> memref<80x128xf32, #tpu.memory_space<hbm>>
      %dma_start3A_235 = arith.constant 0 : i32
      %dma_start3A_236 = tpu.memref_slice %arg5[%add3A_232, %dma_start3A_235] : memref<320000x128xf32, #tpu.memory_space<hbm>> -> memref<80x128xf32, #tpu.memory_space<hbm>>
      tpu.enqueue_dma source(%dma_start3A_236 : memref<80x128xf32, #tpu.memory_space<hbm>>) target(%arg16 : memref<80x128xf32, #tpu.memory_space<vmem>>) target_semaphore(%arg28 : memref<!tpu.dma_semaphore, #tpu.memory_space<semaphore_mem>>)
      %dma_wait3A_237 = arith.constant 0 : i32
      %dma_wait3A_238 = arith.constant 0 : i32
      %dma_wait3A_239 = tpu.memref_slice %arg2[%dma_wait3A_237, %dma_wait3A_238] : memref<10000x128xf32, #tpu.memory_space<hbm>> -> memref<10000x128xf32, #tpu.memory_space<hbm>>
      tpu.wait_indirect_dma semaphore(%arg25 : memref<!tpu.dma_semaphore, #tpu.memory_space<semaphore_mem>>) src(%dma_wait3A_239 : memref<10000x128xf32, #tpu.memory_space<hbm>>) dst(%arg13 : memref<80x128xf32, #tpu.memory_space<vmem>>)
      %dma_wait3A_240 = arith.constant 0 : i32
      %dma_wait3A_241 = arith.constant 0 : i32
      %dma_wait3A_242 = tpu.memref_slice %arg5[%dma_wait3A_240, %dma_wait3A_241] : memref<320000x128xf32, #tpu.memory_space<hbm>> -> memref<80x128xf32, #tpu.memory_space<hbm>>
      %dma_wait3A_243 = arith.constant 0 : i32
      %dma_wait3A_244 = arith.constant 0 : i32
      %dma_wait3A_245 = tpu.memref_slice %arg5[%dma_wait3A_243, %dma_wait3A_244] : memref<320000x128xf32, #tpu.memory_space<hbm>> -> memref<80x128xf32, #tpu.memory_space<hbm>>
      tpu.wait_dma2 semaphore(%arg27 : memref<!tpu.dma_semaphore, #tpu.memory_space<semaphore_mem>>) src(%dma_wait3A_245 : memref<80x128xf32, #tpu.memory_space<hbm>>) dst(%arg15 : memref<80x128xf32, #tpu.memory_space<vmem>>)
      %add3A_246 = arith.constant 2 : i32
      %add3A_247 = arith.addi %add3A_211, %add3A_246 : i32
      %lt3A_248 = arith.constant 125 : i32
      %lt3A_249 = arith.cmpi slt, %add3A_247, %lt3A_248 : i32
      %convert_element_type3A_250 = arith.extui %lt3A_249 : i1 to i32
      %cond3A_251 = arith.constant 0 : i32
      %cond3A_252 = arith.cmpi ne, %convert_element_type3A_250, %cond3A_251 : i32
      scf.if %cond3A_252 {
        %add3A_316 = arith.constant 2 : i32
        %add3A_317 = arith.addi %add3A_211, %add3A_316 : i32
        %mul3A_318 = arith.constant 80 : i32
        %mul3A_319 = arith.muli %add3A_317, %mul3A_318 : i32
        %add3A_320 = arith.addi %mul3A_37, %mul3A_319 : i32
        %dma_start3A_321 = tpu.memref_slice %arg3[%add3A_320] : memref<320000xi32, #tpu.memory_space<hbm>> -> memref<80xi32, #tpu.memory_space<hbm>>
        %dma_start3A_322 = tpu.memref_slice %arg3[%add3A_320] : memref<320000xi32, #tpu.memory_space<hbm>> -> memref<80xi32, #tpu.memory_space<hbm>>
        tpu.enqueue_dma source(%dma_start3A_322 : memref<80xi32, #tpu.memory_space<hbm>>) target(%arg7 : memref<80xi32, #tpu.memory_space<vmem>>) target_semaphore(%arg19 : memref<!tpu.dma_semaphore, #tpu.memory_space<semaphore_mem>>)
        %dma_start3A_323 = tpu.memref_slice %arg4[%add3A_320] : memref<320000xi32, #tpu.memory_space<hbm>> -> memref<80xi32, #tpu.memory_space<hbm>>
        %dma_start3A_324 = tpu.memref_slice %arg4[%add3A_320] : memref<320000xi32, #tpu.memory_space<hbm>> -> memref<80xi32, #tpu.memory_space<hbm>>
        tpu.enqueue_dma source(%dma_start3A_324 : memref<80xi32, #tpu.memory_space<hbm>>) target(%arg9 : memref<80xi32, #tpu.memory_space<vmem>>) target_semaphore(%arg21 : memref<!tpu.dma_semaphore, #tpu.memory_space<semaphore_mem>>)
      } else {
      }
      %scan3A_253 = arith.constant 0 : i32
      %scan3A_254 = arith.constant 0 : i32
      %scan3A_255 = arith.constant 40 : i32
      %scan3A_256 = arith.addi %scan3A_254, %scan3A_255 : i32
      %scan3A_257 = arith.constant 1 : i32
      scf.for %scan3A_316 = %scan3A_254 to %scan3A_256 step %scan3A_257  : i32 {
        %mul3A_317 = arith.constant 2 : i32
        %mul3A_318 = arith.muli %mul3A_317, %scan3A_316 : i32
        %add3A_319 = arith.constant 0 : i32
        %add3A_320 = arith.addi %mul3A_318, %add3A_319 : i32
        %get3A = arith.index_cast %add3A_320 : i32 to index
        %get3A_321 = arith.constant 0 : index
        %get3A_322 = tpu.vector_load %arg13[%get3A, %get3A_321] {strides = array<i32>} : memref<80x128xf32, #tpu.memory_space<vmem>>, vector<1x16xf32>,
        %get3A_323 = vector.shape_cast %get3A_322 : vector<1x16xf32> to vector<16xf32>
        %add3A_324 = arith.constant 0 : i32
        %add3A_325 = arith.addi %mul3A_318, %add3A_324 : i32
        %get3A_326 = arith.index_cast %add3A_325 : i32 to index
        %get3A_327 = arith.constant 0 : index
        %get3A_328 = tpu.vector_load %arg15[%get3A_326, %get3A_327] {strides = array<i32>} : memref<80x128xf32, #tpu.memory_space<vmem>>, vector<1x16xf32>,
        %get3A_329 = vector.shape_cast %get3A_328 : vector<1x16xf32> to vector<16xf32>
        %add3A_330 = arith.addf %get3A_323, %get3A_329 : vector<16xf32>
        %max3A = arith.constant 0.000000e+00 : f32
        %max3A_331 = vector.broadcast %max3A : f32 to vector<16xf32>
        %max3A_332 = arith.maximumf %add3A_330, %max3A_331 : vector<16xf32>
        %add3A_333 = arith.constant 0 : i32
        %add3A_334 = arith.addi %mul3A_318, %add3A_333 : i32
        %swap3A = arith.index_cast %add3A_334 : i32 to index
        %swap3A_335 = arith.constant 0 : index
        %swap3A_336 = tpu.vector_load %arg15[%swap3A, %swap3A_335] {strides = array<i32>} : memref<80x128xf32, #tpu.memory_space<vmem>>, vector<1x16xf32>,
        %swap3A_337 = vector.shape_cast %swap3A_336 : vector<1x16xf32> to vector<16xf32>
        %swap3A_338 = vector.shape_cast %max3A_332 : vector<16xf32> to vector<1x16xf32>
        tpu.vector_store %arg15[%swap3A, %swap3A_335], %swap3A_338 {strides = array<i32>} : memref<80x128xf32, #tpu.memory_space<vmem>>, vector<1x16xf32>,
        %add3A_339 = arith.constant 0 : i32
        %add3A_340 = arith.addi %mul3A_318, %add3A_339 : i32
        %get3A_341 = arith.index_cast %add3A_340 : i32 to index
        %get3A_342 = arith.constant 16 : index
        %get3A_343 = tpu.vector_load %arg13[%get3A_341, %get3A_342] {strides = array<i32>} : memref<80x128xf32, #tpu.memory_space<vmem>>, vector<1x16xf32>,
        %get3A_344 = vector.shape_cast %get3A_343 : vector<1x16xf32> to vector<16xf32>
        %add3A_345 = arith.constant 0 : i32
        %add3A_346 = arith.addi %mul3A_318, %add3A_345 : i32
        %get3A_347 = arith.index_cast %add3A_346 : i32 to index
        %get3A_348 = arith.constant 16 : index
        %get3A_349 = tpu.vector_load %arg15[%get3A_347, %get3A_348] {strides = array<i32>} : memref<80x128xf32, #tpu.memory_space<vmem>>, vector<1x16xf32>,
        %get3A_350 = vector.shape_cast %get3A_349 : vector<1x16xf32> to vector<16xf32>
        %add3A_351 = arith.addf %get3A_344, %get3A_350 : vector<16xf32>
        %max3A_352 = arith.constant 0.000000e+00 : f32
        %max3A_353 = vector.broadcast %max3A_352 : f32 to vector<16xf32>
        %max3A_354 = arith.maximumf %add3A_351, %max3A_353 : vector<16xf32>
        %add3A_355 = arith.constant 0 : i32
        %add3A_356 = arith.addi %mul3A_318, %add3A_355 : i32
        %swap3A_357 = arith.index_cast %add3A_356 : i32 to index
        %swap3A_358 = arith.constant 16 : index
        %swap3A_359 = tpu.vector_load %arg15[%swap3A_357, %swap3A_358] {strides = array<i32>} : memref<80x128xf32, #tpu.memory_space<vmem>>, vector<1x16xf32>,
        %swap3A_360 = vector.shape_cast %swap3A_359 : vector<1x16xf32> to vector<16xf32>
        %swap3A_361 = vector.shape_cast %max3A_354 : vector<16xf32> to vector<1x16xf32>
        tpu.vector_store %arg15[%swap3A_357, %swap3A_358], %swap3A_361 {strides = array<i32>} : memref<80x128xf32, #tpu.memory_space<vmem>>, vector<1x16xf32>,
        %add3A_362 = arith.constant 0 : i32
        %add3A_363 = arith.addi %mul3A_318, %add3A_362 : i32
        %get3A_364 = arith.index_cast %add3A_363 : i32 to index
        %get3A_365 = arith.constant 32 : index
        %get3A_366 = tpu.vector_load %arg13[%get3A_364, %get3A_365] {strides = array<i32>} : memref<80x128xf32, #tpu.memory_space<vmem>>, vector<1x16xf32>,
        %get3A_367 = vector.shape_cast %get3A_366 : vector<1x16xf32> to vector<16xf32>
        %add3A_368 = arith.constant 0 : i32
        %add3A_369 = arith.addi %mul3A_318, %add3A_368 : i32
        %get3A_370 = arith.index_cast %add3A_369 : i32 to index
        %get3A_371 = arith.constant 32 : index
        %get3A_372 = tpu.vector_load %arg15[%get3A_370, %get3A_371] {strides = array<i32>} : memref<80x128xf32, #tpu.memory_space<vmem>>, vector<1x16xf32>,
        %get3A_373 = vector.shape_cast %get3A_372 : vector<1x16xf32> to vector<16xf32>
        %add3A_374 = arith.addf %get3A_367, %get3A_373 : vector<16xf32>
        %max3A_375 = arith.constant 0.000000e+00 : f32
        %max3A_376 = vector.broadcast %max3A_375 : f32 to vector<16xf32>
        %max3A_377 = arith.maximumf %add3A_374, %max3A_376 : vector<16xf32>
        %add3A_378 = arith.constant 0 : i32
        %add3A_379 = arith.addi %mul3A_318, %add3A_378 : i32
        %swap3A_380 = arith.index_cast %add3A_379 : i32 to index
        %swap3A_381 = arith.constant 32 : index
        %swap3A_382 = tpu.vector_load %arg15[%swap3A_380, %swap3A_381] {strides = array<i32>} : memref<80x128xf32, #tpu.memory_space<vmem>>, vector<1x16xf32>,
        %swap3A_383 = vector.shape_cast %swap3A_382 : vector<1x16xf32> to vector<16xf32>
        %swap3A_384 = vector.shape_cast %max3A_377 : vector<16xf32> to vector<1x16xf32>
        tpu.vector_store %arg15[%swap3A_380, %swap3A_381], %swap3A_384 {strides = array<i32>} : memref<80x128xf32, #tpu.memory_space<vmem>>, vector<1x16xf32>,
        %add3A_385 = arith.constant 0 : i32
        %add3A_386 = arith.addi %mul3A_318, %add3A_385 : i32
        %get3A_387 = arith.index_cast %add3A_386 : i32 to index
        %get3A_388 = arith.constant 48 : index
        %get3A_389 = tpu.vector_load %arg13[%get3A_387, %get3A_388] {strides = array<i32>} : memref<80x128xf32, #tpu.memory_space<vmem>>, vector<1x16xf32>,
        %get3A_390 = vector.shape_cast %get3A_389 : vector<1x16xf32> to vector<16xf32>
        %add3A_391 = arith.constant 0 : i32
        %add3A_392 = arith.addi %mul3A_318, %add3A_391 : i32
        %get3A_393 = arith.index_cast %add3A_392 : i32 to index
        %get3A_394 = arith.constant 48 : index
        %get3A_395 = tpu.vector_load %arg15[%get3A_393, %get3A_394] {strides = array<i32>} : memref<80x128xf32, #tpu.memory_space<vmem>>, vector<1x16xf32>,
        %get3A_396 = vector.shape_cast %get3A_395 : vector<1x16xf32> to vector<16xf32>
        %add3A_397 = arith.addf %get3A_390, %get3A_396 : vector<16xf32>
        %max3A_398 = arith.constant 0.000000e+00 : f32
        %max3A_399 = vector.broadcast %max3A_398 : f32 to vector<16xf32>
        %max3A_400 = arith.maximumf %add3A_397, %max3A_399 : vector<16xf32>
        %add3A_401 = arith.constant 0 : i32
        %add3A_402 = arith.addi %mul3A_318, %add3A_401 : i32
        %swap3A_403 = arith.index_cast %add3A_402 : i32 to index
        %swap3A_404 = arith.constant 48 : index
        %swap3A_405 = tpu.vector_load %arg15[%swap3A_403, %swap3A_404] {strides = array<i32>} : memref<80x128xf32, #tpu.memory_space<vmem>>, vector<1x16xf32>,
        %swap3A_406 = vector.shape_cast %swap3A_405 : vector<1x16xf32> to vector<16xf32>
        %swap3A_407 = vector.shape_cast %max3A_400 : vector<16xf32> to vector<1x16xf32>
        tpu.vector_store %arg15[%swap3A_403, %swap3A_404], %swap3A_407 {strides = array<i32>} : memref<80x128xf32, #tpu.memory_space<vmem>>, vector<1x16xf32>,
        %add3A_408 = arith.constant 0 : i32
        %add3A_409 = arith.addi %mul3A_318, %add3A_408 : i32
        %get3A_410 = arith.index_cast %add3A_409 : i32 to index
        %get3A_411 = arith.constant 64 : index
        %get3A_412 = tpu.vector_load %arg13[%get3A_410, %get3A_411] {strides = array<i32>} : memref<80x128xf32, #tpu.memory_space<vmem>>, vector<1x16xf32>,
        %get3A_413 = vector.shape_cast %get3A_412 : vector<1x16xf32> to vector<16xf32>
        %add3A_414 = arith.constant 0 : i32
        %add3A_415 = arith.addi %mul3A_318, %add3A_414 : i32
        %get3A_416 = arith.index_cast %add3A_415 : i32 to index
        %get3A_417 = arith.constant 64 : index
        %get3A_418 = tpu.vector_load %arg15[%get3A_416, %get3A_417] {strides = array<i32>} : memref<80x128xf32, #tpu.memory_space<vmem>>, vector<1x16xf32>,
        %get3A_419 = vector.shape_cast %get3A_418 : vector<1x16xf32> to vector<16xf32>
        %add3A_420 = arith.addf %get3A_413, %get3A_419 : vector<16xf32>
        %max3A_421 = arith.constant 0.000000e+00 : f32
        %max3A_422 = vector.broadcast %max3A_421 : f32 to vector<16xf32>
        %max3A_423 = arith.maximumf %add3A_420, %max3A_422 : vector<16xf32>
        %add3A_424 = arith.constant 0 : i32
        %add3A_425 = arith.addi %mul3A_318, %add3A_424 : i32
        %swap3A_426 = arith.index_cast %add3A_425 : i32 to index
        %swap3A_427 = arith.constant 64 : index
        %swap3A_428 = tpu.vector_load %arg15[%swap3A_426, %swap3A_427] {strides = array<i32>} : memref<80x128xf32, #tpu.memory_space<vmem>>, vector<1x16xf32>,
        %swap3A_429 = vector.shape_cast %swap3A_428 : vector<1x16xf32> to vector<16xf32>
        %swap3A_430 = vector.shape_cast %max3A_423 : vector<16xf32> to vector<1x16xf32>
        tpu.vector_store %arg15[%swap3A_426, %swap3A_427], %swap3A_430 {strides = array<i32>} : memref<80x128xf32, #tpu.memory_space<vmem>>, vector<1x16xf32>,
        %add3A_431 = arith.constant 0 : i32
        %add3A_432 = arith.addi %mul3A_318, %add3A_431 : i32
        %get3A_433 = arith.index_cast %add3A_432 : i32 to index
        %get3A_434 = arith.constant 80 : index
        %get3A_435 = tpu.vector_load %arg13[%get3A_433, %get3A_434] {strides = array<i32>} : memref<80x128xf32, #tpu.memory_space<vmem>>, vector<1x16xf32>,
        %get3A_436 = vector.shape_cast %get3A_435 : vector<1x16xf32> to vector<16xf32>
        %add3A_437 = arith.constant 0 : i32
        %add3A_438 = arith.addi %mul3A_318, %add3A_437 : i32
        %get3A_439 = arith.index_cast %add3A_438 : i32 to index
        %get3A_440 = arith.constant 80 : index
        %get3A_441 = tpu.vector_load %arg15[%get3A_439, %get3A_440] {strides = array<i32>} : memref<80x128xf32, #tpu.memory_space<vmem>>, vector<1x16xf32>,
        %get3A_442 = vector.shape_cast %get3A_441 : vector<1x16xf32> to vector<16xf32>
        %add3A_443 = arith.addf %get3A_436, %get3A_442 : vector<16xf32>
        %max3A_444 = arith.constant 0.000000e+00 : f32
        %max3A_445 = vector.broadcast %max3A_444 : f32 to vector<16xf32>
        %max3A_446 = arith.maximumf %add3A_443, %max3A_445 : vector<16xf32>
        %add3A_447 = arith.constant 0 : i32
        %add3A_448 = arith.addi %mul3A_318, %add3A_447 : i32
        %swap3A_449 = arith.index_cast %add3A_448 : i32 to index
        %swap3A_450 = arith.constant 80 : index
        %swap3A_451 = tpu.vector_load %arg15[%swap3A_449, %swap3A_450] {strides = array<i32>} : memref<80x128xf32, #tpu.memory_space<vmem>>, vector<1x16xf32>,
        %swap3A_452 = vector.shape_cast %swap3A_451 : vector<1x16xf32> to vector<16xf32>
        %swap3A_453 = vector.shape_cast %max3A_446 : vector<16xf32> to vector<1x16xf32>
        tpu.vector_store %arg15[%swap3A_449, %swap3A_450], %swap3A_453 {strides = array<i32>} : memref<80x128xf32, #tpu.memory_space<vmem>>, vector<1x16xf32>,
        %add3A_454 = arith.constant 0 : i32
        %add3A_455 = arith.addi %mul3A_318, %add3A_454 : i32
        %get3A_456 = arith.index_cast %add3A_455 : i32 to index
        %get3A_457 = arith.constant 96 : index
        %get3A_458 = tpu.vector_load %arg13[%get3A_456, %get3A_457] {strides = array<i32>} : memref<80x128xf32, #tpu.memory_space<vmem>>, vector<1x16xf32>,
        %get3A_459 = vector.shape_cast %get3A_458 : vector<1x16xf32> to vector<16xf32>
        %add3A_460 = arith.constant 0 : i32
        %add3A_461 = arith.addi %mul3A_318, %add3A_460 : i32
        %get3A_462 = arith.index_cast %add3A_461 : i32 to index
        %get3A_463 = arith.constant 96 : index
        %get3A_464 = tpu.vector_load %arg15[%get3A_462, %get3A_463] {strides = array<i32>} : memref<80x128xf32, #tpu.memory_space<vmem>>, vector<1x16xf32>,
        %get3A_465 = vector.shape_cast %get3A_464 : vector<1x16xf32> to vector<16xf32>
        %add3A_466 = arith.addf %get3A_459, %get3A_465 : vector<16xf32>
        %max3A_467 = arith.constant 0.000000e+00 : f32
        %max3A_468 = vector.broadcast %max3A_467 : f32 to vector<16xf32>
        %max3A_469 = arith.maximumf %add3A_466, %max3A_468 : vector<16xf32>
        %add3A_470 = arith.constant 0 : i32
        %add3A_471 = arith.addi %mul3A_318, %add3A_470 : i32
        %swap3A_472 = arith.index_cast %add3A_471 : i32 to index
        %swap3A_473 = arith.constant 96 : index
        %swap3A_474 = tpu.vector_load %arg15[%swap3A_472, %swap3A_473] {strides = array<i32>} : memref<80x128xf32, #tpu.memory_space<vmem>>, vector<1x16xf32>,
        %swap3A_475 = vector.shape_cast %swap3A_474 : vector<1x16xf32> to vector<16xf32>
        %swap3A_476 = vector.shape_cast %max3A_469 : vector<16xf32> to vector<1x16xf32>
        tpu.vector_store %arg15[%swap3A_472, %swap3A_473], %swap3A_476 {strides = array<i32>} : memref<80x128xf32, #tpu.memory_space<vmem>>, vector<1x16xf32>,
        %add3A_477 = arith.constant 0 : i32
        %add3A_478 = arith.addi %mul3A_318, %add3A_477 : i32
        %get3A_479 = arith.index_cast %add3A_478 : i32 to index
        %get3A_480 = arith.constant 112 : index
        %get3A_481 = tpu.vector_load %arg13[%get3A_479, %get3A_480] {strides = array<i32>} : memref<80x128xf32, #tpu.memory_space<vmem>>, vector<1x16xf32>,
        %get3A_482 = vector.shape_cast %get3A_481 : vector<1x16xf32> to vector<16xf32>
        %add3A_483 = arith.constant 0 : i32
        %add3A_484 = arith.addi %mul3A_318, %add3A_483 : i32
        %get3A_485 = arith.index_cast %add3A_484 : i32 to index
        %get3A_486 = arith.constant 112 : index
        %get3A_487 = tpu.vector_load %arg15[%get3A_485, %get3A_486] {strides = array<i32>} : memref<80x128xf32, #tpu.memory_space<vmem>>, vector<1x16xf32>,
        %get3A_488 = vector.shape_cast %get3A_487 : vector<1x16xf32> to vector<16xf32>
        %add3A_489 = arith.addf %get3A_482, %get3A_488 : vector<16xf32>
        %max3A_490 = arith.constant 0.000000e+00 : f32
        %max3A_491 = vector.broadcast %max3A_490 : f32 to vector<16xf32>
        %max3A_492 = arith.maximumf %add3A_489, %max3A_491 : vector<16xf32>
        %add3A_493 = arith.constant 0 : i32
        %add3A_494 = arith.addi %mul3A_318, %add3A_493 : i32
        %swap3A_495 = arith.index_cast %add3A_494 : i32 to index
        %swap3A_496 = arith.constant 112 : index
        %swap3A_497 = tpu.vector_load %arg15[%swap3A_495, %swap3A_496] {strides = array<i32>} : memref<80x128xf32, #tpu.memory_space<vmem>>, vector<1x16xf32>,
        %swap3A_498 = vector.shape_cast %swap3A_497 : vector<1x16xf32> to vector<16xf32>
        %swap3A_499 = vector.shape_cast %max3A_492 : vector<16xf32> to vector<1x16xf32>
        tpu.vector_store %arg15[%swap3A_495, %swap3A_496], %swap3A_499 {strides = array<i32>} : memref<80x128xf32, #tpu.memory_space<vmem>>, vector<1x16xf32>,
        %add3A_500 = arith.constant 1 : i32
        %add3A_501 = arith.addi %mul3A_318, %add3A_500 : i32
        %get3A_502 = arith.index_cast %add3A_501 : i32 to index
        %get3A_503 = arith.constant 0 : index
        %get3A_504 = tpu.vector_load %arg13[%get3A_502, %get3A_503] {strides = array<i32>} : memref<80x128xf32, #tpu.memory_space<vmem>>, vector<1x16xf32>,
        %get3A_505 = vector.shape_cast %get3A_504 : vector<1x16xf32> to vector<16xf32>
        %add3A_506 = arith.constant 1 : i32
        %add3A_507 = arith.addi %mul3A_318, %add3A_506 : i32
        %get3A_508 = arith.index_cast %add3A_507 : i32 to index
        %get3A_509 = arith.constant 0 : index
        %get3A_510 = tpu.vector_load %arg15[%get3A_508, %get3A_509] {strides = array<i32>} : memref<80x128xf32, #tpu.memory_space<vmem>>, vector<1x16xf32>,
        %get3A_511 = vector.shape_cast %get3A_510 : vector<1x16xf32> to vector<16xf32>
        %add3A_512 = arith.addf %get3A_505, %get3A_511 : vector<16xf32>
        %max3A_513 = arith.constant 0.000000e+00 : f32
        %max3A_514 = vector.broadcast %max3A_513 : f32 to vector<16xf32>
        %max3A_515 = arith.maximumf %add3A_512, %max3A_514 : vector<16xf32>
        %add3A_516 = arith.constant 1 : i32
        %add3A_517 = arith.addi %mul3A_318, %add3A_516 : i32
        %swap3A_518 = arith.index_cast %add3A_517 : i32 to index
        %swap3A_519 = arith.constant 0 : index
        %swap3A_520 = tpu.vector_load %arg15[%swap3A_518, %swap3A_519] {strides = array<i32>} : memref<80x128xf32, #tpu.memory_space<vmem>>, vector<1x16xf32>,
        %swap3A_521 = vector.shape_cast %swap3A_520 : vector<1x16xf32> to vector<16xf32>
        %swap3A_522 = vector.shape_cast %max3A_515 : vector<16xf32> to vector<1x16xf32>
        tpu.vector_store %arg15[%swap3A_518, %swap3A_519], %swap3A_522 {strides = array<i32>} : memref<80x128xf32, #tpu.memory_space<vmem>>, vector<1x16xf32>,
        %add3A_523 = arith.constant 1 : i32
        %add3A_524 = arith.addi %mul3A_318, %add3A_523 : i32
        %get3A_525 = arith.index_cast %add3A_524 : i32 to index
        %get3A_526 = arith.constant 16 : index
        %get3A_527 = tpu.vector_load %arg13[%get3A_525, %get3A_526] {strides = array<i32>} : memref<80x128xf32, #tpu.memory_space<vmem>>, vector<1x16xf32>,
        %get3A_528 = vector.shape_cast %get3A_527 : vector<1x16xf32> to vector<16xf32>
        %add3A_529 = arith.constant 1 : i32
        %add3A_530 = arith.addi %mul3A_318, %add3A_529 : i32
        %get3A_531 = arith.index_cast %add3A_530 : i32 to index
        %get3A_532 = arith.constant 16 : index
        %get3A_533 = tpu.vector_load %arg15[%get3A_531, %get3A_532] {strides = array<i32>} : memref<80x128xf32, #tpu.memory_space<vmem>>, vector<1x16xf32>,
        %get3A_534 = vector.shape_cast %get3A_533 : vector<1x16xf32> to vector<16xf32>
        %add3A_535 = arith.addf %get3A_528, %get3A_534 : vector<16xf32>
        %max3A_536 = arith.constant 0.000000e+00 : f32
        %max3A_537 = vector.broadcast %max3A_536 : f32 to vector<16xf32>
        %max3A_538 = arith.maximumf %add3A_535, %max3A_537 : vector<16xf32>
        %add3A_539 = arith.constant 1 : i32
        %add3A_540 = arith.addi %mul3A_318, %add3A_539 : i32
        %swap3A_541 = arith.index_cast %add3A_540 : i32 to index
        %swap3A_542 = arith.constant 16 : index
        %swap3A_543 = tpu.vector_load %arg15[%swap3A_541, %swap3A_542] {strides = array<i32>} : memref<80x128xf32, #tpu.memory_space<vmem>>, vector<1x16xf32>,
        %swap3A_544 = vector.shape_cast %swap3A_543 : vector<1x16xf32> to vector<16xf32>
        %swap3A_545 = vector.shape_cast %max3A_538 : vector<16xf32> to vector<1x16xf32>
        tpu.vector_store %arg15[%swap3A_541, %swap3A_542], %swap3A_545 {strides = array<i32>} : memref<80x128xf32, #tpu.memory_space<vmem>>, vector<1x16xf32>,
        %add3A_546 = arith.constant 1 : i32
        %add3A_547 = arith.addi %mul3A_318, %add3A_546 : i32
        %get3A_548 = arith.index_cast %add3A_547 : i32 to index
        %get3A_549 = arith.constant 32 : index
        %get3A_550 = tpu.vector_load %arg13[%get3A_548, %get3A_549] {strides = array<i32>} : memref<80x128xf32, #tpu.memory_space<vmem>>, vector<1x16xf32>,
        %get3A_551 = vector.shape_cast %get3A_550 : vector<1x16xf32> to vector<16xf32>
        %add3A_552 = arith.constant 1 : i32
        %add3A_553 = arith.addi %mul3A_318, %add3A_552 : i32
        %get3A_554 = arith.index_cast %add3A_553 : i32 to index
        %get3A_555 = arith.constant 32 : index
        %get3A_556 = tpu.vector_load %arg15[%get3A_554, %get3A_555] {strides = array<i32>} : memref<80x128xf32, #tpu.memory_space<vmem>>, vector<1x16xf32>,
        %get3A_557 = vector.shape_cast %get3A_556 : vector<1x16xf32> to vector<16xf32>
        %add3A_558 = arith.addf %get3A_551, %get3A_557 : vector<16xf32>
        %max3A_559 = arith.constant 0.000000e+00 : f32
        %max3A_560 = vector.broadcast %max3A_559 : f32 to vector<16xf32>
        %max3A_561 = arith.maximumf %add3A_558, %max3A_560 : vector<16xf32>
        %add3A_562 = arith.constant 1 : i32
        %add3A_563 = arith.addi %mul3A_318, %add3A_562 : i32
        %swap3A_564 = arith.index_cast %add3A_563 : i32 to index
        %swap3A_565 = arith.constant 32 : index
        %swap3A_566 = tpu.vector_load %arg15[%swap3A_564, %swap3A_565] {strides = array<i32>} : memref<80x128xf32, #tpu.memory_space<vmem>>, vector<1x16xf32>,
        %swap3A_567 = vector.shape_cast %swap3A_566 : vector<1x16xf32> to vector<16xf32>
        %swap3A_568 = vector.shape_cast %max3A_561 : vector<16xf32> to vector<1x16xf32>
        tpu.vector_store %arg15[%swap3A_564, %swap3A_565], %swap3A_568 {strides = array<i32>} : memref<80x128xf32, #tpu.memory_space<vmem>>, vector<1x16xf32>,
        %add3A_569 = arith.constant 1 : i32
        %add3A_570 = arith.addi %mul3A_318, %add3A_569 : i32
        %get3A_571 = arith.index_cast %add3A_570 : i32 to index
        %get3A_572 = arith.constant 48 : index
        %get3A_573 = tpu.vector_load %arg13[%get3A_571, %get3A_572] {strides = array<i32>} : memref<80x128xf32, #tpu.memory_space<vmem>>, vector<1x16xf32>,
        %get3A_574 = vector.shape_cast %get3A_573 : vector<1x16xf32> to vector<16xf32>
        %add3A_575 = arith.constant 1 : i32
        %add3A_576 = arith.addi %mul3A_318, %add3A_575 : i32
        %get3A_577 = arith.index_cast %add3A_576 : i32 to index
        %get3A_578 = arith.constant 48 : index
        %get3A_579 = tpu.vector_load %arg15[%get3A_577, %get3A_578] {strides = array<i32>} : memref<80x128xf32, #tpu.memory_space<vmem>>, vector<1x16xf32>,
        %get3A_580 = vector.shape_cast %get3A_579 : vector<1x16xf32> to vector<16xf32>
        %add3A_581 = arith.addf %get3A_574, %get3A_580 : vector<16xf32>
        %max3A_582 = arith.constant 0.000000e+00 : f32
        %max3A_583 = vector.broadcast %max3A_582 : f32 to vector<16xf32>
        %max3A_584 = arith.maximumf %add3A_581, %max3A_583 : vector<16xf32>
        %add3A_585 = arith.constant 1 : i32
        %add3A_586 = arith.addi %mul3A_318, %add3A_585 : i32
        %swap3A_587 = arith.index_cast %add3A_586 : i32 to index
        %swap3A_588 = arith.constant 48 : index
        %swap3A_589 = tpu.vector_load %arg15[%swap3A_587, %swap3A_588] {strides = array<i32>} : memref<80x128xf32, #tpu.memory_space<vmem>>, vector<1x16xf32>,
        %swap3A_590 = vector.shape_cast %swap3A_589 : vector<1x16xf32> to vector<16xf32>
        %swap3A_591 = vector.shape_cast %max3A_584 : vector<16xf32> to vector<1x16xf32>
        tpu.vector_store %arg15[%swap3A_587, %swap3A_588], %swap3A_591 {strides = array<i32>} : memref<80x128xf32, #tpu.memory_space<vmem>>, vector<1x16xf32>,
        %add3A_592 = arith.constant 1 : i32
        %add3A_593 = arith.addi %mul3A_318, %add3A_592 : i32
        %get3A_594 = arith.index_cast %add3A_593 : i32 to index
        %get3A_595 = arith.constant 64 : index
        %get3A_596 = tpu.vector_load %arg13[%get3A_594, %get3A_595] {strides = array<i32>} : memref<80x128xf32, #tpu.memory_space<vmem>>, vector<1x16xf32>,
        %get3A_597 = vector.shape_cast %get3A_596 : vector<1x16xf32> to vector<16xf32>
        %add3A_598 = arith.constant 1 : i32
        %add3A_599 = arith.addi %mul3A_318, %add3A_598 : i32
        %get3A_600 = arith.index_cast %add3A_599 : i32 to index
        %get3A_601 = arith.constant 64 : index
        %get3A_602 = tpu.vector_load %arg15[%get3A_600, %get3A_601] {strides = array<i32>} : memref<80x128xf32, #tpu.memory_space<vmem>>, vector<1x16xf32>,
        %get3A_603 = vector.shape_cast %get3A_602 : vector<1x16xf32> to vector<16xf32>
        %add3A_604 = arith.addf %get3A_597, %get3A_603 : vector<16xf32>
        %max3A_605 = arith.constant 0.000000e+00 : f32
        %max3A_606 = vector.broadcast %max3A_605 : f32 to vector<16xf32>
        %max3A_607 = arith.maximumf %add3A_604, %max3A_606 : vector<16xf32>
        %add3A_608 = arith.constant 1 : i32
        %add3A_609 = arith.addi %mul3A_318, %add3A_608 : i32
        %swap3A_610 = arith.index_cast %add3A_609 : i32 to index
        %swap3A_611 = arith.constant 64 : index
        %swap3A_612 = tpu.vector_load %arg15[%swap3A_610, %swap3A_611] {strides = array<i32>} : memref<80x128xf32, #tpu.memory_space<vmem>>, vector<1x16xf32>,
        %swap3A_613 = vector.shape_cast %swap3A_612 : vector<1x16xf32> to vector<16xf32>
        %swap3A_614 = vector.shape_cast %max3A_607 : vector<16xf32> to vector<1x16xf32>
        tpu.vector_store %arg15[%swap3A_610, %swap3A_611], %swap3A_614 {strides = array<i32>} : memref<80x128xf32, #tpu.memory_space<vmem>>, vector<1x16xf32>,
        %add3A_615 = arith.constant 1 : i32
        %add3A_616 = arith.addi %mul3A_318, %add3A_615 : i32
        %get3A_617 = arith.index_cast %add3A_616 : i32 to index
        %get3A_618 = arith.constant 80 : index
        %get3A_619 = tpu.vector_load %arg13[%get3A_617, %get3A_618] {strides = array<i32>} : memref<80x128xf32, #tpu.memory_space<vmem>>, vector<1x16xf32>,
        %get3A_620 = vector.shape_cast %get3A_619 : vector<1x16xf32> to vector<16xf32>
        %add3A_621 = arith.constant 1 : i32
        %add3A_622 = arith.addi %mul3A_318, %add3A_621 : i32
        %get3A_623 = arith.index_cast %add3A_622 : i32 to index
        %get3A_624 = arith.constant 80 : index
        %get3A_625 = tpu.vector_load %arg15[%get3A_623, %get3A_624] {strides = array<i32>} : memref<80x128xf32, #tpu.memory_space<vmem>>, vector<1x16xf32>,
        %get3A_626 = vector.shape_cast %get3A_625 : vector<1x16xf32> to vector<16xf32>
        %add3A_627 = arith.addf %get3A_620, %get3A_626 : vector<16xf32>
        %max3A_628 = arith.constant 0.000000e+00 : f32
        %max3A_629 = vector.broadcast %max3A_628 : f32 to vector<16xf32>
        %max3A_630 = arith.maximumf %add3A_627, %max3A_629 : vector<16xf32>
        %add3A_631 = arith.constant 1 : i32
        %add3A_632 = arith.addi %mul3A_318, %add3A_631 : i32
        %swap3A_633 = arith.index_cast %add3A_632 : i32 to index
        %swap3A_634 = arith.constant 80 : index
        %swap3A_635 = tpu.vector_load %arg15[%swap3A_633, %swap3A_634] {strides = array<i32>} : memref<80x128xf32, #tpu.memory_space<vmem>>, vector<1x16xf32>,
        %swap3A_636 = vector.shape_cast %swap3A_635 : vector<1x16xf32> to vector<16xf32>
        %swap3A_637 = vector.shape_cast %max3A_630 : vector<16xf32> to vector<1x16xf32>
        tpu.vector_store %arg15[%swap3A_633, %swap3A_634], %swap3A_637 {strides = array<i32>} : memref<80x128xf32, #tpu.memory_space<vmem>>, vector<1x16xf32>,
        %add3A_638 = arith.constant 1 : i32
        %add3A_639 = arith.addi %mul3A_318, %add3A_638 : i32
        %get3A_640 = arith.index_cast %add3A_639 : i32 to index
        %get3A_641 = arith.constant 96 : index
        %get3A_642 = tpu.vector_load %arg13[%get3A_640, %get3A_641] {strides = array<i32>} : memref<80x128xf32, #tpu.memory_space<vmem>>, vector<1x16xf32>,
        %get3A_643 = vector.shape_cast %get3A_642 : vector<1x16xf32> to vector<16xf32>
        %add3A_644 = arith.constant 1 : i32
        %add3A_645 = arith.addi %mul3A_318, %add3A_644 : i32
        %get3A_646 = arith.index_cast %add3A_645 : i32 to index
        %get3A_647 = arith.constant 96 : index
        %get3A_648 = tpu.vector_load %arg15[%get3A_646, %get3A_647] {strides = array<i32>} : memref<80x128xf32, #tpu.memory_space<vmem>>, vector<1x16xf32>,
        %get3A_649 = vector.shape_cast %get3A_648 : vector<1x16xf32> to vector<16xf32>
        %add3A_650 = arith.addf %get3A_643, %get3A_649 : vector<16xf32>
        %max3A_651 = arith.constant 0.000000e+00 : f32
        %max3A_652 = vector.broadcast %max3A_651 : f32 to vector<16xf32>
        %max3A_653 = arith.maximumf %add3A_650, %max3A_652 : vector<16xf32>
        %add3A_654 = arith.constant 1 : i32
        %add3A_655 = arith.addi %mul3A_318, %add3A_654 : i32
        %swap3A_656 = arith.index_cast %add3A_655 : i32 to index
        %swap3A_657 = arith.constant 96 : index
        %swap3A_658 = tpu.vector_load %arg15[%swap3A_656, %swap3A_657] {strides = array<i32>} : memref<80x128xf32, #tpu.memory_space<vmem>>, vector<1x16xf32>,
        %swap3A_659 = vector.shape_cast %swap3A_658 : vector<1x16xf32> to vector<16xf32>
        %swap3A_660 = vector.shape_cast %max3A_653 : vector<16xf32> to vector<1x16xf32>
        tpu.vector_store %arg15[%swap3A_656, %swap3A_657], %swap3A_660 {strides = array<i32>} : memref<80x128xf32, #tpu.memory_space<vmem>>, vector<1x16xf32>,
        %add3A_661 = arith.constant 1 : i32
        %add3A_662 = arith.addi %mul3A_318, %add3A_661 : i32
        %get3A_663 = arith.index_cast %add3A_662 : i32 to index
        %get3A_664 = arith.constant 112 : index
        %get3A_665 = tpu.vector_load %arg13[%get3A_663, %get3A_664] {strides = array<i32>} : memref<80x128xf32, #tpu.memory_space<vmem>>, vector<1x16xf32>,
        %get3A_666 = vector.shape_cast %get3A_665 : vector<1x16xf32> to vector<16xf32>
        %add3A_667 = arith.constant 1 : i32
        %add3A_668 = arith.addi %mul3A_318, %add3A_667 : i32
        %get3A_669 = arith.index_cast %add3A_668 : i32 to index
        %get3A_670 = arith.constant 112 : index
        %get3A_671 = tpu.vector_load %arg15[%get3A_669, %get3A_670] {strides = array<i32>} : memref<80x128xf32, #tpu.memory_space<vmem>>, vector<1x16xf32>,
        %get3A_672 = vector.shape_cast %get3A_671 : vector<1x16xf32> to vector<16xf32>
        %add3A_673 = arith.addf %get3A_666, %get3A_672 : vector<16xf32>
        %max3A_674 = arith.constant 0.000000e+00 : f32
        %max3A_675 = vector.broadcast %max3A_674 : f32 to vector<16xf32>
        %max3A_676 = arith.maximumf %add3A_673, %max3A_675 : vector<16xf32>
        %add3A_677 = arith.constant 1 : i32
        %add3A_678 = arith.addi %mul3A_318, %add3A_677 : i32
        %swap3A_679 = arith.index_cast %add3A_678 : i32 to index
        %swap3A_680 = arith.constant 112 : index
        %swap3A_681 = tpu.vector_load %arg15[%swap3A_679, %swap3A_680] {strides = array<i32>} : memref<80x128xf32, #tpu.memory_space<vmem>>, vector<1x16xf32>,
        %swap3A_682 = vector.shape_cast %swap3A_681 : vector<1x16xf32> to vector<16xf32>
        %swap3A_683 = vector.shape_cast %max3A_676 : vector<16xf32> to vector<1x16xf32>
        tpu.vector_store %arg15[%swap3A_679, %swap3A_680], %swap3A_683 {strides = array<i32>} : memref<80x128xf32, #tpu.memory_space<vmem>>, vector<1x16xf32>,
      }
      %scan3A_258 = arith.constant 40 : i32
      %dma_start3A_259 = arith.constant 0 : i32
      %dma_start3A_260 = arith.constant 0 : i32
      %dma_start3A_261 = tpu.memref_slice %arg18[%dma_start3A_259, %dma_start3A_260] : memref<10000x128xf32, #tpu.memory_space<vmem_shared>> -> memref<10000x128xf32, #tpu.memory_space<vmem_shared>>
      tpu.enqueue_indirect_dma source(%arg15 : memref<80x128xf32, #tpu.memory_space<vmem>>) target(%dma_start3A_261 : memref<10000x128xf32, #tpu.memory_space<vmem_shared>>) offsets(%arg11 : memref<80xi32, #tpu.memory_space<vmem>>) semaphore(%arg29 : memref<!tpu.dma_semaphore, #tpu.memory_space<semaphore_mem>>) {add = true}
      %mul3A_262 = arith.constant 4 : i32
      %mul3A_263 = arith.muli %mul3A_262, %scan3A_101 : i32
      %add3A_264 = arith.constant 3 : i32
      %add3A_265 = arith.addi %mul3A_263, %add3A_264 : i32
      %dma_wait3A_266 = arith.constant 0 : i32
      %dma_wait3A_267 = tpu.memref_slice %arg3[%dma_wait3A_266] : memref<320000xi32, #tpu.memory_space<hbm>> -> memref<80xi32, #tpu.memory_space<hbm>>
      %dma_wait3A_268 = arith.constant 0 : i32
      %dma_wait3A_269 = tpu.memref_slice %arg3[%dma_wait3A_268] : memref<320000xi32, #tpu.memory_space<hbm>> -> memref<80xi32, #tpu.memory_space<hbm>>
      tpu.wait_dma2 semaphore(%arg19 : memref<!tpu.dma_semaphore, #tpu.memory_space<semaphore_mem>>) src(%dma_wait3A_269 : memref<80xi32, #tpu.memory_space<hbm>>) dst(%arg7 : memref<80xi32, #tpu.memory_space<vmem>>)
      %dma_wait3A_270 = arith.constant 0 : i32
      %dma_wait3A_271 = tpu.memref_slice %arg4[%dma_wait3A_270] : memref<320000xi32, #tpu.memory_space<hbm>> -> memref<80xi32, #tpu.memory_space<hbm>>
      %dma_wait3A_272 = arith.constant 0 : i32
      %dma_wait3A_273 = tpu.memref_slice %arg4[%dma_wait3A_272] : memref<320000xi32, #tpu.memory_space<hbm>> -> memref<80xi32, #tpu.memory_space<hbm>>
      tpu.wait_dma2 semaphore(%arg21 : memref<!tpu.dma_semaphore, #tpu.memory_space<semaphore_mem>>) src(%dma_wait3A_273 : memref<80xi32, #tpu.memory_space<hbm>>) dst(%arg9 : memref<80xi32, #tpu.memory_space<vmem>>)
      %dma_start3A_274 = arith.constant 0 : i32
      %dma_start3A_275 = arith.constant 0 : i32
      %dma_start3A_276 = tpu.memref_slice %arg2[%dma_start3A_274, %dma_start3A_275] : memref<10000x128xf32, #tpu.memory_space<hbm>> -> memref<10000x128xf32, #tpu.memory_space<hbm>>
      tpu.enqueue_indirect_dma source(%dma_start3A_276 : memref<10000x128xf32, #tpu.memory_space<hbm>>) target(%arg13 : memref<80x128xf32, #tpu.memory_space<vmem>>) offsets(%arg7 : memref<80xi32, #tpu.memory_space<vmem>>) semaphore(%arg25 : memref<!tpu.dma_semaphore, #tpu.memory_space<semaphore_mem>>)
      %ge3A_277 = arith.constant 1 : i32
      %ge3A_278 = arith.cmpi sge, %add3A_265, %ge3A_277 : i32
      %convert_element_type3A_279 = arith.extui %ge3A_278 : i1 to i32
      %cond3A_280 = arith.constant 0 : i32
      %cond3A_281 = arith.cmpi ne, %convert_element_type3A_279, %cond3A_280 : i32
      scf.if %cond3A_281 {
        %dma_wait3A_316 = arith.constant 0 : i32
        %dma_wait3A_317 = arith.constant 0 : i32
        %dma_wait3A_318 = tpu.memref_slice %arg18[%dma_wait3A_316, %dma_wait3A_317] : memref<10000x128xf32, #tpu.memory_space<vmem_shared>> -> memref<10000x128xf32, #tpu.memory_space<vmem_shared>>
        tpu.wait_indirect_dma semaphore(%arg29 : memref<!tpu.dma_semaphore, #tpu.memory_space<semaphore_mem>>) src(%arg15 : memref<80x128xf32, #tpu.memory_space<vmem>>) dst(%dma_wait3A_318 : memref<10000x128xf32, #tpu.memory_space<vmem_shared>>)
      } else {
      }
      %add3A_282 = arith.constant 1 : i32
      %add3A_283 = arith.addi %add3A_265, %add3A_282 : i32
      %mul3A_284 = arith.constant 80 : i32
      %mul3A_285 = arith.muli %add3A_283, %mul3A_284 : i32
      %add3A_286 = arith.addi %mul3A_37, %mul3A_285 : i32
      %dma_start3A_287 = arith.constant 0 : i32
      %dma_start3A_288 = tpu.memref_slice %arg5[%add3A_286, %dma_start3A_287] : memref<320000x128xf32, #tpu.memory_space<hbm>> -> memref<80x128xf32, #tpu.memory_space<hbm>>
      %dma_start3A_289 = arith.constant 0 : i32
      %dma_start3A_290 = tpu.memref_slice %arg5[%add3A_286, %dma_start3A_289] : memref<320000x128xf32, #tpu.memory_space<hbm>> -> memref<80x128xf32, #tpu.memory_space<hbm>>
      tpu.enqueue_dma source(%dma_start3A_290 : memref<80x128xf32, #tpu.memory_space<hbm>>) target(%arg15 : memref<80x128xf32, #tpu.memory_space<vmem>>) target_semaphore(%arg27 : memref<!tpu.dma_semaphore, #tpu.memory_space<semaphore_mem>>)
      %dma_wait3A_291 = arith.constant 0 : i32
      %dma_wait3A_292 = arith.constant 0 : i32
      %dma_wait3A_293 = tpu.memref_slice %arg2[%dma_wait3A_291, %dma_wait3A_292] : memref<10000x128xf32, #tpu.memory_space<hbm>> -> memref<10000x128xf32, #tpu.memory_space<hbm>>
      tpu.wait_indirect_dma semaphore(%arg26 : memref<!tpu.dma_semaphore, #tpu.memory_space<semaphore_mem>>) src(%dma_wait3A_293 : memref<10000x128xf32, #tpu.memory_space<hbm>>) dst(%arg14 : memref<80x128xf32, #tpu.memory_space<vmem>>)
      %dma_wait3A_294 = arith.constant 0 : i32
      %dma_wait3A_295 = arith.constant 0 : i32
      %dma_wait3A_296 = tpu.memref_slice %arg5[%dma_wait3A_294, %dma_wait3A_295] : memref<320000x128xf32, #tpu.memory_space<hbm>> -> memref<80x128xf32, #tpu.memory_space<hbm>>
      %dma_wait3A_297 = arith.constant 0 : i32
      %dma_wait3A_298 = arith.constant 0 : i32
      %dma_wait3A_299 = tpu.memref_slice %arg5[%dma_wait3A_297, %dma_wait3A_298] : memref<320000x128xf32, #tpu.memory_space<hbm>> -> memref<80x128xf32, #tpu.memory_space<hbm>>
      tpu.wait_dma2 semaphore(%arg28 : memref<!tpu.dma_semaphore, #tpu.memory_space<semaphore_mem>>) src(%dma_wait3A_299 : memref<80x128xf32, #tpu.memory_space<hbm>>) dst(%arg16 : memref<80x128xf32, #tpu.memory_space<vmem>>)
      %add3A_300 = arith.constant 2 : i32
      %add3A_301 = arith.addi %add3A_265, %add3A_300 : i32
      %lt3A_302 = arith.constant 125 : i32
      %lt3A_303 = arith.cmpi slt, %add3A_301, %lt3A_302 : i32
      %convert_element_type3A_304 = arith.extui %lt3A_303 : i1 to i32
      %cond3A_305 = arith.constant 0 : i32
      %cond3A_306 = arith.cmpi ne, %convert_element_type3A_304, %cond3A_305 : i32
      scf.if %cond3A_306 {
        %add3A_316 = arith.constant 2 : i32
        %add3A_317 = arith.addi %add3A_265, %add3A_316 : i32
        %mul3A_318 = arith.constant 80 : i32
        %mul3A_319 = arith.muli %add3A_317, %mul3A_318 : i32
        %add3A_320 = arith.addi %mul3A_37, %mul3A_319 : i32
        %dma_start3A_321 = tpu.memref_slice %arg3[%add3A_320] : memref<320000xi32, #tpu.memory_space<hbm>> -> memref<80xi32, #tpu.memory_space<hbm>>
        %dma_start3A_322 = tpu.memref_slice %arg3[%add3A_320] : memref<320000xi32, #tpu.memory_space<hbm>> -> memref<80xi32, #tpu.memory_space<hbm>>
        tpu.enqueue_dma source(%dma_start3A_322 : memref<80xi32, #tpu.memory_space<hbm>>) target(%arg8 : memref<80xi32, #tpu.memory_space<vmem>>) target_semaphore(%arg20 : memref<!tpu.dma_semaphore, #tpu.memory_space<semaphore_mem>>)
        %dma_start3A_323 = tpu.memref_slice %arg4[%add3A_320] : memref<320000xi32, #tpu.memory_space<hbm>> -> memref<80xi32, #tpu.memory_space<hbm>>
        %dma_start3A_324 = tpu.memref_slice %arg4[%add3A_320] : memref<320000xi32, #tpu.memory_space<hbm>> -> memref<80xi32, #tpu.memory_space<hbm>>
        tpu.enqueue_dma source(%dma_start3A_324 : memref<80xi32, #tpu.memory_space<hbm>>) target(%arg10 : memref<80xi32, #tpu.memory_space<vmem>>) target_semaphore(%arg22 : memref<!tpu.dma_semaphore, #tpu.memory_space<semaphore_mem>>)
      } else {
      }
      %scan3A_307 = arith.constant 0 : i32
      %scan3A_308 = arith.constant 0 : i32
      %scan3A_309 = arith.constant 40 : i32
      %scan3A_310 = arith.addi %scan3A_308, %scan3A_309 : i32
      %scan3A_311 = arith.constant 1 : i32
      scf.for %scan3A_316 = %scan3A_308 to %scan3A_310 step %scan3A_311  : i32 {
        %mul3A_317 = arith.constant 2 : i32
        %mul3A_318 = arith.muli %mul3A_317, %scan3A_316 : i32
        %add3A_319 = arith.constant 0 : i32
        %add3A_320 = arith.addi %mul3A_318, %add3A_319 : i32
        %get3A = arith.index_cast %add3A_320 : i32 to index
        %get3A_321 = arith.constant 0 : index
        %get3A_322 = tpu.vector_load %arg14[%get3A, %get3A_321] {strides = array<i32>} : memref<80x128xf32, #tpu.memory_space<vmem>>, vector<1x16xf32>,
        %get3A_323 = vector.shape_cast %get3A_322 : vector<1x16xf32> to vector<16xf32>
        %add3A_324 = arith.constant 0 : i32
        %add3A_325 = arith.addi %mul3A_318, %add3A_324 : i32
        %get3A_326 = arith.index_cast %add3A_325 : i32 to index
        %get3A_327 = arith.constant 0 : index
        %get3A_328 = tpu.vector_load %arg16[%get3A_326, %get3A_327] {strides = array<i32>} : memref<80x128xf32, #tpu.memory_space<vmem>>, vector<1x16xf32>,
        %get3A_329 = vector.shape_cast %get3A_328 : vector<1x16xf32> to vector<16xf32>
        %add3A_330 = arith.addf %get3A_323, %get3A_329 : vector<16xf32>
        %max3A = arith.constant 0.000000e+00 : f32
        %max3A_331 = vector.broadcast %max3A : f32 to vector<16xf32>
        %max3A_332 = arith.maximumf %add3A_330, %max3A_331 : vector<16xf32>
        %add3A_333 = arith.constant 0 : i32
        %add3A_334 = arith.addi %mul3A_318, %add3A_333 : i32
        %swap3A = arith.index_cast %add3A_334 : i32 to index
        %swap3A_335 = arith.constant 0 : index
        %swap3A_336 = tpu.vector_load %arg16[%swap3A, %swap3A_335] {strides = array<i32>} : memref<80x128xf32, #tpu.memory_space<vmem>>, vector<1x16xf32>,
        %swap3A_337 = vector.shape_cast %swap3A_336 : vector<1x16xf32> to vector<16xf32>
        %swap3A_338 = vector.shape_cast %max3A_332 : vector<16xf32> to vector<1x16xf32>
        tpu.vector_store %arg16[%swap3A, %swap3A_335], %swap3A_338 {strides = array<i32>} : memref<80x128xf32, #tpu.memory_space<vmem>>, vector<1x16xf32>,
        %add3A_339 = arith.constant 0 : i32
        %add3A_340 = arith.addi %mul3A_318, %add3A_339 : i32
        %get3A_341 = arith.index_cast %add3A_340 : i32 to index
        %get3A_342 = arith.constant 16 : index
        %get3A_343 = tpu.vector_load %arg14[%get3A_341, %get3A_342] {strides = array<i32>} : memref<80x128xf32, #tpu.memory_space<vmem>>, vector<1x16xf32>,
        %get3A_344 = vector.shape_cast %get3A_343 : vector<1x16xf32> to vector<16xf32>
        %add3A_345 = arith.constant 0 : i32
        %add3A_346 = arith.addi %mul3A_318, %add3A_345 : i32
        %get3A_347 = arith.index_cast %add3A_346 : i32 to index
        %get3A_348 = arith.constant 16 : index
        %get3A_349 = tpu.vector_load %arg16[%get3A_347, %get3A_348] {strides = array<i32>} : memref<80x128xf32, #tpu.memory_space<vmem>>, vector<1x16xf32>,
        %get3A_350 = vector.shape_cast %get3A_349 : vector<1x16xf32> to vector<16xf32>
        %add3A_351 = arith.addf %get3A_344, %get3A_350 : vector<16xf32>
        %max3A_352 = arith.constant 0.000000e+00 : f32
        %max3A_353 = vector.broadcast %max3A_352 : f32 to vector<16xf32>
        %max3A_354 = arith.maximumf %add3A_351, %max3A_353 : vector<16xf32>
        %add3A_355 = arith.constant 0 : i32
        %add3A_356 = arith.addi %mul3A_318, %add3A_355 : i32
        %swap3A_357 = arith.index_cast %add3A_356 : i32 to index
        %swap3A_358 = arith.constant 16 : index
        %swap3A_359 = tpu.vector_load %arg16[%swap3A_357, %swap3A_358] {strides = array<i32>} : memref<80x128xf32, #tpu.memory_space<vmem>>, vector<1x16xf32>,
        %swap3A_360 = vector.shape_cast %swap3A_359 : vector<1x16xf32> to vector<16xf32>
        %swap3A_361 = vector.shape_cast %max3A_354 : vector<16xf32> to vector<1x16xf32>
        tpu.vector_store %arg16[%swap3A_357, %swap3A_358], %swap3A_361 {strides = array<i32>} : memref<80x128xf32, #tpu.memory_space<vmem>>, vector<1x16xf32>,
        %add3A_362 = arith.constant 0 : i32
        %add3A_363 = arith.addi %mul3A_318, %add3A_362 : i32
        %get3A_364 = arith.index_cast %add3A_363 : i32 to index
        %get3A_365 = arith.constant 32 : index
        %get3A_366 = tpu.vector_load %arg14[%get3A_364, %get3A_365] {strides = array<i32>} : memref<80x128xf32, #tpu.memory_space<vmem>>, vector<1x16xf32>,
        %get3A_367 = vector.shape_cast %get3A_366 : vector<1x16xf32> to vector<16xf32>
        %add3A_368 = arith.constant 0 : i32
        %add3A_369 = arith.addi %mul3A_318, %add3A_368 : i32
        %get3A_370 = arith.index_cast %add3A_369 : i32 to index
        %get3A_371 = arith.constant 32 : index
        %get3A_372 = tpu.vector_load %arg16[%get3A_370, %get3A_371] {strides = array<i32>} : memref<80x128xf32, #tpu.memory_space<vmem>>, vector<1x16xf32>,
        %get3A_373 = vector.shape_cast %get3A_372 : vector<1x16xf32> to vector<16xf32>
        %add3A_374 = arith.addf %get3A_367, %get3A_373 : vector<16xf32>
        %max3A_375 = arith.constant 0.000000e+00 : f32
        %max3A_376 = vector.broadcast %max3A_375 : f32 to vector<16xf32>
        %max3A_377 = arith.maximumf %add3A_374, %max3A_376 : vector<16xf32>
        %add3A_378 = arith.constant 0 : i32
        %add3A_379 = arith.addi %mul3A_318, %add3A_378 : i32
        %swap3A_380 = arith.index_cast %add3A_379 : i32 to index
        %swap3A_381 = arith.constant 32 : index
        %swap3A_382 = tpu.vector_load %arg16[%swap3A_380, %swap3A_381] {strides = array<i32>} : memref<80x128xf32, #tpu.memory_space<vmem>>, vector<1x16xf32>,
        %swap3A_383 = vector.shape_cast %swap3A_382 : vector<1x16xf32> to vector<16xf32>
        %swap3A_384 = vector.shape_cast %max3A_377 : vector<16xf32> to vector<1x16xf32>
        tpu.vector_store %arg16[%swap3A_380, %swap3A_381], %swap3A_384 {strides = array<i32>} : memref<80x128xf32, #tpu.memory_space<vmem>>, vector<1x16xf32>,
        %add3A_385 = arith.constant 0 : i32
        %add3A_386 = arith.addi %mul3A_318, %add3A_385 : i32
        %get3A_387 = arith.index_cast %add3A_386 : i32 to index
        %get3A_388 = arith.constant 48 : index
        %get3A_389 = tpu.vector_load %arg14[%get3A_387, %get3A_388] {strides = array<i32>} : memref<80x128xf32, #tpu.memory_space<vmem>>, vector<1x16xf32>,
        %get3A_390 = vector.shape_cast %get3A_389 : vector<1x16xf32> to vector<16xf32>
        %add3A_391 = arith.constant 0 : i32
        %add3A_392 = arith.addi %mul3A_318, %add3A_391 : i32
        %get3A_393 = arith.index_cast %add3A_392 : i32 to index
        %get3A_394 = arith.constant 48 : index
        %get3A_395 = tpu.vector_load %arg16[%get3A_393, %get3A_394] {strides = array<i32>} : memref<80x128xf32, #tpu.memory_space<vmem>>, vector<1x16xf32>,
        %get3A_396 = vector.shape_cast %get3A_395 : vector<1x16xf32> to vector<16xf32>
        %add3A_397 = arith.addf %get3A_390, %get3A_396 : vector<16xf32>
        %max3A_398 = arith.constant 0.000000e+00 : f32
        %max3A_399 = vector.broadcast %max3A_398 : f32 to vector<16xf32>
        %max3A_400 = arith.maximumf %add3A_397, %max3A_399 : vector<16xf32>
        %add3A_401 = arith.constant 0 : i32
        %add3A_402 = arith.addi %mul3A_318, %add3A_401 : i32
        %swap3A_403 = arith.index_cast %add3A_402 : i32 to index
        %swap3A_404 = arith.constant 48 : index
        %swap3A_405 = tpu.vector_load %arg16[%swap3A_403, %swap3A_404] {strides = array<i32>} : memref<80x128xf32, #tpu.memory_space<vmem>>, vector<1x16xf32>,
        %swap3A_406 = vector.shape_cast %swap3A_405 : vector<1x16xf32> to vector<16xf32>
        %swap3A_407 = vector.shape_cast %max3A_400 : vector<16xf32> to vector<1x16xf32>
        tpu.vector_store %arg16[%swap3A_403, %swap3A_404], %swap3A_407 {strides = array<i32>} : memref<80x128xf32, #tpu.memory_space<vmem>>, vector<1x16xf32>,
        %add3A_408 = arith.constant 0 : i32
        %add3A_409 = arith.addi %mul3A_318, %add3A_408 : i32
        %get3A_410 = arith.index_cast %add3A_409 : i32 to index
        %get3A_411 = arith.constant 64 : index
        %get3A_412 = tpu.vector_load %arg14[%get3A_410, %get3A_411] {strides = array<i32>} : memref<80x128xf32, #tpu.memory_space<vmem>>, vector<1x16xf32>,
        %get3A_413 = vector.shape_cast %get3A_412 : vector<1x16xf32> to vector<16xf32>
        %add3A_414 = arith.constant 0 : i32
        %add3A_415 = arith.addi %mul3A_318, %add3A_414 : i32
        %get3A_416 = arith.index_cast %add3A_415 : i32 to index
        %get3A_417 = arith.constant 64 : index
        %get3A_418 = tpu.vector_load %arg16[%get3A_416, %get3A_417] {strides = array<i32>} : memref<80x128xf32, #tpu.memory_space<vmem>>, vector<1x16xf32>,
        %get3A_419 = vector.shape_cast %get3A_418 : vector<1x16xf32> to vector<16xf32>
        %add3A_420 = arith.addf %get3A_413, %get3A_419 : vector<16xf32>
        %max3A_421 = arith.constant 0.000000e+00 : f32
        %max3A_422 = vector.broadcast %max3A_421 : f32 to vector<16xf32>
        %max3A_423 = arith.maximumf %add3A_420, %max3A_422 : vector<16xf32>
        %add3A_424 = arith.constant 0 : i32
        %add3A_425 = arith.addi %mul3A_318, %add3A_424 : i32
        %swap3A_426 = arith.index_cast %add3A_425 : i32 to index
        %swap3A_427 = arith.constant 64 : index
        %swap3A_428 = tpu.vector_load %arg16[%swap3A_426, %swap3A_427] {strides = array<i32>} : memref<80x128xf32, #tpu.memory_space<vmem>>, vector<1x16xf32>,
        %swap3A_429 = vector.shape_cast %swap3A_428 : vector<1x16xf32> to vector<16xf32>
        %swap3A_430 = vector.shape_cast %max3A_423 : vector<16xf32> to vector<1x16xf32>
        tpu.vector_store %arg16[%swap3A_426, %swap3A_427], %swap3A_430 {strides = array<i32>} : memref<80x128xf32, #tpu.memory_space<vmem>>, vector<1x16xf32>,
        %add3A_431 = arith.constant 0 : i32
        %add3A_432 = arith.addi %mul3A_318, %add3A_431 : i32
        %get3A_433 = arith.index_cast %add3A_432 : i32 to index
        %get3A_434 = arith.constant 80 : index
        %get3A_435 = tpu.vector_load %arg14[%get3A_433, %get3A_434] {strides = array<i32>} : memref<80x128xf32, #tpu.memory_space<vmem>>, vector<1x16xf32>,
        %get3A_436 = vector.shape_cast %get3A_435 : vector<1x16xf32> to vector<16xf32>
        %add3A_437 = arith.constant 0 : i32
        %add3A_438 = arith.addi %mul3A_318, %add3A_437 : i32
        %get3A_439 = arith.index_cast %add3A_438 : i32 to index
        %get3A_440 = arith.constant 80 : index
        %get3A_441 = tpu.vector_load %arg16[%get3A_439, %get3A_440] {strides = array<i32>} : memref<80x128xf32, #tpu.memory_space<vmem>>, vector<1x16xf32>,
        %get3A_442 = vector.shape_cast %get3A_441 : vector<1x16xf32> to vector<16xf32>
        %add3A_443 = arith.addf %get3A_436, %get3A_442 : vector<16xf32>
        %max3A_444 = arith.constant 0.000000e+00 : f32
        %max3A_445 = vector.broadcast %max3A_444 : f32 to vector<16xf32>
        %max3A_446 = arith.maximumf %add3A_443, %max3A_445 : vector<16xf32>
        %add3A_447 = arith.constant 0 : i32
        %add3A_448 = arith.addi %mul3A_318, %add3A_447 : i32
        %swap3A_449 = arith.index_cast %add3A_448 : i32 to index
        %swap3A_450 = arith.constant 80 : index
        %swap3A_451 = tpu.vector_load %arg16[%swap3A_449, %swap3A_450] {strides = array<i32>} : memref<80x128xf32, #tpu.memory_space<vmem>>, vector<1x16xf32>,
        %swap3A_452 = vector.shape_cast %swap3A_451 : vector<1x16xf32> to vector<16xf32>
        %swap3A_453 = vector.shape_cast %max3A_446 : vector<16xf32> to vector<1x16xf32>
        tpu.vector_store %arg16[%swap3A_449, %swap3A_450], %swap3A_453 {strides = array<i32>} : memref<80x128xf32, #tpu.memory_space<vmem>>, vector<1x16xf32>,
        %add3A_454 = arith.constant 0 : i32
        %add3A_455 = arith.addi %mul3A_318, %add3A_454 : i32
        %get3A_456 = arith.index_cast %add3A_455 : i32 to index
        %get3A_457 = arith.constant 96 : index
        %get3A_458 = tpu.vector_load %arg14[%get3A_456, %get3A_457] {strides = array<i32>} : memref<80x128xf32, #tpu.memory_space<vmem>>, vector<1x16xf32>,
        %get3A_459 = vector.shape_cast %get3A_458 : vector<1x16xf32> to vector<16xf32>
        %add3A_460 = arith.constant 0 : i32
        %add3A_461 = arith.addi %mul3A_318, %add3A_460 : i32
        %get3A_462 = arith.index_cast %add3A_461 : i32 to index
        %get3A_463 = arith.constant 96 : index
        %get3A_464 = tpu.vector_load %arg16[%get3A_462, %get3A_463] {strides = array<i32>} : memref<80x128xf32, #tpu.memory_space<vmem>>, vector<1x16xf32>,
        %get3A_465 = vector.shape_cast %get3A_464 : vector<1x16xf32> to vector<16xf32>
        %add3A_466 = arith.addf %get3A_459, %get3A_465 : vector<16xf32>
        %max3A_467 = arith.constant 0.000000e+00 : f32
        %max3A_468 = vector.broadcast %max3A_467 : f32 to vector<16xf32>
        %max3A_469 = arith.maximumf %add3A_466, %max3A_468 : vector<16xf32>
        %add3A_470 = arith.constant 0 : i32
        %add3A_471 = arith.addi %mul3A_318, %add3A_470 : i32
        %swap3A_472 = arith.index_cast %add3A_471 : i32 to index
        %swap3A_473 = arith.constant 96 : index
        %swap3A_474 = tpu.vector_load %arg16[%swap3A_472, %swap3A_473] {strides = array<i32>} : memref<80x128xf32, #tpu.memory_space<vmem>>, vector<1x16xf32>,
        %swap3A_475 = vector.shape_cast %swap3A_474 : vector<1x16xf32> to vector<16xf32>
        %swap3A_476 = vector.shape_cast %max3A_469 : vector<16xf32> to vector<1x16xf32>
        tpu.vector_store %arg16[%swap3A_472, %swap3A_473], %swap3A_476 {strides = array<i32>} : memref<80x128xf32, #tpu.memory_space<vmem>>, vector<1x16xf32>,
        %add3A_477 = arith.constant 0 : i32
        %add3A_478 = arith.addi %mul3A_318, %add3A_477 : i32
        %get3A_479 = arith.index_cast %add3A_478 : i32 to index
        %get3A_480 = arith.constant 112 : index
        %get3A_481 = tpu.vector_load %arg14[%get3A_479, %get3A_480] {strides = array<i32>} : memref<80x128xf32, #tpu.memory_space<vmem>>, vector<1x16xf32>,
        %get3A_482 = vector.shape_cast %get3A_481 : vector<1x16xf32> to vector<16xf32>
        %add3A_483 = arith.constant 0 : i32
        %add3A_484 = arith.addi %mul3A_318, %add3A_483 : i32
        %get3A_485 = arith.index_cast %add3A_484 : i32 to index
        %get3A_486 = arith.constant 112 : index
        %get3A_487 = tpu.vector_load %arg16[%get3A_485, %get3A_486] {strides = array<i32>} : memref<80x128xf32, #tpu.memory_space<vmem>>, vector<1x16xf32>,
        %get3A_488 = vector.shape_cast %get3A_487 : vector<1x16xf32> to vector<16xf32>
        %add3A_489 = arith.addf %get3A_482, %get3A_488 : vector<16xf32>
        %max3A_490 = arith.constant 0.000000e+00 : f32
        %max3A_491 = vector.broadcast %max3A_490 : f32 to vector<16xf32>
        %max3A_492 = arith.maximumf %add3A_489, %max3A_491 : vector<16xf32>
        %add3A_493 = arith.constant 0 : i32
        %add3A_494 = arith.addi %mul3A_318, %add3A_493 : i32
        %swap3A_495 = arith.index_cast %add3A_494 : i32 to index
        %swap3A_496 = arith.constant 112 : index
        %swap3A_497 = tpu.vector_load %arg16[%swap3A_495, %swap3A_496] {strides = array<i32>} : memref<80x128xf32, #tpu.memory_space<vmem>>, vector<1x16xf32>,
        %swap3A_498 = vector.shape_cast %swap3A_497 : vector<1x16xf32> to vector<16xf32>
        %swap3A_499 = vector.shape_cast %max3A_492 : vector<16xf32> to vector<1x16xf32>
        tpu.vector_store %arg16[%swap3A_495, %swap3A_496], %swap3A_499 {strides = array<i32>} : memref<80x128xf32, #tpu.memory_space<vmem>>, vector<1x16xf32>,
        %add3A_500 = arith.constant 1 : i32
        %add3A_501 = arith.addi %mul3A_318, %add3A_500 : i32
        %get3A_502 = arith.index_cast %add3A_501 : i32 to index
        %get3A_503 = arith.constant 0 : index
        %get3A_504 = tpu.vector_load %arg14[%get3A_502, %get3A_503] {strides = array<i32>} : memref<80x128xf32, #tpu.memory_space<vmem>>, vector<1x16xf32>,
        %get3A_505 = vector.shape_cast %get3A_504 : vector<1x16xf32> to vector<16xf32>
        %add3A_506 = arith.constant 1 : i32
        %add3A_507 = arith.addi %mul3A_318, %add3A_506 : i32
        %get3A_508 = arith.index_cast %add3A_507 : i32 to index
        %get3A_509 = arith.constant 0 : index
        %get3A_510 = tpu.vector_load %arg16[%get3A_508, %get3A_509] {strides = array<i32>} : memref<80x128xf32, #tpu.memory_space<vmem>>, vector<1x16xf32>,
        %get3A_511 = vector.shape_cast %get3A_510 : vector<1x16xf32> to vector<16xf32>
        %add3A_512 = arith.addf %get3A_505, %get3A_511 : vector<16xf32>
        %max3A_513 = arith.constant 0.000000e+00 : f32
        %max3A_514 = vector.broadcast %max3A_513 : f32 to vector<16xf32>
        %max3A_515 = arith.maximumf %add3A_512, %max3A_514 : vector<16xf32>
        %add3A_516 = arith.constant 1 : i32
        %add3A_517 = arith.addi %mul3A_318, %add3A_516 : i32
        %swap3A_518 = arith.index_cast %add3A_517 : i32 to index
        %swap3A_519 = arith.constant 0 : index
        %swap3A_520 = tpu.vector_load %arg16[%swap3A_518, %swap3A_519] {strides = array<i32>} : memref<80x128xf32, #tpu.memory_space<vmem>>, vector<1x16xf32>,
        %swap3A_521 = vector.shape_cast %swap3A_520 : vector<1x16xf32> to vector<16xf32>
        %swap3A_522 = vector.shape_cast %max3A_515 : vector<16xf32> to vector<1x16xf32>
        tpu.vector_store %arg16[%swap3A_518, %swap3A_519], %swap3A_522 {strides = array<i32>} : memref<80x128xf32, #tpu.memory_space<vmem>>, vector<1x16xf32>,
        %add3A_523 = arith.constant 1 : i32
        %add3A_524 = arith.addi %mul3A_318, %add3A_523 : i32
        %get3A_525 = arith.index_cast %add3A_524 : i32 to index
        %get3A_526 = arith.constant 16 : index
        %get3A_527 = tpu.vector_load %arg14[%get3A_525, %get3A_526] {strides = array<i32>} : memref<80x128xf32, #tpu.memory_space<vmem>>, vector<1x16xf32>,
        %get3A_528 = vector.shape_cast %get3A_527 : vector<1x16xf32> to vector<16xf32>
        %add3A_529 = arith.constant 1 : i32
        %add3A_530 = arith.addi %mul3A_318, %add3A_529 : i32
        %get3A_531 = arith.index_cast %add3A_530 : i32 to index
        %get3A_532 = arith.constant 16 : index
        %get3A_533 = tpu.vector_load %arg16[%get3A_531, %get3A_532] {strides = array<i32>} : memref<80x128xf32, #tpu.memory_space<vmem>>, vector<1x16xf32>,
        %get3A_534 = vector.shape_cast %get3A_533 : vector<1x16xf32> to vector<16xf32>
        %add3A_535 = arith.addf %get3A_528, %get3A_534 : vector<16xf32>
        %max3A_536 = arith.constant 0.000000e+00 : f32
        %max3A_537 = vector.broadcast %max3A_536 : f32 to vector<16xf32>
        %max3A_538 = arith.maximumf %add3A_535, %max3A_537 : vector<16xf32>
        %add3A_539 = arith.constant 1 : i32
        %add3A_540 = arith.addi %mul3A_318, %add3A_539 : i32
        %swap3A_541 = arith.index_cast %add3A_540 : i32 to index
        %swap3A_542 = arith.constant 16 : index
        %swap3A_543 = tpu.vector_load %arg16[%swap3A_541, %swap3A_542] {strides = array<i32>} : memref<80x128xf32, #tpu.memory_space<vmem>>, vector<1x16xf32>,
        %swap3A_544 = vector.shape_cast %swap3A_543 : vector<1x16xf32> to vector<16xf32>
        %swap3A_545 = vector.shape_cast %max3A_538 : vector<16xf32> to vector<1x16xf32>
        tpu.vector_store %arg16[%swap3A_541, %swap3A_542], %swap3A_545 {strides = array<i32>} : memref<80x128xf32, #tpu.memory_space<vmem>>, vector<1x16xf32>,
        %add3A_546 = arith.constant 1 : i32
        %add3A_547 = arith.addi %mul3A_318, %add3A_546 : i32
        %get3A_548 = arith.index_cast %add3A_547 : i32 to index
        %get3A_549 = arith.constant 32 : index
        %get3A_550 = tpu.vector_load %arg14[%get3A_548, %get3A_549] {strides = array<i32>} : memref<80x128xf32, #tpu.memory_space<vmem>>, vector<1x16xf32>,
        %get3A_551 = vector.shape_cast %get3A_550 : vector<1x16xf32> to vector<16xf32>
        %add3A_552 = arith.constant 1 : i32
        %add3A_553 = arith.addi %mul3A_318, %add3A_552 : i32
        %get3A_554 = arith.index_cast %add3A_553 : i32 to index
        %get3A_555 = arith.constant 32 : index
        %get3A_556 = tpu.vector_load %arg16[%get3A_554, %get3A_555] {strides = array<i32>} : memref<80x128xf32, #tpu.memory_space<vmem>>, vector<1x16xf32>,
        %get3A_557 = vector.shape_cast %get3A_556 : vector<1x16xf32> to vector<16xf32>
        %add3A_558 = arith.addf %get3A_551, %get3A_557 : vector<16xf32>
        %max3A_559 = arith.constant 0.000000e+00 : f32
        %max3A_560 = vector.broadcast %max3A_559 : f32 to vector<16xf32>
        %max3A_561 = arith.maximumf %add3A_558, %max3A_560 : vector<16xf32>
        %add3A_562 = arith.constant 1 : i32
        %add3A_563 = arith.addi %mul3A_318, %add3A_562 : i32
        %swap3A_564 = arith.index_cast %add3A_563 : i32 to index
        %swap3A_565 = arith.constant 32 : index
        %swap3A_566 = tpu.vector_load %arg16[%swap3A_564, %swap3A_565] {strides = array<i32>} : memref<80x128xf32, #tpu.memory_space<vmem>>, vector<1x16xf32>,
        %swap3A_567 = vector.shape_cast %swap3A_566 : vector<1x16xf32> to vector<16xf32>
        %swap3A_568 = vector.shape_cast %max3A_561 : vector<16xf32> to vector<1x16xf32>
        tpu.vector_store %arg16[%swap3A_564, %swap3A_565], %swap3A_568 {strides = array<i32>} : memref<80x128xf32, #tpu.memory_space<vmem>>, vector<1x16xf32>,
        %add3A_569 = arith.constant 1 : i32
        %add3A_570 = arith.addi %mul3A_318, %add3A_569 : i32
        %get3A_571 = arith.index_cast %add3A_570 : i32 to index
        %get3A_572 = arith.constant 48 : index
        %get3A_573 = tpu.vector_load %arg14[%get3A_571, %get3A_572] {strides = array<i32>} : memref<80x128xf32, #tpu.memory_space<vmem>>, vector<1x16xf32>,
        %get3A_574 = vector.shape_cast %get3A_573 : vector<1x16xf32> to vector<16xf32>
        %add3A_575 = arith.constant 1 : i32
        %add3A_576 = arith.addi %mul3A_318, %add3A_575 : i32
        %get3A_577 = arith.index_cast %add3A_576 : i32 to index
        %get3A_578 = arith.constant 48 : index
        %get3A_579 = tpu.vector_load %arg16[%get3A_577, %get3A_578] {strides = array<i32>} : memref<80x128xf32, #tpu.memory_space<vmem>>, vector<1x16xf32>,
        %get3A_580 = vector.shape_cast %get3A_579 : vector<1x16xf32> to vector<16xf32>
        %add3A_581 = arith.addf %get3A_574, %get3A_580 : vector<16xf32>
        %max3A_582 = arith.constant 0.000000e+00 : f32
        %max3A_583 = vector.broadcast %max3A_582 : f32 to vector<16xf32>
        %max3A_584 = arith.maximumf %add3A_581, %max3A_583 : vector<16xf32>
        %add3A_585 = arith.constant 1 : i32
        %add3A_586 = arith.addi %mul3A_318, %add3A_585 : i32
        %swap3A_587 = arith.index_cast %add3A_586 : i32 to index
        %swap3A_588 = arith.constant 48 : index
        %swap3A_589 = tpu.vector_load %arg16[%swap3A_587, %swap3A_588] {strides = array<i32>} : memref<80x128xf32, #tpu.memory_space<vmem>>, vector<1x16xf32>,
        %swap3A_590 = vector.shape_cast %swap3A_589 : vector<1x16xf32> to vector<16xf32>
        %swap3A_591 = vector.shape_cast %max3A_584 : vector<16xf32> to vector<1x16xf32>
        tpu.vector_store %arg16[%swap3A_587, %swap3A_588], %swap3A_591 {strides = array<i32>} : memref<80x128xf32, #tpu.memory_space<vmem>>, vector<1x16xf32>,
        %add3A_592 = arith.constant 1 : i32
        %add3A_593 = arith.addi %mul3A_318, %add3A_592 : i32
        %get3A_594 = arith.index_cast %add3A_593 : i32 to index
        %get3A_595 = arith.constant 64 : index
        %get3A_596 = tpu.vector_load %arg14[%get3A_594, %get3A_595] {strides = array<i32>} : memref<80x128xf32, #tpu.memory_space<vmem>>, vector<1x16xf32>,
        %get3A_597 = vector.shape_cast %get3A_596 : vector<1x16xf32> to vector<16xf32>
        %add3A_598 = arith.constant 1 : i32
        %add3A_599 = arith.addi %mul3A_318, %add3A_598 : i32
        %get3A_600 = arith.index_cast %add3A_599 : i32 to index
        %get3A_601 = arith.constant 64 : index
        %get3A_602 = tpu.vector_load %arg16[%get3A_600, %get3A_601] {strides = array<i32>} : memref<80x128xf32, #tpu.memory_space<vmem>>, vector<1x16xf32>,
        %get3A_603 = vector.shape_cast %get3A_602 : vector<1x16xf32> to vector<16xf32>
        %add3A_604 = arith.addf %get3A_597, %get3A_603 : vector<16xf32>
        %max3A_605 = arith.constant 0.000000e+00 : f32
        %max3A_606 = vector.broadcast %max3A_605 : f32 to vector<16xf32>
        %max3A_607 = arith.maximumf %add3A_604, %max3A_606 : vector<16xf32>
        %add3A_608 = arith.constant 1 : i32
        %add3A_609 = arith.addi %mul3A_318, %add3A_608 : i32
        %swap3A_610 = arith.index_cast %add3A_609 : i32 to index
        %swap3A_611 = arith.constant 64 : index
        %swap3A_612 = tpu.vector_load %arg16[%swap3A_610, %swap3A_611] {strides = array<i32>} : memref<80x128xf32, #tpu.memory_space<vmem>>, vector<1x16xf32>,
        %swap3A_613 = vector.shape_cast %swap3A_612 : vector<1x16xf32> to vector<16xf32>
        %swap3A_614 = vector.shape_cast %max3A_607 : vector<16xf32> to vector<1x16xf32>
        tpu.vector_store %arg16[%swap3A_610, %swap3A_611], %swap3A_614 {strides = array<i32>} : memref<80x128xf32, #tpu.memory_space<vmem>>, vector<1x16xf32>,
        %add3A_615 = arith.constant 1 : i32
        %add3A_616 = arith.addi %mul3A_318, %add3A_615 : i32
        %get3A_617 = arith.index_cast %add3A_616 : i32 to index
        %get3A_618 = arith.constant 80 : index
        %get3A_619 = tpu.vector_load %arg14[%get3A_617, %get3A_618] {strides = array<i32>} : memref<80x128xf32, #tpu.memory_space<vmem>>, vector<1x16xf32>,
        %get3A_620 = vector.shape_cast %get3A_619 : vector<1x16xf32> to vector<16xf32>
        %add3A_621 = arith.constant 1 : i32
        %add3A_622 = arith.addi %mul3A_318, %add3A_621 : i32
        %get3A_623 = arith.index_cast %add3A_622 : i32 to index
        %get3A_624 = arith.constant 80 : index
        %get3A_625 = tpu.vector_load %arg16[%get3A_623, %get3A_624] {strides = array<i32>} : memref<80x128xf32, #tpu.memory_space<vmem>>, vector<1x16xf32>,
        %get3A_626 = vector.shape_cast %get3A_625 : vector<1x16xf32> to vector<16xf32>
        %add3A_627 = arith.addf %get3A_620, %get3A_626 : vector<16xf32>
        %max3A_628 = arith.constant 0.000000e+00 : f32
        %max3A_629 = vector.broadcast %max3A_628 : f32 to vector<16xf32>
        %max3A_630 = arith.maximumf %add3A_627, %max3A_629 : vector<16xf32>
        %add3A_631 = arith.constant 1 : i32
        %add3A_632 = arith.addi %mul3A_318, %add3A_631 : i32
        %swap3A_633 = arith.index_cast %add3A_632 : i32 to index
        %swap3A_634 = arith.constant 80 : index
        %swap3A_635 = tpu.vector_load %arg16[%swap3A_633, %swap3A_634] {strides = array<i32>} : memref<80x128xf32, #tpu.memory_space<vmem>>, vector<1x16xf32>,
        %swap3A_636 = vector.shape_cast %swap3A_635 : vector<1x16xf32> to vector<16xf32>
        %swap3A_637 = vector.shape_cast %max3A_630 : vector<16xf32> to vector<1x16xf32>
        tpu.vector_store %arg16[%swap3A_633, %swap3A_634], %swap3A_637 {strides = array<i32>} : memref<80x128xf32, #tpu.memory_space<vmem>>, vector<1x16xf32>,
        %add3A_638 = arith.constant 1 : i32
        %add3A_639 = arith.addi %mul3A_318, %add3A_638 : i32
        %get3A_640 = arith.index_cast %add3A_639 : i32 to index
        %get3A_641 = arith.constant 96 : index
        %get3A_642 = tpu.vector_load %arg14[%get3A_640, %get3A_641] {strides = array<i32>} : memref<80x128xf32, #tpu.memory_space<vmem>>, vector<1x16xf32>,
        %get3A_643 = vector.shape_cast %get3A_642 : vector<1x16xf32> to vector<16xf32>
        %add3A_644 = arith.constant 1 : i32
        %add3A_645 = arith.addi %mul3A_318, %add3A_644 : i32
        %get3A_646 = arith.index_cast %add3A_645 : i32 to index
        %get3A_647 = arith.constant 96 : index
        %get3A_648 = tpu.vector_load %arg16[%get3A_646, %get3A_647] {strides = array<i32>} : memref<80x128xf32, #tpu.memory_space<vmem>>, vector<1x16xf32>,
        %get3A_649 = vector.shape_cast %get3A_648 : vector<1x16xf32> to vector<16xf32>
        %add3A_650 = arith.addf %get3A_643, %get3A_649 : vector<16xf32>
        %max3A_651 = arith.constant 0.000000e+00 : f32
        %max3A_652 = vector.broadcast %max3A_651 : f32 to vector<16xf32>
        %max3A_653 = arith.maximumf %add3A_650, %max3A_652 : vector<16xf32>
        %add3A_654 = arith.constant 1 : i32
        %add3A_655 = arith.addi %mul3A_318, %add3A_654 : i32
        %swap3A_656 = arith.index_cast %add3A_655 : i32 to index
        %swap3A_657 = arith.constant 96 : index
        %swap3A_658 = tpu.vector_load %arg16[%swap3A_656, %swap3A_657] {strides = array<i32>} : memref<80x128xf32, #tpu.memory_space<vmem>>, vector<1x16xf32>,
        %swap3A_659 = vector.shape_cast %swap3A_658 : vector<1x16xf32> to vector<16xf32>
        %swap3A_660 = vector.shape_cast %max3A_653 : vector<16xf32> to vector<1x16xf32>
        tpu.vector_store %arg16[%swap3A_656, %swap3A_657], %swap3A_660 {strides = array<i32>} : memref<80x128xf32, #tpu.memory_space<vmem>>, vector<1x16xf32>,
        %add3A_661 = arith.constant 1 : i32
        %add3A_662 = arith.addi %mul3A_318, %add3A_661 : i32
        %get3A_663 = arith.index_cast %add3A_662 : i32 to index
        %get3A_664 = arith.constant 112 : index
        %get3A_665 = tpu.vector_load %arg14[%get3A_663, %get3A_664] {strides = array<i32>} : memref<80x128xf32, #tpu.memory_space<vmem>>, vector<1x16xf32>,
        %get3A_666 = vector.shape_cast %get3A_665 : vector<1x16xf32> to vector<16xf32>
        %add3A_667 = arith.constant 1 : i32
        %add3A_668 = arith.addi %mul3A_318, %add3A_667 : i32
        %get3A_669 = arith.index_cast %add3A_668 : i32 to index
        %get3A_670 = arith.constant 112 : index
        %get3A_671 = tpu.vector_load %arg16[%get3A_669, %get3A_670] {strides = array<i32>} : memref<80x128xf32, #tpu.memory_space<vmem>>, vector<1x16xf32>,
        %get3A_672 = vector.shape_cast %get3A_671 : vector<1x16xf32> to vector<16xf32>
        %add3A_673 = arith.addf %get3A_666, %get3A_672 : vector<16xf32>
        %max3A_674 = arith.constant 0.000000e+00 : f32
        %max3A_675 = vector.broadcast %max3A_674 : f32 to vector<16xf32>
        %max3A_676 = arith.maximumf %add3A_673, %max3A_675 : vector<16xf32>
        %add3A_677 = arith.constant 1 : i32
        %add3A_678 = arith.addi %mul3A_318, %add3A_677 : i32
        %swap3A_679 = arith.index_cast %add3A_678 : i32 to index
        %swap3A_680 = arith.constant 112 : index
        %swap3A_681 = tpu.vector_load %arg16[%swap3A_679, %swap3A_680] {strides = array<i32>} : memref<80x128xf32, #tpu.memory_space<vmem>>, vector<1x16xf32>,
        %swap3A_682 = vector.shape_cast %swap3A_681 : vector<1x16xf32> to vector<16xf32>
        %swap3A_683 = vector.shape_cast %max3A_676 : vector<16xf32> to vector<1x16xf32>
        tpu.vector_store %arg16[%swap3A_679, %swap3A_680], %swap3A_683 {strides = array<i32>} : memref<80x128xf32, #tpu.memory_space<vmem>>, vector<1x16xf32>,
      }
      %scan3A_312 = arith.constant 40 : i32
      %dma_start3A_313 = arith.constant 0 : i32
      %dma_start3A_314 = arith.constant 0 : i32
      %dma_start3A_315 = tpu.memref_slice %arg18[%dma_start3A_313, %dma_start3A_314] : memref<10000x128xf32, #tpu.memory_space<vmem_shared>> -> memref<10000x128xf32, #tpu.memory_space<vmem_shared>>
      tpu.enqueue_indirect_dma source(%arg16 : memref<80x128xf32, #tpu.memory_space<vmem>>) target(%dma_start3A_315 : memref<10000x128xf32, #tpu.memory_space<vmem_shared>>) offsets(%arg12 : memref<80xi32, #tpu.memory_space<vmem>>) semaphore(%arg30 : memref<!tpu.dma_semaphore, #tpu.memory_space<semaphore_mem>>) {add = true}
    }
    %scan3A_70 = arith.constant 31 : i32
    %dma_wait3A_71 = arith.constant 0 : i32
    %dma_wait3A_72 = arith.constant 0 : i32
    %dma_wait3A_73 = tpu.memref_slice %arg2[%dma_wait3A_71, %dma_wait3A_72] : memref<10000x128xf32, #tpu.memory_space<hbm>> -> memref<10000x128xf32, #tpu.memory_space<hbm>>
    tpu.wait_indirect_dma semaphore(%arg25 : memref<!tpu.dma_semaphore, #tpu.memory_space<semaphore_mem>>) src(%dma_wait3A_73 : memref<10000x128xf32, #tpu.memory_space<hbm>>) dst(%arg13 : memref<80x128xf32, #tpu.memory_space<vmem>>)
    %dma_wait3A_74 = arith.constant 0 : i32
    %dma_wait3A_75 = arith.constant 0 : i32
    %dma_wait3A_76 = tpu.memref_slice %arg5[%dma_wait3A_74, %dma_wait3A_75] : memref<320000x128xf32, #tpu.memory_space<hbm>> -> memref<80x128xf32, #tpu.memory_space<hbm>>
    %dma_wait3A_77 = arith.constant 0 : i32
    %dma_wait3A_78 = arith.constant 0 : i32
    %dma_wait3A_79 = tpu.memref_slice %arg5[%dma_wait3A_77, %dma_wait3A_78] : memref<320000x128xf32, #tpu.memory_space<hbm>> -> memref<80x128xf32, #tpu.memory_space<hbm>>
    tpu.wait_dma2 semaphore(%arg27 : memref<!tpu.dma_semaphore, #tpu.memory_space<semaphore_mem>>) src(%dma_wait3A_79 : memref<80x128xf32, #tpu.memory_space<hbm>>) dst(%arg15 : memref<80x128xf32, #tpu.memory_space<vmem>>)
    %dma_wait3A_80 = arith.constant 0 : i32
    %dma_wait3A_81 = arith.constant 0 : i32
    %dma_wait3A_82 = tpu.memref_slice %arg18[%dma_wait3A_80, %dma_wait3A_81] : memref<10000x128xf32, #tpu.memory_space<vmem_shared>> -> memref<10000x128xf32, #tpu.memory_space<vmem_shared>>
    tpu.wait_indirect_dma semaphore(%arg30 : memref<!tpu.dma_semaphore, #tpu.memory_space<semaphore_mem>>) src(%arg16 : memref<80x128xf32, #tpu.memory_space<vmem>>) dst(%dma_wait3A_82 : memref<10000x128xf32, #tpu.memory_space<vmem_shared>>)
    %scan3A_83 = arith.constant 0 : i32
    %scan3A_84 = arith.constant 0 : i32
    %scan3A_85 = arith.constant 40 : i32
    %scan3A_86 = arith.addi %scan3A_84, %scan3A_85 : i32
    %scan3A_87 = arith.constant 1 : i32
    scf.for %scan3A_101 = %scan3A_84 to %scan3A_86 step %scan3A_87  : i32 {
      %mul3A_102 = arith.constant 2 : i32
      %mul3A_103 = arith.muli %mul3A_102, %scan3A_101 : i32
      %add3A_104 = arith.constant 0 : i32
      %add3A_105 = arith.addi %mul3A_103, %add3A_104 : i32
      %get3A = arith.index_cast %add3A_105 : i32 to index
      %get3A_106 = arith.constant 0 : index
      %get3A_107 = tpu.vector_load %arg13[%get3A, %get3A_106] {strides = array<i32>} : memref<80x128xf32, #tpu.memory_space<vmem>>, vector<1x16xf32>,
      %get3A_108 = vector.shape_cast %get3A_107 : vector<1x16xf32> to vector<16xf32>
      %add3A_109 = arith.constant 0 : i32
      %add3A_110 = arith.addi %mul3A_103, %add3A_109 : i32
      %get3A_111 = arith.index_cast %add3A_110 : i32 to index
      %get3A_112 = arith.constant 0 : index
      %get3A_113 = tpu.vector_load %arg15[%get3A_111, %get3A_112] {strides = array<i32>} : memref<80x128xf32, #tpu.memory_space<vmem>>, vector<1x16xf32>,
      %get3A_114 = vector.shape_cast %get3A_113 : vector<1x16xf32> to vector<16xf32>
      %add3A_115 = arith.addf %get3A_108, %get3A_114 : vector<16xf32>
      %max3A = arith.constant 0.000000e+00 : f32
      %max3A_116 = vector.broadcast %max3A : f32 to vector<16xf32>
      %max3A_117 = arith.maximumf %add3A_115, %max3A_116 : vector<16xf32>
      %add3A_118 = arith.constant 0 : i32
      %add3A_119 = arith.addi %mul3A_103, %add3A_118 : i32
      %swap3A = arith.index_cast %add3A_119 : i32 to index
      %swap3A_120 = arith.constant 0 : index
      %swap3A_121 = tpu.vector_load %arg15[%swap3A, %swap3A_120] {strides = array<i32>} : memref<80x128xf32, #tpu.memory_space<vmem>>, vector<1x16xf32>,
      %swap3A_122 = vector.shape_cast %swap3A_121 : vector<1x16xf32> to vector<16xf32>
      %swap3A_123 = vector.shape_cast %max3A_117 : vector<16xf32> to vector<1x16xf32>
      tpu.vector_store %arg15[%swap3A, %swap3A_120], %swap3A_123 {strides = array<i32>} : memref<80x128xf32, #tpu.memory_space<vmem>>, vector<1x16xf32>,
      %add3A_124 = arith.constant 0 : i32
      %add3A_125 = arith.addi %mul3A_103, %add3A_124 : i32
      %get3A_126 = arith.index_cast %add3A_125 : i32 to index
      %get3A_127 = arith.constant 16 : index
      %get3A_128 = tpu.vector_load %arg13[%get3A_126, %get3A_127] {strides = array<i32>} : memref<80x128xf32, #tpu.memory_space<vmem>>, vector<1x16xf32>,
      %get3A_129 = vector.shape_cast %get3A_128 : vector<1x16xf32> to vector<16xf32>
      %add3A_130 = arith.constant 0 : i32
      %add3A_131 = arith.addi %mul3A_103, %add3A_130 : i32
      %get3A_132 = arith.index_cast %add3A_131 : i32 to index
      %get3A_133 = arith.constant 16 : index
      %get3A_134 = tpu.vector_load %arg15[%get3A_132, %get3A_133] {strides = array<i32>} : memref<80x128xf32, #tpu.memory_space<vmem>>, vector<1x16xf32>,
      %get3A_135 = vector.shape_cast %get3A_134 : vector<1x16xf32> to vector<16xf32>
      %add3A_136 = arith.addf %get3A_129, %get3A_135 : vector<16xf32>
      %max3A_137 = arith.constant 0.000000e+00 : f32
      %max3A_138 = vector.broadcast %max3A_137 : f32 to vector<16xf32>
      %max3A_139 = arith.maximumf %add3A_136, %max3A_138 : vector<16xf32>
      %add3A_140 = arith.constant 0 : i32
      %add3A_141 = arith.addi %mul3A_103, %add3A_140 : i32
      %swap3A_142 = arith.index_cast %add3A_141 : i32 to index
      %swap3A_143 = arith.constant 16 : index
      %swap3A_144 = tpu.vector_load %arg15[%swap3A_142, %swap3A_143] {strides = array<i32>} : memref<80x128xf32, #tpu.memory_space<vmem>>, vector<1x16xf32>,
      %swap3A_145 = vector.shape_cast %swap3A_144 : vector<1x16xf32> to vector<16xf32>
      %swap3A_146 = vector.shape_cast %max3A_139 : vector<16xf32> to vector<1x16xf32>
      tpu.vector_store %arg15[%swap3A_142, %swap3A_143], %swap3A_146 {strides = array<i32>} : memref<80x128xf32, #tpu.memory_space<vmem>>, vector<1x16xf32>,
      %add3A_147 = arith.constant 0 : i32
      %add3A_148 = arith.addi %mul3A_103, %add3A_147 : i32
      %get3A_149 = arith.index_cast %add3A_148 : i32 to index
      %get3A_150 = arith.constant 32 : index
      %get3A_151 = tpu.vector_load %arg13[%get3A_149, %get3A_150] {strides = array<i32>} : memref<80x128xf32, #tpu.memory_space<vmem>>, vector<1x16xf32>,
      %get3A_152 = vector.shape_cast %get3A_151 : vector<1x16xf32> to vector<16xf32>
      %add3A_153 = arith.constant 0 : i32
      %add3A_154 = arith.addi %mul3A_103, %add3A_153 : i32
      %get3A_155 = arith.index_cast %add3A_154 : i32 to index
      %get3A_156 = arith.constant 32 : index
      %get3A_157 = tpu.vector_load %arg15[%get3A_155, %get3A_156] {strides = array<i32>} : memref<80x128xf32, #tpu.memory_space<vmem>>, vector<1x16xf32>,
      %get3A_158 = vector.shape_cast %get3A_157 : vector<1x16xf32> to vector<16xf32>
      %add3A_159 = arith.addf %get3A_152, %get3A_158 : vector<16xf32>
      %max3A_160 = arith.constant 0.000000e+00 : f32
      %max3A_161 = vector.broadcast %max3A_160 : f32 to vector<16xf32>
      %max3A_162 = arith.maximumf %add3A_159, %max3A_161 : vector<16xf32>
      %add3A_163 = arith.constant 0 : i32
      %add3A_164 = arith.addi %mul3A_103, %add3A_163 : i32
      %swap3A_165 = arith.index_cast %add3A_164 : i32 to index
      %swap3A_166 = arith.constant 32 : index
      %swap3A_167 = tpu.vector_load %arg15[%swap3A_165, %swap3A_166] {strides = array<i32>} : memref<80x128xf32, #tpu.memory_space<vmem>>, vector<1x16xf32>,
      %swap3A_168 = vector.shape_cast %swap3A_167 : vector<1x16xf32> to vector<16xf32>
      %swap3A_169 = vector.shape_cast %max3A_162 : vector<16xf32> to vector<1x16xf32>
      tpu.vector_store %arg15[%swap3A_165, %swap3A_166], %swap3A_169 {strides = array<i32>} : memref<80x128xf32, #tpu.memory_space<vmem>>, vector<1x16xf32>,
      %add3A_170 = arith.constant 0 : i32
      %add3A_171 = arith.addi %mul3A_103, %add3A_170 : i32
      %get3A_172 = arith.index_cast %add3A_171 : i32 to index
      %get3A_173 = arith.constant 48 : index
      %get3A_174 = tpu.vector_load %arg13[%get3A_172, %get3A_173] {strides = array<i32>} : memref<80x128xf32, #tpu.memory_space<vmem>>, vector<1x16xf32>,
      %get3A_175 = vector.shape_cast %get3A_174 : vector<1x16xf32> to vector<16xf32>
      %add3A_176 = arith.constant 0 : i32
      %add3A_177 = arith.addi %mul3A_103, %add3A_176 : i32
      %get3A_178 = arith.index_cast %add3A_177 : i32 to index
      %get3A_179 = arith.constant 48 : index
      %get3A_180 = tpu.vector_load %arg15[%get3A_178, %get3A_179] {strides = array<i32>} : memref<80x128xf32, #tpu.memory_space<vmem>>, vector<1x16xf32>,
      %get3A_181 = vector.shape_cast %get3A_180 : vector<1x16xf32> to vector<16xf32>
      %add3A_182 = arith.addf %get3A_175, %get3A_181 : vector<16xf32>
      %max3A_183 = arith.constant 0.000000e+00 : f32
      %max3A_184 = vector.broadcast %max3A_183 : f32 to vector<16xf32>
      %max3A_185 = arith.maximumf %add3A_182, %max3A_184 : vector<16xf32>
      %add3A_186 = arith.constant 0 : i32
      %add3A_187 = arith.addi %mul3A_103, %add3A_186 : i32
      %swap3A_188 = arith.index_cast %add3A_187 : i32 to index
      %swap3A_189 = arith.constant 48 : index
      %swap3A_190 = tpu.vector_load %arg15[%swap3A_188, %swap3A_189] {strides = array<i32>} : memref<80x128xf32, #tpu.memory_space<vmem>>, vector<1x16xf32>,
      %swap3A_191 = vector.shape_cast %swap3A_190 : vector<1x16xf32> to vector<16xf32>
      %swap3A_192 = vector.shape_cast %max3A_185 : vector<16xf32> to vector<1x16xf32>
      tpu.vector_store %arg15[%swap3A_188, %swap3A_189], %swap3A_192 {strides = array<i32>} : memref<80x128xf32, #tpu.memory_space<vmem>>, vector<1x16xf32>,
      %add3A_193 = arith.constant 0 : i32
      %add3A_194 = arith.addi %mul3A_103, %add3A_193 : i32
      %get3A_195 = arith.index_cast %add3A_194 : i32 to index
      %get3A_196 = arith.constant 64 : index
      %get3A_197 = tpu.vector_load %arg13[%get3A_195, %get3A_196] {strides = array<i32>} : memref<80x128xf32, #tpu.memory_space<vmem>>, vector<1x16xf32>,
      %get3A_198 = vector.shape_cast %get3A_197 : vector<1x16xf32> to vector<16xf32>
      %add3A_199 = arith.constant 0 : i32
      %add3A_200 = arith.addi %mul3A_103, %add3A_199 : i32
      %get3A_201 = arith.index_cast %add3A_200 : i32 to index
      %get3A_202 = arith.constant 64 : index
      %get3A_203 = tpu.vector_load %arg15[%get3A_201, %get3A_202] {strides = array<i32>} : memref<80x128xf32, #tpu.memory_space<vmem>>, vector<1x16xf32>,
      %get3A_204 = vector.shape_cast %get3A_203 : vector<1x16xf32> to vector<16xf32>
      %add3A_205 = arith.addf %get3A_198, %get3A_204 : vector<16xf32>
      %max3A_206 = arith.constant 0.000000e+00 : f32
      %max3A_207 = vector.broadcast %max3A_206 : f32 to vector<16xf32>
      %max3A_208 = arith.maximumf %add3A_205, %max3A_207 : vector<16xf32>
      %add3A_209 = arith.constant 0 : i32
      %add3A_210 = arith.addi %mul3A_103, %add3A_209 : i32
      %swap3A_211 = arith.index_cast %add3A_210 : i32 to index
      %swap3A_212 = arith.constant 64 : index
      %swap3A_213 = tpu.vector_load %arg15[%swap3A_211, %swap3A_212] {strides = array<i32>} : memref<80x128xf32, #tpu.memory_space<vmem>>, vector<1x16xf32>,
      %swap3A_214 = vector.shape_cast %swap3A_213 : vector<1x16xf32> to vector<16xf32>
      %swap3A_215 = vector.shape_cast %max3A_208 : vector<16xf32> to vector<1x16xf32>
      tpu.vector_store %arg15[%swap3A_211, %swap3A_212], %swap3A_215 {strides = array<i32>} : memref<80x128xf32, #tpu.memory_space<vmem>>, vector<1x16xf32>,
      %add3A_216 = arith.constant 0 : i32
      %add3A_217 = arith.addi %mul3A_103, %add3A_216 : i32
      %get3A_218 = arith.index_cast %add3A_217 : i32 to index
      %get3A_219 = arith.constant 80 : index
      %get3A_220 = tpu.vector_load %arg13[%get3A_218, %get3A_219] {strides = array<i32>} : memref<80x128xf32, #tpu.memory_space<vmem>>, vector<1x16xf32>,
      %get3A_221 = vector.shape_cast %get3A_220 : vector<1x16xf32> to vector<16xf32>
      %add3A_222 = arith.constant 0 : i32
      %add3A_223 = arith.addi %mul3A_103, %add3A_222 : i32
      %get3A_224 = arith.index_cast %add3A_223 : i32 to index
      %get3A_225 = arith.constant 80 : index
      %get3A_226 = tpu.vector_load %arg15[%get3A_224, %get3A_225] {strides = array<i32>} : memref<80x128xf32, #tpu.memory_space<vmem>>, vector<1x16xf32>,
      %get3A_227 = vector.shape_cast %get3A_226 : vector<1x16xf32> to vector<16xf32>
      %add3A_228 = arith.addf %get3A_221, %get3A_227 : vector<16xf32>
      %max3A_229 = arith.constant 0.000000e+00 : f32
      %max3A_230 = vector.broadcast %max3A_229 : f32 to vector<16xf32>
      %max3A_231 = arith.maximumf %add3A_228, %max3A_230 : vector<16xf32>
      %add3A_232 = arith.constant 0 : i32
      %add3A_233 = arith.addi %mul3A_103, %add3A_232 : i32
      %swap3A_234 = arith.index_cast %add3A_233 : i32 to index
      %swap3A_235 = arith.constant 80 : index
      %swap3A_236 = tpu.vector_load %arg15[%swap3A_234, %swap3A_235] {strides = array<i32>} : memref<80x128xf32, #tpu.memory_space<vmem>>, vector<1x16xf32>,
      %swap3A_237 = vector.shape_cast %swap3A_236 : vector<1x16xf32> to vector<16xf32>
      %swap3A_238 = vector.shape_cast %max3A_231 : vector<16xf32> to vector<1x16xf32>
      tpu.vector_store %arg15[%swap3A_234, %swap3A_235], %swap3A_238 {strides = array<i32>} : memref<80x128xf32, #tpu.memory_space<vmem>>, vector<1x16xf32>,
      %add3A_239 = arith.constant 0 : i32
      %add3A_240 = arith.addi %mul3A_103, %add3A_239 : i32
      %get3A_241 = arith.index_cast %add3A_240 : i32 to index
      %get3A_242 = arith.constant 96 : index
      %get3A_243 = tpu.vector_load %arg13[%get3A_241, %get3A_242] {strides = array<i32>} : memref<80x128xf32, #tpu.memory_space<vmem>>, vector<1x16xf32>,
      %get3A_244 = vector.shape_cast %get3A_243 : vector<1x16xf32> to vector<16xf32>
      %add3A_245 = arith.constant 0 : i32
      %add3A_246 = arith.addi %mul3A_103, %add3A_245 : i32
      %get3A_247 = arith.index_cast %add3A_246 : i32 to index
      %get3A_248 = arith.constant 96 : index
      %get3A_249 = tpu.vector_load %arg15[%get3A_247, %get3A_248] {strides = array<i32>} : memref<80x128xf32, #tpu.memory_space<vmem>>, vector<1x16xf32>,
      %get3A_250 = vector.shape_cast %get3A_249 : vector<1x16xf32> to vector<16xf32>
      %add3A_251 = arith.addf %get3A_244, %get3A_250 : vector<16xf32>
      %max3A_252 = arith.constant 0.000000e+00 : f32
      %max3A_253 = vector.broadcast %max3A_252 : f32 to vector<16xf32>
      %max3A_254 = arith.maximumf %add3A_251, %max3A_253 : vector<16xf32>
      %add3A_255 = arith.constant 0 : i32
      %add3A_256 = arith.addi %mul3A_103, %add3A_255 : i32
      %swap3A_257 = arith.index_cast %add3A_256 : i32 to index
      %swap3A_258 = arith.constant 96 : index
      %swap3A_259 = tpu.vector_load %arg15[%swap3A_257, %swap3A_258] {strides = array<i32>} : memref<80x128xf32, #tpu.memory_space<vmem>>, vector<1x16xf32>,
      %swap3A_260 = vector.shape_cast %swap3A_259 : vector<1x16xf32> to vector<16xf32>
      %swap3A_261 = vector.shape_cast %max3A_254 : vector<16xf32> to vector<1x16xf32>
      tpu.vector_store %arg15[%swap3A_257, %swap3A_258], %swap3A_261 {strides = array<i32>} : memref<80x128xf32, #tpu.memory_space<vmem>>, vector<1x16xf32>,
      %add3A_262 = arith.constant 0 : i32
      %add3A_263 = arith.addi %mul3A_103, %add3A_262 : i32
      %get3A_264 = arith.index_cast %add3A_263 : i32 to index
      %get3A_265 = arith.constant 112 : index
      %get3A_266 = tpu.vector_load %arg13[%get3A_264, %get3A_265] {strides = array<i32>} : memref<80x128xf32, #tpu.memory_space<vmem>>, vector<1x16xf32>,
      %get3A_267 = vector.shape_cast %get3A_266 : vector<1x16xf32> to vector<16xf32>
      %add3A_268 = arith.constant 0 : i32
      %add3A_269 = arith.addi %mul3A_103, %add3A_268 : i32
      %get3A_270 = arith.index_cast %add3A_269 : i32 to index
      %get3A_271 = arith.constant 112 : index
      %get3A_272 = tpu.vector_load %arg15[%get3A_270, %get3A_271] {strides = array<i32>} : memref<80x128xf32, #tpu.memory_space<vmem>>, vector<1x16xf32>,
      %get3A_273 = vector.shape_cast %get3A_272 : vector<1x16xf32> to vector<16xf32>
      %add3A_274 = arith.addf %get3A_267, %get3A_273 : vector<16xf32>
      %max3A_275 = arith.constant 0.000000e+00 : f32
      %max3A_276 = vector.broadcast %max3A_275 : f32 to vector<16xf32>
      %max3A_277 = arith.maximumf %add3A_274, %max3A_276 : vector<16xf32>
      %add3A_278 = arith.constant 0 : i32
      %add3A_279 = arith.addi %mul3A_103, %add3A_278 : i32
      %swap3A_280 = arith.index_cast %add3A_279 : i32 to index
      %swap3A_281 = arith.constant 112 : index
      %swap3A_282 = tpu.vector_load %arg15[%swap3A_280, %swap3A_281] {strides = array<i32>} : memref<80x128xf32, #tpu.memory_space<vmem>>, vector<1x16xf32>,
      %swap3A_283 = vector.shape_cast %swap3A_282 : vector<1x16xf32> to vector<16xf32>
      %swap3A_284 = vector.shape_cast %max3A_277 : vector<16xf32> to vector<1x16xf32>
      tpu.vector_store %arg15[%swap3A_280, %swap3A_281], %swap3A_284 {strides = array<i32>} : memref<80x128xf32, #tpu.memory_space<vmem>>, vector<1x16xf32>,
      %add3A_285 = arith.constant 1 : i32
      %add3A_286 = arith.addi %mul3A_103, %add3A_285 : i32
      %get3A_287 = arith.index_cast %add3A_286 : i32 to index
      %get3A_288 = arith.constant 0 : index
      %get3A_289 = tpu.vector_load %arg13[%get3A_287, %get3A_288] {strides = array<i32>} : memref<80x128xf32, #tpu.memory_space<vmem>>, vector<1x16xf32>,
      %get3A_290 = vector.shape_cast %get3A_289 : vector<1x16xf32> to vector<16xf32>
      %add3A_291 = arith.constant 1 : i32
      %add3A_292 = arith.addi %mul3A_103, %add3A_291 : i32
      %get3A_293 = arith.index_cast %add3A_292 : i32 to index
      %get3A_294 = arith.constant 0 : index
      %get3A_295 = tpu.vector_load %arg15[%get3A_293, %get3A_294] {strides = array<i32>} : memref<80x128xf32, #tpu.memory_space<vmem>>, vector<1x16xf32>,
      %get3A_296 = vector.shape_cast %get3A_295 : vector<1x16xf32> to vector<16xf32>
      %add3A_297 = arith.addf %get3A_290, %get3A_296 : vector<16xf32>
      %max3A_298 = arith.constant 0.000000e+00 : f32
      %max3A_299 = vector.broadcast %max3A_298 : f32 to vector<16xf32>
      %max3A_300 = arith.maximumf %add3A_297, %max3A_299 : vector<16xf32>
      %add3A_301 = arith.constant 1 : i32
      %add3A_302 = arith.addi %mul3A_103, %add3A_301 : i32
      %swap3A_303 = arith.index_cast %add3A_302 : i32 to index
      %swap3A_304 = arith.constant 0 : index
      %swap3A_305 = tpu.vector_load %arg15[%swap3A_303, %swap3A_304] {strides = array<i32>} : memref<80x128xf32, #tpu.memory_space<vmem>>, vector<1x16xf32>,
      %swap3A_306 = vector.shape_cast %swap3A_305 : vector<1x16xf32> to vector<16xf32>
      %swap3A_307 = vector.shape_cast %max3A_300 : vector<16xf32> to vector<1x16xf32>
      tpu.vector_store %arg15[%swap3A_303, %swap3A_304], %swap3A_307 {strides = array<i32>} : memref<80x128xf32, #tpu.memory_space<vmem>>, vector<1x16xf32>,
      %add3A_308 = arith.constant 1 : i32
      %add3A_309 = arith.addi %mul3A_103, %add3A_308 : i32
      %get3A_310 = arith.index_cast %add3A_309 : i32 to index
      %get3A_311 = arith.constant 16 : index
      %get3A_312 = tpu.vector_load %arg13[%get3A_310, %get3A_311] {strides = array<i32>} : memref<80x128xf32, #tpu.memory_space<vmem>>, vector<1x16xf32>,
      %get3A_313 = vector.shape_cast %get3A_312 : vector<1x16xf32> to vector<16xf32>
      %add3A_314 = arith.constant 1 : i32
      %add3A_315 = arith.addi %mul3A_103, %add3A_314 : i32
      %get3A_316 = arith.index_cast %add3A_315 : i32 to index
      %get3A_317 = arith.constant 16 : index
      %get3A_318 = tpu.vector_load %arg15[%get3A_316, %get3A_317] {strides = array<i32>} : memref<80x128xf32, #tpu.memory_space<vmem>>, vector<1x16xf32>,
      %get3A_319 = vector.shape_cast %get3A_318 : vector<1x16xf32> to vector<16xf32>
      %add3A_320 = arith.addf %get3A_313, %get3A_319 : vector<16xf32>
      %max3A_321 = arith.constant 0.000000e+00 : f32
      %max3A_322 = vector.broadcast %max3A_321 : f32 to vector<16xf32>
      %max3A_323 = arith.maximumf %add3A_320, %max3A_322 : vector<16xf32>
      %add3A_324 = arith.constant 1 : i32
      %add3A_325 = arith.addi %mul3A_103, %add3A_324 : i32
      %swap3A_326 = arith.index_cast %add3A_325 : i32 to index
      %swap3A_327 = arith.constant 16 : index
      %swap3A_328 = tpu.vector_load %arg15[%swap3A_326, %swap3A_327] {strides = array<i32>} : memref<80x128xf32, #tpu.memory_space<vmem>>, vector<1x16xf32>,
      %swap3A_329 = vector.shape_cast %swap3A_328 : vector<1x16xf32> to vector<16xf32>
      %swap3A_330 = vector.shape_cast %max3A_323 : vector<16xf32> to vector<1x16xf32>
      tpu.vector_store %arg15[%swap3A_326, %swap3A_327], %swap3A_330 {strides = array<i32>} : memref<80x128xf32, #tpu.memory_space<vmem>>, vector<1x16xf32>,
      %add3A_331 = arith.constant 1 : i32
      %add3A_332 = arith.addi %mul3A_103, %add3A_331 : i32
      %get3A_333 = arith.index_cast %add3A_332 : i32 to index
      %get3A_334 = arith.constant 32 : index
      %get3A_335 = tpu.vector_load %arg13[%get3A_333, %get3A_334] {strides = array<i32>} : memref<80x128xf32, #tpu.memory_space<vmem>>, vector<1x16xf32>,
      %get3A_336 = vector.shape_cast %get3A_335 : vector<1x16xf32> to vector<16xf32>
      %add3A_337 = arith.constant 1 : i32
      %add3A_338 = arith.addi %mul3A_103, %add3A_337 : i32
      %get3A_339 = arith.index_cast %add3A_338 : i32 to index
      %get3A_340 = arith.constant 32 : index
      %get3A_341 = tpu.vector_load %arg15[%get3A_339, %get3A_340] {strides = array<i32>} : memref<80x128xf32, #tpu.memory_space<vmem>>, vector<1x16xf32>,
      %get3A_342 = vector.shape_cast %get3A_341 : vector<1x16xf32> to vector<16xf32>
      %add3A_343 = arith.addf %get3A_336, %get3A_342 : vector<16xf32>
      %max3A_344 = arith.constant 0.000000e+00 : f32
      %max3A_345 = vector.broadcast %max3A_344 : f32 to vector<16xf32>
      %max3A_346 = arith.maximumf %add3A_343, %max3A_345 : vector<16xf32>
      %add3A_347 = arith.constant 1 : i32
      %add3A_348 = arith.addi %mul3A_103, %add3A_347 : i32
      %swap3A_349 = arith.index_cast %add3A_348 : i32 to index
      %swap3A_350 = arith.constant 32 : index
      %swap3A_351 = tpu.vector_load %arg15[%swap3A_349, %swap3A_350] {strides = array<i32>} : memref<80x128xf32, #tpu.memory_space<vmem>>, vector<1x16xf32>,
      %swap3A_352 = vector.shape_cast %swap3A_351 : vector<1x16xf32> to vector<16xf32>
      %swap3A_353 = vector.shape_cast %max3A_346 : vector<16xf32> to vector<1x16xf32>
      tpu.vector_store %arg15[%swap3A_349, %swap3A_350], %swap3A_353 {strides = array<i32>} : memref<80x128xf32, #tpu.memory_space<vmem>>, vector<1x16xf32>,
      %add3A_354 = arith.constant 1 : i32
      %add3A_355 = arith.addi %mul3A_103, %add3A_354 : i32
      %get3A_356 = arith.index_cast %add3A_355 : i32 to index
      %get3A_357 = arith.constant 48 : index
      %get3A_358 = tpu.vector_load %arg13[%get3A_356, %get3A_357] {strides = array<i32>} : memref<80x128xf32, #tpu.memory_space<vmem>>, vector<1x16xf32>,
      %get3A_359 = vector.shape_cast %get3A_358 : vector<1x16xf32> to vector<16xf32>
      %add3A_360 = arith.constant 1 : i32
      %add3A_361 = arith.addi %mul3A_103, %add3A_360 : i32
      %get3A_362 = arith.index_cast %add3A_361 : i32 to index
      %get3A_363 = arith.constant 48 : index
      %get3A_364 = tpu.vector_load %arg15[%get3A_362, %get3A_363] {strides = array<i32>} : memref<80x128xf32, #tpu.memory_space<vmem>>, vector<1x16xf32>,
      %get3A_365 = vector.shape_cast %get3A_364 : vector<1x16xf32> to vector<16xf32>
      %add3A_366 = arith.addf %get3A_359, %get3A_365 : vector<16xf32>
      %max3A_367 = arith.constant 0.000000e+00 : f32
      %max3A_368 = vector.broadcast %max3A_367 : f32 to vector<16xf32>
      %max3A_369 = arith.maximumf %add3A_366, %max3A_368 : vector<16xf32>
      %add3A_370 = arith.constant 1 : i32
      %add3A_371 = arith.addi %mul3A_103, %add3A_370 : i32
      %swap3A_372 = arith.index_cast %add3A_371 : i32 to index
      %swap3A_373 = arith.constant 48 : index
      %swap3A_374 = tpu.vector_load %arg15[%swap3A_372, %swap3A_373] {strides = array<i32>} : memref<80x128xf32, #tpu.memory_space<vmem>>, vector<1x16xf32>,
      %swap3A_375 = vector.shape_cast %swap3A_374 : vector<1x16xf32> to vector<16xf32>
      %swap3A_376 = vector.shape_cast %max3A_369 : vector<16xf32> to vector<1x16xf32>
      tpu.vector_store %arg15[%swap3A_372, %swap3A_373], %swap3A_376 {strides = array<i32>} : memref<80x128xf32, #tpu.memory_space<vmem>>, vector<1x16xf32>,
      %add3A_377 = arith.constant 1 : i32
      %add3A_378 = arith.addi %mul3A_103, %add3A_377 : i32
      %get3A_379 = arith.index_cast %add3A_378 : i32 to index
      %get3A_380 = arith.constant 64 : index
      %get3A_381 = tpu.vector_load %arg13[%get3A_379, %get3A_380] {strides = array<i32>} : memref<80x128xf32, #tpu.memory_space<vmem>>, vector<1x16xf32>,
      %get3A_382 = vector.shape_cast %get3A_381 : vector<1x16xf32> to vector<16xf32>
      %add3A_383 = arith.constant 1 : i32
      %add3A_384 = arith.addi %mul3A_103, %add3A_383 : i32
      %get3A_385 = arith.index_cast %add3A_384 : i32 to index
      %get3A_386 = arith.constant 64 : index
      %get3A_387 = tpu.vector_load %arg15[%get3A_385, %get3A_386] {strides = array<i32>} : memref<80x128xf32, #tpu.memory_space<vmem>>, vector<1x16xf32>,
      %get3A_388 = vector.shape_cast %get3A_387 : vector<1x16xf32> to vector<16xf32>
      %add3A_389 = arith.addf %get3A_382, %get3A_388 : vector<16xf32>
      %max3A_390 = arith.constant 0.000000e+00 : f32
      %max3A_391 = vector.broadcast %max3A_390 : f32 to vector<16xf32>
      %max3A_392 = arith.maximumf %add3A_389, %max3A_391 : vector<16xf32>
      %add3A_393 = arith.constant 1 : i32
      %add3A_394 = arith.addi %mul3A_103, %add3A_393 : i32
      %swap3A_395 = arith.index_cast %add3A_394 : i32 to index
      %swap3A_396 = arith.constant 64 : index
      %swap3A_397 = tpu.vector_load %arg15[%swap3A_395, %swap3A_396] {strides = array<i32>} : memref<80x128xf32, #tpu.memory_space<vmem>>, vector<1x16xf32>,
      %swap3A_398 = vector.shape_cast %swap3A_397 : vector<1x16xf32> to vector<16xf32>
      %swap3A_399 = vector.shape_cast %max3A_392 : vector<16xf32> to vector<1x16xf32>
      tpu.vector_store %arg15[%swap3A_395, %swap3A_396], %swap3A_399 {strides = array<i32>} : memref<80x128xf32, #tpu.memory_space<vmem>>, vector<1x16xf32>,
      %add3A_400 = arith.constant 1 : i32
      %add3A_401 = arith.addi %mul3A_103, %add3A_400 : i32
      %get3A_402 = arith.index_cast %add3A_401 : i32 to index
      %get3A_403 = arith.constant 80 : index
      %get3A_404 = tpu.vector_load %arg13[%get3A_402, %get3A_403] {strides = array<i32>} : memref<80x128xf32, #tpu.memory_space<vmem>>, vector<1x16xf32>,
      %get3A_405 = vector.shape_cast %get3A_404 : vector<1x16xf32> to vector<16xf32>
      %add3A_406 = arith.constant 1 : i32
      %add3A_407 = arith.addi %mul3A_103, %add3A_406 : i32
      %get3A_408 = arith.index_cast %add3A_407 : i32 to index
      %get3A_409 = arith.constant 80 : index
      %get3A_410 = tpu.vector_load %arg15[%get3A_408, %get3A_409] {strides = array<i32>} : memref<80x128xf32, #tpu.memory_space<vmem>>, vector<1x16xf32>,
      %get3A_411 = vector.shape_cast %get3A_410 : vector<1x16xf32> to vector<16xf32>
      %add3A_412 = arith.addf %get3A_405, %get3A_411 : vector<16xf32>
      %max3A_413 = arith.constant 0.000000e+00 : f32
      %max3A_414 = vector.broadcast %max3A_413 : f32 to vector<16xf32>
      %max3A_415 = arith.maximumf %add3A_412, %max3A_414 : vector<16xf32>
      %add3A_416 = arith.constant 1 : i32
      %add3A_417 = arith.addi %mul3A_103, %add3A_416 : i32
      %swap3A_418 = arith.index_cast %add3A_417 : i32 to index
      %swap3A_419 = arith.constant 80 : index
      %swap3A_420 = tpu.vector_load %arg15[%swap3A_418, %swap3A_419] {strides = array<i32>} : memref<80x128xf32, #tpu.memory_space<vmem>>, vector<1x16xf32>,
      %swap3A_421 = vector.shape_cast %swap3A_420 : vector<1x16xf32> to vector<16xf32>
      %swap3A_422 = vector.shape_cast %max3A_415 : vector<16xf32> to vector<1x16xf32>
      tpu.vector_store %arg15[%swap3A_418, %swap3A_419], %swap3A_422 {strides = array<i32>} : memref<80x128xf32, #tpu.memory_space<vmem>>, vector<1x16xf32>,
      %add3A_423 = arith.constant 1 : i32
      %add3A_424 = arith.addi %mul3A_103, %add3A_423 : i32
      %get3A_425 = arith.index_cast %add3A_424 : i32 to index
      %get3A_426 = arith.constant 96 : index
      %get3A_427 = tpu.vector_load %arg13[%get3A_425, %get3A_426] {strides = array<i32>} : memref<80x128xf32, #tpu.memory_space<vmem>>, vector<1x16xf32>,
      %get3A_428 = vector.shape_cast %get3A_427 : vector<1x16xf32> to vector<16xf32>
      %add3A_429 = arith.constant 1 : i32
      %add3A_430 = arith.addi %mul3A_103, %add3A_429 : i32
      %get3A_431 = arith.index_cast %add3A_430 : i32 to index
      %get3A_432 = arith.constant 96 : index
      %get3A_433 = tpu.vector_load %arg15[%get3A_431, %get3A_432] {strides = array<i32>} : memref<80x128xf32, #tpu.memory_space<vmem>>, vector<1x16xf32>,
      %get3A_434 = vector.shape_cast %get3A_433 : vector<1x16xf32> to vector<16xf32>
      %add3A_435 = arith.addf %get3A_428, %get3A_434 : vector<16xf32>
      %max3A_436 = arith.constant 0.000000e+00 : f32
      %max3A_437 = vector.broadcast %max3A_436 : f32 to vector<16xf32>
      %max3A_438 = arith.maximumf %add3A_435, %max3A_437 : vector<16xf32>
      %add3A_439 = arith.constant 1 : i32
      %add3A_440 = arith.addi %mul3A_103, %add3A_439 : i32
      %swap3A_441 = arith.index_cast %add3A_440 : i32 to index
      %swap3A_442 = arith.constant 96 : index
      %swap3A_443 = tpu.vector_load %arg15[%swap3A_441, %swap3A_442] {strides = array<i32>} : memref<80x128xf32, #tpu.memory_space<vmem>>, vector<1x16xf32>,
      %swap3A_444 = vector.shape_cast %swap3A_443 : vector<1x16xf32> to vector<16xf32>
      %swap3A_445 = vector.shape_cast %max3A_438 : vector<16xf32> to vector<1x16xf32>
      tpu.vector_store %arg15[%swap3A_441, %swap3A_442], %swap3A_445 {strides = array<i32>} : memref<80x128xf32, #tpu.memory_space<vmem>>, vector<1x16xf32>,
      %add3A_446 = arith.constant 1 : i32
      %add3A_447 = arith.addi %mul3A_103, %add3A_446 : i32
      %get3A_448 = arith.index_cast %add3A_447 : i32 to index
      %get3A_449 = arith.constant 112 : index
      %get3A_450 = tpu.vector_load %arg13[%get3A_448, %get3A_449] {strides = array<i32>} : memref<80x128xf32, #tpu.memory_space<vmem>>, vector<1x16xf32>,
      %get3A_451 = vector.shape_cast %get3A_450 : vector<1x16xf32> to vector<16xf32>
      %add3A_452 = arith.constant 1 : i32
      %add3A_453 = arith.addi %mul3A_103, %add3A_452 : i32
      %get3A_454 = arith.index_cast %add3A_453 : i32 to index
      %get3A_455 = arith.constant 112 : index
      %get3A_456 = tpu.vector_load %arg15[%get3A_454, %get3A_455] {strides = array<i32>} : memref<80x128xf32, #tpu.memory_space<vmem>>, vector<1x16xf32>,
      %get3A_457 = vector.shape_cast %get3A_456 : vector<1x16xf32> to vector<16xf32>
      %add3A_458 = arith.addf %get3A_451, %get3A_457 : vector<16xf32>
      %max3A_459 = arith.constant 0.000000e+00 : f32
      %max3A_460 = vector.broadcast %max3A_459 : f32 to vector<16xf32>
      %max3A_461 = arith.maximumf %add3A_458, %max3A_460 : vector<16xf32>
      %add3A_462 = arith.constant 1 : i32
      %add3A_463 = arith.addi %mul3A_103, %add3A_462 : i32
      %swap3A_464 = arith.index_cast %add3A_463 : i32 to index
      %swap3A_465 = arith.constant 112 : index
      %swap3A_466 = tpu.vector_load %arg15[%swap3A_464, %swap3A_465] {strides = array<i32>} : memref<80x128xf32, #tpu.memory_space<vmem>>, vector<1x16xf32>,
      %swap3A_467 = vector.shape_cast %swap3A_466 : vector<1x16xf32> to vector<16xf32>
      %swap3A_468 = vector.shape_cast %max3A_461 : vector<16xf32> to vector<1x16xf32>
      tpu.vector_store %arg15[%swap3A_464, %swap3A_465], %swap3A_468 {strides = array<i32>} : memref<80x128xf32, #tpu.memory_space<vmem>>, vector<1x16xf32>,
    }
    %scan3A_88 = arith.constant 40 : i32
    %dma_start3A_89 = arith.constant 0 : i32
    %dma_start3A_90 = arith.constant 0 : i32
    %dma_start3A_91 = tpu.memref_slice %arg18[%dma_start3A_89, %dma_start3A_90] : memref<10000x128xf32, #tpu.memory_space<vmem_shared>> -> memref<10000x128xf32, #tpu.memory_space<vmem_shared>>
    tpu.enqueue_indirect_dma source(%arg15 : memref<80x128xf32, #tpu.memory_space<vmem>>) target(%dma_start3A_91 : memref<10000x128xf32, #tpu.memory_space<vmem_shared>>) offsets(%arg9 : memref<80xi32, #tpu.memory_space<vmem>>) semaphore(%arg29 : memref<!tpu.dma_semaphore, #tpu.memory_space<semaphore_mem>>) {add = true}
    %dma_wait3A_92 = arith.constant 0 : i32
    %dma_wait3A_93 = arith.constant 0 : i32
    %dma_wait3A_94 = tpu.memref_slice %arg18[%dma_wait3A_92, %dma_wait3A_93] : memref<10000x128xf32, #tpu.memory_space<vmem_shared>> -> memref<10000x128xf32, #tpu.memory_space<vmem_shared>>
    tpu.wait_indirect_dma semaphore(%arg29 : memref<!tpu.dma_semaphore, #tpu.memory_space<semaphore_mem>>) src(%arg15 : memref<80x128xf32, #tpu.memory_space<vmem>>) dst(%dma_wait3A_94 : memref<10000x128xf32, #tpu.memory_space<vmem_shared>>)
    %barrier3A_95 = arith.constant 0 : index
    tpu.barrier barrier_id(%barrier3A_95)
    "tpu.region"() ({
      %run_scoped3A = tpu.sem_alloc : memref<!tpu.dma_semaphore, #tpu.memory_space<semaphore_mem>>
      %dma_start3A_101 = arith.constant 0 : i32
      %dma_start3A_102 = tpu.memref_slice %arg6[%arg0, %mul3A_5, %dma_start3A_101] : memref<2x10000x128xf32, #tpu.memory_space<hbm>> -> memref<1x624x128xf32, #tpu.memory_space<hbm>>
      %dma_start3A_103 = tpu.memref_squeeze %dma_start3A_102 : memref<1x624x128xf32, #tpu.memory_space<hbm>> -> memref<624x128xf32, #tpu.memory_space<hbm>>
      %dma_start3A_104 = arith.constant 0 : i32
      %dma_start3A_105 = tpu.memref_slice %arg18[%mul3A_5, %dma_start3A_104] : memref<10000x128xf32, #tpu.memory_space<vmem_shared>> -> memref<624x128xf32, #tpu.memory_space<vmem_shared>>
      tpu.enqueue_dma source(%dma_start3A_105 : memref<624x128xf32, #tpu.memory_space<vmem_shared>>) target(%dma_start3A_103 : memref<624x128xf32, #tpu.memory_space<hbm>>) target_semaphore(%run_scoped3A : memref<!tpu.dma_semaphore, #tpu.memory_space<semaphore_mem>>)
      %dma_wait3A_106 = arith.constant 0 : i32
      %dma_wait3A_107 = tpu.memref_slice %arg6[%arg0, %mul3A_5, %dma_wait3A_106] : memref<2x10000x128xf32, #tpu.memory_space<hbm>> -> memref<1x624x128xf32, #tpu.memory_space<hbm>>
      %dma_wait3A_108 = tpu.memref_squeeze %dma_wait3A_107 : memref<1x624x128xf32, #tpu.memory_space<hbm>> -> memref<624x128xf32, #tpu.memory_space<hbm>>
      %dma_wait3A_109 = arith.constant 0 : i32
      %dma_wait3A_110 = tpu.memref_slice %arg18[%mul3A_5, %dma_wait3A_109] : memref<10000x128xf32, #tpu.memory_space<vmem_shared>> -> memref<624x128xf32, #tpu.memory_space<vmem_shared>>
      tpu.wait_dma2 semaphore(%run_scoped3A : memref<!tpu.dma_semaphore, #tpu.memory_space<semaphore_mem>>) src(%dma_wait3A_110 : memref<624x128xf32, #tpu.memory_space<vmem_shared>>) dst(%dma_wait3A_108 : memref<624x128xf32, #tpu.memory_space<hbm>>)
      tpu.yield
    }) : () -> ()
    %eq3A_96 = arith.constant 15 : i32
    %eq3A_97 = arith.cmpi eq, %arg1, %eq3A_96 : i32
    %convert_element_type3A_98 = arith.extui %eq3A_97 : i1 to i32
    %cond3A_99 = arith.constant 0 : i32
    %cond3A_100 = arith.cmpi ne, %convert_element_type3A_98, %cond3A_99 : i32
    scf.if %cond3A_100 {
      "tpu.region"() ({
        %run_scoped3A = tpu.sem_alloc : memref<!tpu.dma_semaphore, #tpu.memory_space<semaphore_mem>>
        %dma_start3A_101 = arith.constant 9984 : i32
        %dma_start3A_102 = arith.constant 0 : i32
        %dma_start3A_103 = tpu.memref_slice %arg6[%arg0, %dma_start3A_101, %dma_start3A_102] : memref<2x10000x128xf32, #tpu.memory_space<hbm>> -> memref<1x16x128xf32, #tpu.memory_space<hbm>>
        %dma_start3A_104 = tpu.memref_squeeze %dma_start3A_103 : memref<1x16x128xf32, #tpu.memory_space<hbm>> -> memref<16x128xf32, #tpu.memory_space<hbm>>
        %dma_start3A_105 = arith.constant 9984 : i32
        %dma_start3A_106 = arith.constant 0 : i32
        %dma_start3A_107 = tpu.memref_slice %arg18[%dma_start3A_105, %dma_start3A_106] : memref<10000x128xf32, #tpu.memory_space<vmem_shared>> -> memref<16x128xf32, #tpu.memory_space<vmem_shared>>
        tpu.enqueue_dma source(%dma_start3A_107 : memref<16x128xf32, #tpu.memory_space<vmem_shared>>) target(%dma_start3A_104 : memref<16x128xf32, #tpu.memory_space<hbm>>) target_semaphore(%run_scoped3A : memref<!tpu.dma_semaphore, #tpu.memory_space<semaphore_mem>>)
        %dma_wait3A_108 = arith.constant 9984 : i32
        %dma_wait3A_109 = arith.constant 0 : i32
        %dma_wait3A_110 = tpu.memref_slice %arg6[%arg0, %dma_wait3A_108, %dma_wait3A_109] : memref<2x10000x128xf32, #tpu.memory_space<hbm>> -> memref<1x16x128xf32, #tpu.memory_space<hbm>>
        %dma_wait3A_111 = tpu.memref_squeeze %dma_wait3A_110 : memref<1x16x128xf32, #tpu.memory_space<hbm>> -> memref<16x128xf32, #tpu.memory_space<hbm>>
        %dma_wait3A_112 = arith.constant 9984 : i32
        %dma_wait3A_113 = arith.constant 0 : i32
        %dma_wait3A_114 = tpu.memref_slice %arg18[%dma_wait3A_112, %dma_wait3A_113] : memref<10000x128xf32, #tpu.memory_space<vmem_shared>> -> memref<16x128xf32, #tpu.memory_space<vmem_shared>>
        tpu.wait_dma2 semaphore(%run_scoped3A : memref<!tpu.dma_semaphore, #tpu.memory_space<semaphore_mem>>) src(%dma_wait3A_114 : memref<16x128xf32, #tpu.memory_space<vmem_shared>>) dst(%dma_wait3A_111 : memref<16x128xf32, #tpu.memory_space<hbm>>)
        tpu.yield
      }) : () -> ()
    } else {
    }
    return
  }
}

module attributes {stable_mosaic.version = 14 : i64} {
  func.func @_mlp_body(%arg0: i32, %arg1: memref<2x400x128xf32, #tpu.memory_space<vmem>>, %arg2: memref<400x128xf32, #tpu.memory_space<vmem>>, %arg3: memref<128x128xf32, #tpu.memory_space<vmem>>, %arg4: memref<1x128xf32, #tpu.memory_space<vmem>>, %arg5: memref<128x128xf32, #tpu.memory_space<vmem>>, %arg6: memref<1x128xf32, #tpu.memory_space<vmem>>, %arg7: memref<400x128xf32, #tpu.memory_space<vmem>>) attributes {dimension_semantics = [#tpu.dimension_semantics<arbitrary>], iteration_bounds = array<i64: 25>, scalar_prefetch = 0 : i64, scratch_operands = 0 : i64, tpu.core_type = #tpu.core_type<tc>, window_params = [{transform_indices = @transform_0, window_bounds = array<i64: 2, 400, 128>}, {transform_indices = @transform_1, window_bounds = array<i64: 400, 128>}, {pipeline_mode = #tpu.pipeline_mode<synchronous>, transform_indices = @transform_2, window_bounds = array<i64: 128, 128>}, {pipeline_mode = #tpu.pipeline_mode<synchronous>, transform_indices = @transform_3, window_bounds = array<i64: 1, 128>}, {pipeline_mode = #tpu.pipeline_mode<synchronous>, transform_indices = @transform_4, window_bounds = array<i64: 128, 128>}, {pipeline_mode = #tpu.pipeline_mode<synchronous>, transform_indices = @transform_5, window_bounds = array<i64: 1, 128>}, {transform_indices = @transform_6, window_bounds = array<i64: 400, 128>}]} {
    %get3A = arith.constant 0 : index
    %get3A_0 = arith.constant 0 : index
    %get3A_1 = vector.load %arg2[%get3A, %get3A_0] : memref<400x128xf32, #tpu.memory_space<vmem>>, vector<400x128xf32>
    %get3A_2 = arith.constant 0 : index
    %get3A_3 = arith.constant 0 : index
    %get3A_4 = arith.constant 0 : index
    %get3A_5 = vector.load %arg1[%get3A_2, %get3A_3, %get3A_4] : memref<2x400x128xf32, #tpu.memory_space<vmem>>, vector<1x400x128xf32>
    %get3A_6 = vector.shape_cast %get3A_5 : vector<1x400x128xf32> to vector<400x128xf32>
    %add3A = arith.addf %get3A_1, %get3A_6 : vector<400x128xf32>
    %get3A_7 = arith.constant 1 : index
    %get3A_8 = arith.constant 0 : index
    %get3A_9 = arith.constant 0 : index
    %get3A_10 = vector.load %arg1[%get3A_7, %get3A_8, %get3A_9] : memref<2x400x128xf32, #tpu.memory_space<vmem>>, vector<1x400x128xf32>
    %get3A_11 = vector.shape_cast %get3A_10 : vector<1x400x128xf32> to vector<400x128xf32>
    %add3A_12 = arith.addf %add3A, %get3A_11 : vector<400x128xf32>
    %get3A_13 = arith.constant 0 : index
    %get3A_14 = arith.constant 0 : index
    %get3A_15 = vector.load %arg3[%get3A_13, %get3A_14] : memref<128x128xf32, #tpu.memory_space<vmem>>, vector<128x128xf32>
    %dot_general3A = arith.constant dense<0.000000e+00> : vector<400x128xf32>
    %dot_general3A_16 = tpu.matmul %add3A_12, %get3A_15, %dot_general3A {dimension_numbers = #tpu.dot_dimension_numbers<[1], [1], [0], [0], [0, 0, 1, 0], [], []>, transpose_lhs_hint = false} : vector<400x128xf32>, vector<128x128xf32>, vector<400x128xf32> -> vector<400x128xf32>
    %get3A_17 = arith.constant 0 : index
    %get3A_18 = arith.constant 0 : index
    %get3A_19 = vector.load %arg4[%get3A_17, %get3A_18] : memref<1x128xf32, #tpu.memory_space<vmem>>, vector<1x128xf32>
    %add3A_20 = vector.broadcast %get3A_19 : vector<1x128xf32> to vector<400x128xf32>
    %add3A_21 = arith.addf %dot_general3A_16, %add3A_20 : vector<400x128xf32>
    %max3A = arith.constant 0.000000e+00 : f32
    %max3A_22 = vector.broadcast %max3A : f32 to vector<400x128xf32>
    %max3A_23 = arith.maximumf %add3A_21, %max3A_22 : vector<400x128xf32>
    %get3A_24 = arith.constant 0 : index
    %get3A_25 = arith.constant 0 : index
    %get3A_26 = vector.load %arg5[%get3A_24, %get3A_25] : memref<128x128xf32, #tpu.memory_space<vmem>>, vector<128x128xf32>
    %dot_general3A_27 = arith.constant dense<0.000000e+00> : vector<400x128xf32>
    %dot_general3A_28 = tpu.matmul %max3A_23, %get3A_26, %dot_general3A_27 {dimension_numbers = #tpu.dot_dimension_numbers<[1], [1], [0], [0], [0, 0, 1, 0], [], []>, transpose_lhs_hint = false} : vector<400x128xf32>, vector<128x128xf32>, vector<400x128xf32> -> vector<400x128xf32>
    %get3A_29 = arith.constant 0 : index
    %get3A_30 = arith.constant 0 : index
    %get3A_31 = vector.load %arg6[%get3A_29, %get3A_30] : memref<1x128xf32, #tpu.memory_space<vmem>>, vector<1x128xf32>
    %add3A_32 = vector.broadcast %get3A_31 : vector<1x128xf32> to vector<400x128xf32>
    %add3A_33 = arith.addf %dot_general3A_28, %add3A_32 : vector<400x128xf32>
    %swap3A = arith.constant 0 : index
    %swap3A_34 = arith.constant 0 : index
    %swap3A_35 = vector.load %arg7[%swap3A, %swap3A_34] : memref<400x128xf32, #tpu.memory_space<vmem>>, vector<400x128xf32>
    tpu.vector_store %arg7[%swap3A, %swap3A_34], %add3A_33 {strides = array<i32>} : memref<400x128xf32, #tpu.memory_space<vmem>>, vector<400x128xf32>,
    return
  }
  func.func @transform_0(%arg0: i32) -> (i32, i32, i32) {
    %c0_i32 = arith.constant 0 : i32
    %c0_i32_0 = arith.constant 0 : i32
    %c0_i32_1 = arith.constant 0 : i32
    return %c0_i32, %arg0, %c0_i32_0 : i32, i32, i32
  }
  func.func @transform_1(%arg0: i32) -> (i32, i32) {
    %c0_i32 = arith.constant 0 : i32
    %c0_i32_0 = arith.constant 0 : i32
    return %arg0, %c0_i32 : i32, i32
  }
  func.func @transform_2(%arg0: i32) -> (i32, i32) {
    %c0_i32 = arith.constant 0 : i32
    %c0_i32_0 = arith.constant 0 : i32
    %c0_i32_1 = arith.constant 0 : i32
    return %c0_i32, %c0_i32_0 : i32, i32
  }
  func.func @transform_3(%arg0: i32) -> (i32, i32) {
    %c0_i32 = arith.constant 0 : i32
    %c0_i32_0 = arith.constant 0 : i32
    %c0_i32_1 = arith.constant 0 : i32
    return %c0_i32, %c0_i32_0 : i32, i32
  }
  func.func @transform_4(%arg0: i32) -> (i32, i32) {
    %c0_i32 = arith.constant 0 : i32
    %c0_i32_0 = arith.constant 0 : i32
    %c0_i32_1 = arith.constant 0 : i32
    return %c0_i32, %c0_i32_0 : i32, i32
  }
  func.func @transform_5(%arg0: i32) -> (i32, i32) {
    %c0_i32 = arith.constant 0 : i32
    %c0_i32_0 = arith.constant 0 : i32
    %c0_i32_1 = arith.constant 0 : i32
    return %c0_i32, %c0_i32_0 : i32, i32
  }
  func.func @transform_6(%arg0: i32) -> (i32, i32) {
    %c0_i32 = arith.constant 0 : i32
    %c0_i32_0 = arith.constant 0 : i32
    return %arg0, %c0_i32 : i32, i32
  }
}

</mosaic_0001>

<sc_bundles>
// kernel: kernel.4.cloned.1.call-start
scs
__scs_entry_jumppad:
0x0: {  	(pc) =	sbr.rel $0x88, $3  }
0x1: {  	(tag) =	ssettag $0x0;
	lr =	simm.s32 $0x1  }
0x2: {  	[smem:$0x3F9A] =	sst lr;
	_ =	strace $0xD0000000  }
0x3: {  	_ = 	snop  }
0x4: {  	_ = 	snop  }
0x5: {  	_ = 	snop  }
0x6: {  	_ = 	snop  }
0x7: {  	_ = 	snop  }
__scs_overlays_trampoline_lowered:
0x8: {  	[smem:$0x3FA9] =	sst s0  }
0x9: {  	[smem:$0x3FAA] =	sst s1  }
0xa: {  	[smem:$0x3FAB] =	sst s2  }
0xb: {  	[smem:$0x3FAC] =	sst s3  }
0xc: {  	[smem:$0x3FAD] =	sst s4  }
0xd: {  	[smem:$0x3FAE] =	sst s5  }
0xe: {  	[smem:$0x3FAF] =	sst s6  }
0xf: {  	[smem:$0x3FB0] =	sst s7  }
0x10: {  	[smem:$0x3FB1] =	sst s8  }
0x11: {  	[smem:$0x3FB2] =	sst s9;
	s0 =	simm.s32 @!p0 $0x0  }
0x12: {  	s1 =	sld [smem:$0x3F98];
	s0 =	simm.s32 @p0 $0x1  }
0x13: {  	[smem:$0x3FB3] =	sst s0;
	s0 =	simm.s32 @!p1 $0x0  }
0x14: {  	s2 =	sld [smem:$0x3F97];
	s0 =	simm.s32 @p1 $0x1  }
0x15: {  	[smem:$0x3FB4] =	sst s0;
	s0 =	simm.s32 @!p2 $0x0  }
0x16: {  	s3 =	sld [smem:$0x3FDB];
	s0 =	simm.s32 @p2 $0x1  }
0x17: {  	s4 =	simm.s32 $0x1BF5;
	[smem:$0x3FB6] =	sst s0  }
0x18: {  	s0 =	sld [smem:$0x3F99];
	_ =	swait.ge [sflag:s4], $0x0  }
0x19: {  	s7 =	sld [smem:$0x3F9A]  }
0x1a: {  	s8 =	sadd.s32 $0xFFFFE003, lr  }
0x1b: {  	s9 =	sadd.s32 $0xFFFFFEF7, lr;
	s5 =	simm.s32 $0xFFFFFFFF;
	p2 =	slt.u32 s8, $0xFFFFF086  }
0x1c: {  	p1 =	slt.u32 s9, $0xF7A;
	s5 =	simm.s32 @!p2 $0x0  }
0x1d: {  	s5 =	simm.s32 @p1 $0x1;
	p0 =	seq.s32 s7, s2  }
0x1e: {  	s7 =	smul.u32 @!p0 $0xF7A, s2;
	p2 =	seq.s32 @!p0 s5, $0x0  }
0x1f: {  	s9 =	smul.u32 $0xF7A, s1;
	s8 =	simm.s32 @!p0 $0x1BF5;
	p2 =	por !p2, p0  }
0x20: {  	[sflag:s8] =	ssyncset.s32 @!p0 $0xFFFFF086;
	s6 =	sadd.s32 @!p0 s3, s7;
	s7 =	simm.s32 @!p0 $0x108  }
0x21: {  	s3 =	sadd.s32 s3, s9;
	s6 =	sadd.s32 @!p0 $0x88, s6;
	s7 =	simm.s32 @p2 $0x1082  }
0x22: {  	[simem:s7], [sflag:s8] =	dma.local @!p0 [hbm:s6], $0xF7A  }
0x23: {  	s9 =	sor.u32 $0xD0000000, s2;
	s6 =	simm.s32 $0x108;
	_ =	swait.ge @!p0 [sflag:s8], $0x0  }
0x24: {  	s3 =	sadd.s32 $0x88, s3;
	s6 =	simm.s32 @!p1 $0x1082;
	[sflag:s4] =	ssyncset.s32 $0xFFFFF086  }
0x25: {  	[simem:s6], [sflag:s4] =	dma.local [hbm:s3], $0xF7A  }
0x26: {  	[smem:$0x3F9A] =	sst s1;
	(tag) =	ssettag s2;
	_ =	strace s9  }
0x27: {  	s1 =	sld [smem:$0x3FAA]  }
0x28: {  	s2 =	sld [smem:$0x3FAB]  }
0x29: {  	s4 =	sld [smem:$0x3FAD]  }
0x2a: {  	p0 =	seq.s32 s5, $0x0;
	s5 =	sld [smem:$0x3FAE]  }
0x2b: {  	s6 =	sld [smem:$0x3FAF]  }
0x2c: {  	s7 =	sld [smem:$0x3FB0]  }
0x2d: {  	s3 =	simm.s32 $0x108;
	s8 =	sld [smem:$0x3FB1]  }
0x2e: {  	s3 =	simm.s32 @!p0 $0x1082;
	s9 =	sld [smem:$0x3FB2]  }
0x2f: {  	lr =	sadd.s32 s0, s3;
	s0 =	sld [smem:$0x3FA9]  }
0x30: {  	s3 =	sld [smem:$0x3FAC]  }
0x31: {  	[smem:$0x3FB5] =	sst s10  }
0x32: {  	s10 =	sld [smem:$0x3FB3];
	_ =	sdelay $0x3  }
0x33: {  	p0 =	seq.s32 s10, $0x1;
	s10 =	sld [smem:$0x3FB5];
	_ =	sdelay $0x3  }
0x34: {  	[smem:$0x3FB5] =	sst s10  }
0x35: {  	s10 =	sld [smem:$0x3FB4];
	_ =	sdelay $0x3  }
0x36: {  	p1 =	seq.s32 s10, $0x1;
	s10 =	sld [smem:$0x3FB5];
	_ =	sdelay $0x3  }
0x37: {  	[smem:$0x3FB5] =	sst s10  }
0x38: {  	s10 =	sld [smem:$0x3FB6]  }
0x39: {  	_ = 	snop;
	(pc) =	sbr.ind lr, $3  }
0x3a: {  	_ = 	snop  }
0x3b: {  	_ = 	snop  }
0x3c: {  	p2 =	seq.s32 s10, $0x1;
	s10 =	sld [smem:$0x3FB5]  }
0x3d: {  	_ =	shalt  }
0x3e: {  	_ =	shalt  }
0x3f: {  	_ =	shalt  }
0x40: {  	_ =	shalt  }
0x41: {  	_ =	shalt  }
0x42: {  	_ =	shalt  }
0x43: {  	_ =	shalt  }
0x44: {  	_ =	shalt  }
0x45: {  	_ =	shalt  }
0x46: {  	_ =	shalt  }
0x47: {  	_ =	shalt  }
0x48: {  	_ =	shalt  }
0x49: {  	_ =	shalt  }
0x4a: {  	_ =	shalt  }
0x4b: {  	_ =	shalt  }
0x4c: {  	_ =	shalt  }
0x4d: {  	_ =	shalt  }
0x4e: {  	_ =	shalt  }
0x4f: {  	_ =	shalt  }
0x50: {  	_ =	shalt  }
0x51: {  	_ =	shalt  }
0x52: {  	_ =	shalt  }
0x53: {  	_ =	shalt  }
0x54: {  	_ =	shalt  }
0x55: {  	_ =	shalt  }
0x56: {  	_ =	shalt  }
0x57: {  	_ =	shalt  }
0x58: {  	_ =	shalt  }
0x59: {  	_ =	shalt  }
0x5a: {  	_ =	shalt  }
0x5b: {  	_ =	shalt  }
0x5c: {  	_ =	shalt  }
0x5d: {  	_ =	shalt  }
0x5e: {  	_ =	shalt  }
0x5f: {  	_ =	shalt  }
0x60: {  	_ =	shalt  }
0x61: {  	_ =	shalt  }
0x62: {  	_ =	shalt  }
0x63: {  	_ =	shalt  }
0x64: {  	_ =	shalt  }
0x65: {  	_ =	shalt  }
0x66: {  	_ =	shalt  }
0x67: {  	_ =	shalt  }
0x68: {  	_ =	shalt  }
0x69: {  	_ =	shalt  }
0x6a: {  	_ =	shalt  }
0x6b: {  	_ =	shalt  }
0x6c: {  	_ =	shalt  }
0x6d: {  	_ =	shalt  }
0x6e: {  	_ =	shalt  }
0x6f: {  	_ =	shalt  }
0x70: {  	_ =	shalt  }
0x71: {  	_ =	shalt  }
0x72: {  	_ =	shalt  }
0x73: {  	_ =	shalt  }
0x74: {  	_ =	shalt  }
0x75: {  	_ =	shalt  }
0x76: {  	_ =	shalt  }
0x77: {  	_ =	shalt  }
0x78: {  	_ =	shalt  }
0x79: {  	_ =	shalt  }
0x7a: {  	_ =	shalt  }
0x7b: {  	_ =	shalt  }
0x7c: {  	_ =	shalt  }
0x7d: {  	_ =	shalt  }
0x7e: {  	_ =	shalt  }
0x7f: {  	_ =	shalt  }
0x80: {  	_ =	shalt  }
0x81: {  	_ =	shalt  }
0x82: {  	_ =	shalt  }
0x83: {  	_ =	shalt  }
0x84: {  	_ =	shalt  }
0x85: {  	_ =	shalt  }
0x86: {  	_ =	shalt  }
0x87: {  	_ =	shalt  }
.Lfunc_end0:
.L_simem_size_0:
called_computation_lowered:
.L_overlay_start_0:
0x88: {  	s2 =	sld [smem:$0x3FD9]  }
0x89: {  	s3 =	sld [smem:$0x3FFE];
	_ =	sdelay $0x1  }
0x8a: {  	s1 =	srdreg.scid  }
0x8b: {  	s0 =	sand.u32 $0x1, s1  }
0x8c: {  	s17 =	sshll.u32 s0, $0xA;
	s2 =	sadd.s32 s3, s2  }
0x8d: {  	s2 =	sadd.s32 s2, s17  }
0x8e: {  	[smem:$0x3FC1] =	sst s2  }
0x8f: {  	_ = 	snop  }
0x90: {  	s2 =	sld [smem:$0x3FC9]  }
0x91: {  	s18 =	sld [smem:$0x3FC7]  }
0x92: {  	s4 =	sld [smem:$0x3FD0];
	(tm) =	ssettm $0x1  }
0x93: {  	s5 =	sld [smem:$0x3FFB];
	_ =	sdelay $0x3  }
0x94: {  	_ =	strace s5  }
0x95: {  	s5 =	sld [smem:$0x3FFC];
	_ =	sdelay $0x3  }
0x96: {  	_ =	strace s5  }
0x97: {  	s5 =	sld [smem:$0x3FFD];
	_ =	sdelay $0x3  }
0x98: {  	_ =	strace s5  }
0x99: {  	_ =	strace $0x8FFFFFFF  }
0x9a: {  	s19 =	sld [smem:$0x3FDB];
	_ =	sdelay $0x1  }
0x9b: {  	s6 =	simm.s32 $_scs_section_size  }
0x9c: {  	s7 =	simm.s32 $_size__tile_overlayer_lowered;
	s8 =	simm.s32 $_tile_overlayer_lowered  }
0x9d: {  	s22 =	simm.s32 $0x1BFF;
	s21 =	sshll.u32 s8, $0x1;
	s5 =	sadd.s32 s6, s19  }
0x9e: {  	s9 =	simm.s32 $0x0;
	s20 =	sshll.u32 s7, $0x1;
	s7 =	sadd.s32 s21, s5  }
0x9f: {  	[timem:s9], [sflag:s22] =	dma.local [hbm:s7], s20  }
0xa0: {  	_ =	swait.ge [sflag:s22], s20  }
0xa1: {  	s6 =	ssub.s32 $0x0, s20;
	[sflag:s22] =	ssyncset.done $0x0  }
0xa2: {  	[sflag:s22] =	ssyncadd.s32 s6;
	_ =	sdelay $0x1  }
0xa3: {  	s23 =	simm.s32 $0x1B8B  }
0xa4: {  	_ =	swait.ge [sflag:s23], $0x1  }
0xa5: {  	[sflag:s23] =	ssyncset.done $0x0  }
0xa6: {  	s25 =	simm.s32 $0x1B8E;
	s24 =	sld [smem:$0x3FFE];
	[sflag:s23] =	ssyncadd.s32 $0xFFFFFFFF  }
0xa7: {  	s26 =	simm.s32 $execute0_lowered;
	[smem:$0x3FD2] =	sst s25  }
0xa8: {  	s7 =	sshll.u32 s26, $0x1;
	_ =	strace $0x80000046;
	[dreg:$0x1] =	wrdreg $0xFFFFFFFF  }
0xa9: {  	s28 =	simm.s32 $_size_execute0_lowered;
	s5 =	sadd.s32 s5, s7;
	[dreg:$0x0] =	wrdreg $0x0  }
0xaa: {  	s7 =	sshll.u32 s28, $0x1;
	[dreg:$0x2] =	wrdreg s5  }
0xab: {  	[dreg:$0x3] =	wrdreg s7  }
0xac: {  	[dreg:$0x4] =	wrdreg $0xC0  }
0xad: {  	_ =	task [dreg:s9], $0x5FFFF  }
0xae: {  	[dreg:$0x1] =	wrdreg $0xFFFFFFFF  }
0xaf: {  	[dreg:$0x0] =	wrdreg $0x60  }
0xb0: {  	[dreg:$0x2] =	wrdreg s2  }
0xb1: {  	[dreg:$0x3] =	wrdreg s24  }
0xb2: {  	[dreg:$0x4] =	wrdreg s4  }
0xb3: {  	[dreg:$0x5] =	wrdreg s18  }
0xb4: {  	[dreg:$0x6] =	wrdreg $0xBB000  }
0xb5: {  	[dreg:$0x7] =	wrdreg $0x9  }
0xb6: {  	_ =	task.clear_ibuf [dreg:s9], $0x8FFFF;
	_ =	strace $0x90000046  }
0xb7: {  	s29 =	simm.s32 $0x9;
	_ =	strace $0x80000048  }
0xb8: {  	_ =	swait.ge [sflag:s29], $0x1  }
0xb9: {  	[sflag:s29] =	ssyncadd.s32 $0xFFFFFFFF  }
0xba: {  	_ =	strace $0x90000048  }
0xbb: {  	_ =	sfence  }
0xbc: {  	s30 =	sld [smem:$0x0];
	_ =	sdelay $0x2  }
0xbd: {  	s31 =	sshll.u32 s1, $0xD;
	s1 =	sshrl.u32 s1, $0x2  }
0xbe: {  	s3 =	sand.u32 $0x4000, s31;
	s1 =	sadd.s32 s1, s30  }
0xbf: {  	s0 =	sor.u32 s3, s0;
	s1 =	sshll.u32 s1, $0x11  }
0xc0: {  	s0 =	sor.u32 s1, s0  }
0xc1: {  	s0 =	sadd.s32 $0x8F2B, s0  }
0xc2: {  	[sflag:s0] =	ssyncadd.remote.s32 $0x1  }
0xc3: {  	_ =	sfence.sel $0xFFFF  }
0xc4: {  	[dreg:$0x0] =	wrdreg $0xFFFFFFFF;
	(pc) =	sbr.abs _section_cstart, $3  }
0xc5: {  	[dreg:$0x1] =	wrdreg $0xFFFFFFFF  }
0xc6: {  	_ =	task.clear_ibuf [dreg:s9], $0x2FFFF;
	_ =	strace $0x9FFFFFFF  }
0xc7: {  	(tm) =	ssettm $0x7FFFFFFF  }
tec
execute0_lowered:
.L_overlay_start_1:
0x0: {  	(tag) =	ssettag $0x1  }
0x1: {  	s1 =	rddreg [dreg:$0x0]  }
0x2: {  	s0 =	rddreg [dreg:$0x1]  }
0x3: {  	s2 =	rddreg [dreg:$0x2]  }
0x4: {  	s3 =	rddreg [dreg:$0x3]  }
0x5: {  	s5 =	rddreg [dreg:$0x4];
	s6 =	simm.s32 $0x0;
	s14 =	stileid.u32  }
0x6: {  	s4 =	srdreg.scid;
	s29 =	simm.s32 $0xD;
	s28 =	simm.s32 $0x4  }
0x7: {  	s30 =	simm.s32 $0x7B00;
	s31 =	simm.s32 $0x7;
	[smem:$0x7FF] =	sst s6  }
0x8: {  	s8 =	smul.u32 $0x4E000, s14;
	s7 =	sadd.s32 $0x800, s0;
	s0 =	sadd.s32 $0xA600, s0  }
0x9: {  	s4 =	sand.u32 $0x1, s4;
	s13 =	smul.u32 $0x13800, s14;
	p0 =	sne.s32 s14, $0xF  }
0xa: {  	_ =	strace $0x80000047;
	s9 =	ssub.s32 $0x2, s4;
	s8 =	sshrl.u32 s8, $0x2  }
0xb: {  	s10 =	sshll.u32 s4, $0x4;
	s4 =	smul.u32 $0x138800, s4;
	s24 =	sadd.s32 s8, s5  }
0xc: {  	s11 =	sshrl.u32 s9, $0x1;
	s17 =	sadd.s32 $0x1800, s24;
	[dreg:$0x6] =	wrdreg s24  }
0xd: {  	s16 =	sor.u32 s14, s10;
	s19 =	sadd.s32 $0x3000, s24;
	[dreg:$0x7] =	wrdreg s17  }
0xe: {  	s18 =	smul.u32 $0x2710, s16;
	s20 =	sadd.s32 $0x4800, s24;
	[dreg:$0x8] =	wrdreg s19  }
0xf: {  	s8 =	smul.u32 $0x27100, s16;
	s21 =	sadd.s32 $0x6000, s24;
	[dreg:$0x9] =	wrdreg s20  }
0x10: {  	s14 =	simm.s32 $0x100;
	[dreg:$0xa] =	wrdreg s21;
	s12 =	sadd.s32 $0x50, s18  }
0x11: {  	s10 =	simm.s32 $0xB;
	s8 =	sadd.s32 s3, s8;
	[dreg:$0xb] =	wrdreg s12  }
0x12: {  	s26 =	sadd.s32 s13, s4;
	s13 =	sadd.s32 $0x190, s18;
	[dreg:$0x10] =	wrdreg s8  }
0x13: {  	s9 =	ssub.s32 s9, s11;
	s16 =	sadd.s32 $0xA0, s18;
	[dreg:$0x12] =	wrdreg s13  }
0x14: {  	s4 =	sshrl.u32 s4, $0x3;
	s17 =	sadd.s32 $0xF0, s18;
	[dreg:$0x16] =	wrdreg s16  }
0x15: {  	s22 =	sshrl.u32 s18, $0x3;
	s19 =	sadd.s32 $0x9000, s24;
	[dreg:$0x17] =	wrdreg s17  }
0x16: {  	s20 =	sadd.s32 $0xA800, s24;
	s21 =	sadd.s32 $0xC000, s24;
	[dreg:$0x19] =	wrdreg s19  }
0x17: {  	s12 =	sshrl.u32 s12, $0x3;
	s15 =	sadd.s32 s7, s22;
	[dreg:$0x1a] =	wrdreg s20  }
0x18: {  	s11 =	sadd.s32 s2, s22;
	s8 =	sshrl.u32 s26, $0x3;
	[dreg:$0x1b] =	wrdreg s21  }
0x19: {  	s22 =	sadd.s32 $0xD800, s24;
	s26 =	sadd.s32 $0x12000, s24;
	[dreg:$0xc] =	wrdreg s15  }
0x1a: {  	s17 =	simm.s32 $0x1;
	s21 =	simm.s32 $0x50;
	[dreg:$0xd] =	wrdreg s11  }
0x1b: {  	s16 =	simm.s32 $0x280;
	s13 =	simm.s32 $0xC;
	[dreg:$0x1c] =	wrdreg s22  }
0x1c: {  	s20 =	simm.s32 $0x0;
	s23 =	sadd.s32 s7, s12;
	[dreg:$0x1f] =	wrdreg s26  }
0x1d: {  	s25 =	sadd.s32 s2, s12;
	s12 =	sadd.s32 $0x140, s18;
	[dreg:$0xe] =	wrdreg s23  }
0x1e: {  	s8 =	sadd.s32 s0, s8;
	s0 =	sadd.s32 s0, s4;
	[dreg:$0xf] =	wrdreg s25  }
0x1f: {  	s15 =	smax.u32 s9, $0x1;
	s18 =	sadd.s32 $0x7800, s24;
	[dreg:$0x11] =	wrdreg s12  }
0x20: {  	s22 =	simm.s32 $0x300;
	s26 =	simm.s32 $0x2;
	[dreg:$0x13] =	wrdreg s8  }
0x21: {  	s9 =	simm.s32 $0x5;
	s11 =	simm.s32 $0xA;
	[dreg:$0x15] =	wrdreg s15  }
0x22: {  	s0 =	sadd.s32 $0x27000, s0;
	[dreg:$0x18] =	wrdreg s18;
	s23 =	sadd.s32 $0xF000, s24  }
0x23: {  	s25 =	sadd.s32 $0x10800, s24;
	s15 =	simm.s32 $0x80;
	[dreg:$0x14] =	wrdreg s0  }
0x24: {  	s18 =	simm.s32 $0x3;
	s8 =	simm.s32 $0x8;
	[dreg:$0x1d] =	wrdreg s23  }
0x25: {  	s12 =	simm.s32 $0x6;
	[dreg:$0x1e] =	wrdreg s25;
	s25 =	sadd.s32 $0x138000, s5  }
0x26: {  	v0 =	vimm.f32 $0.0e+00;
	s23 =	simm.s32 $0x5300;
	s0 =	simm.s32 $0x9;
	[smem:$0x7FD] =	sst s25  }
.LBB2_1:
0x27: {  	[smem:$0x7FC] =	sst s20;
	s19 =	simm.s32 $0x0;
	s20 =	simm.s32 $0x200  }
.LBB2_2:
0x28: {  	p1 =	sne.s32 s20, $0x5E00;
	[tilespmem:s19+$0xA370] =	vst v0  }
0x29: {  	[tilespmem:s19+$0xA300] =	vst v0  }
0x2a: {  	[tilespmem:s19+$0xA310] =	vst v0  }
.Ltmp0:
0x2b: {  	[tilespmem:s19+$0xA320] =	vst v0;
	(pc) =	sbr.rel @p1 .LBB2_2-.Ltmp0, $4  }
0x2c: {  	[tilespmem:s19+$0xA330] =	vst v0  }
0x2d: {  	[tilespmem:s19+$0xA340] =	vst v0  }
0x2e: {  	[tilespmem:s19+$0xA350] =	vst v0  }
0x2f: {  	[tilespmem:s19+$0xA360] =	vst v0;
	s19 =	sshra.s32 s20, $0x2;
	s20 =	sadd.s32 $0x200, s20  }
0x30: {  	[tilespmem:s19+$0xA370] =	vst v0  }
0x31: {  	[tilespmem:s19+$0xA300] =	vst v0  }
0x32: {  	[tilespmem:s19+$0xA310] =	vst v0  }
0x33: {  	[tilespmem:s19+$0xA320] =	vst v0  }
0x34: {  	[tilespmem:s19+$0xA330] =	vst v0  }
0x35: {  	[tilespmem:s19+$0xA340] =	vst v0  }
0x36: {  	[tilespmem:s19+$0xA350] =	vst v0  }
0x37: {  	[tilespmem:s19+$0xA360] =	vst v0;
	s19 =	simm.s32 $0xA300  }
0x38: {  	[spmem:s24] =	stream.linear.scatter [tilespmem:s19], [sflag:$0xD], $0x1800, $0x38;
	[tilespmem:$0x1F380] =	vst v63  }
0x39: {  	_ =	swait.ge [sflag:s29], $0x1800  }
0x3a: {  	[sflag:s29] =	ssyncset.done $0x0  }
0x3b: {  	s4 =	rddreg [dreg:$0x7];
	[sflag:s29] =	ssyncadd.s32 $0xFFFFE800  }
0x3c: {  	[spmem:s4] =	stream.linear.scatter [tilespmem:s19], [sflag:$0xD], $0x1800, $0x38;
	[tilespmem:$0x1F380] =	vst v63  }
0x3d: {  	_ =	swait.ge [sflag:s29], $0x1800  }
0x3e: {  	[sflag:s29] =	ssyncset.done $0x0  }
0x3f: {  	s24 =	rddreg [dreg:$0x8];
	[sflag:s29] =	ssyncadd.s32 $0xFFFFE800  }
0x40: {  	[spmem:s24] =	stream.linear.scatter [tilespmem:s19], [sflag:$0xD], $0x1800, $0x38;
	[tilespmem:$0x1F380] =	vst v63  }
0x41: {  	_ =	swait.ge [sflag:s29], $0x1800  }
0x42: {  	[sflag:s29] =	ssyncset.done $0x0  }
0x43: {  	s20 =	rddreg [dreg:$0x9];
	[sflag:s29] =	ssyncadd.s32 $0xFFFFE800  }
0x44: {  	[spmem:s20] =	stream.linear.scatter [tilespmem:s19], [sflag:$0xD], $0x1800, $0x38;
	[tilespmem:$0x1F380] =	vst v63  }
0x45: {  	_ =	swait.ge [sflag:s29], $0x1800  }
0x46: {  	[sflag:s29] =	ssyncset.done $0x0  }
0x47: {  	s24 =	rddreg [dreg:$0xa];
	[sflag:s29] =	ssyncadd.s32 $0xFFFFE800  }
0x48: {  	[spmem:s24] =	stream.linear.scatter [tilespmem:s19], [sflag:$0xD], $0x1800, $0x38;
	[tilespmem:$0x1F380] =	vst v63  }
0x49: {  	_ =	swait.ge [sflag:s29], $0x1800  }
0x4a: {  	[sflag:s29] =	ssyncset.done $0x0  }
0x4b: {  	s20 =	rddreg [dreg:$0x18];
	[sflag:s29] =	ssyncadd.s32 $0xFFFFE800  }
0x4c: {  	[spmem:s20] =	stream.linear.scatter [tilespmem:s19], [sflag:$0xD], $0x1800, $0x38;
	[tilespmem:$0x1F380] =	vst v63  }
0x4d: {  	_ =	swait.ge [sflag:s29], $0x1800  }
0x4e: {  	[sflag:s29] =	ssyncset.done $0x0  }
0x4f: {  	s24 =	rddreg [dreg:$0x19];
	[sflag:s29] =	ssyncadd.s32 $0xFFFFE800  }
0x50: {  	[spmem:s24] =	stream.linear.scatter [tilespmem:s19], [sflag:$0xD], $0x1800, $0x38;
	[tilespmem:$0x1F380] =	vst v63  }
0x51: {  	_ =	swait.ge [sflag:s29], $0x1800  }
0x52: {  	[sflag:s29] =	ssyncset.done $0x0  }
0x53: {  	s20 =	rddreg [dreg:$0x1a];
	[sflag:s29] =	ssyncadd.s32 $0xFFFFE800  }
0x54: {  	[spmem:s20] =	stream.linear.scatter [tilespmem:s19], [sflag:$0xD], $0x1800, $0x38;
	[tilespmem:$0x1F380] =	vst v63  }
0x55: {  	_ =	swait.ge [sflag:s29], $0x1800  }
0x56: {  	[sflag:s29] =	ssyncset.done $0x0  }
0x57: {  	s24 =	rddreg [dreg:$0x1b];
	[sflag:s29] =	ssyncadd.s32 $0xFFFFE800  }
0x58: {  	[spmem:s24] =	stream.linear.scatter [tilespmem:s19], [sflag:$0xD], $0x1800, $0x38;
	[tilespmem:$0x1F380] =	vst v63  }
0x59: {  	_ =	swait.ge [sflag:s29], $0x1800  }
0x5a: {  	[sflag:s29] =	ssyncset.done $0x0  }
0x5b: {  	s20 =	rddreg [dreg:$0x1c];
	[sflag:s29] =	ssyncadd.s32 $0xFFFFE800  }
0x5c: {  	[spmem:s20] =	stream.linear.scatter [tilespmem:s19], [sflag:$0xD], $0x1800, $0x38;
	[tilespmem:$0x1F380] =	vst v63  }
0x5d: {  	_ =	swait.ge [sflag:s29], $0x1800  }
0x5e: {  	[sflag:s29] =	ssyncset.done $0x0  }
0x5f: {  	s24 =	rddreg [dreg:$0x1d];
	[sflag:s29] =	ssyncadd.s32 $0xFFFFE800  }
0x60: {  	[spmem:s24] =	stream.linear.scatter [tilespmem:s19], [sflag:$0xD], $0x1800, $0x38;
	[tilespmem:$0x1F380] =	vst v63  }
0x61: {  	_ =	swait.ge [sflag:s29], $0x1800  }
0x62: {  	[sflag:s29] =	ssyncset.done $0x0  }
0x63: {  	s20 =	rddreg [dreg:$0x1e];
	[sflag:s29] =	ssyncadd.s32 $0xFFFFE800  }
0x64: {  	[spmem:s20] =	stream.linear.scatter [tilespmem:s19], [sflag:$0xD], $0x1800, $0x38;
	[tilespmem:$0x1F380] =	vst v63  }
0x65: {  	_ =	swait.ge [sflag:s29], $0x1800  }
0x66: {  	[sflag:s29] =	ssyncset.done $0x0  }
0x67: {  	s24 =	rddreg [dreg:$0x1f];
	[sflag:s29] =	ssyncadd.s32 $0xFFFFE800  }
0x68: {  	[spmem:s24] =	stream.linear.scatter [tilespmem:s19], [sflag:$0xD], $0x1800, $0x38;
	[tilespmem:$0x1F380] =	vst v63  }
0x69: {  	_ =	swait.ge [sflag:s29], $0x1800  }
0x6a: {  	[sflag:s29] =	ssyncset.done $0x0  }
0x6b: {  	s19 =	simm.s32 @!p0 $0xA300;
	[sflag:s29] =	ssyncadd.s32 $0xFFFFE800  }
0x6c: {  	[spmem:s25] =	stream.linear.scatter @!p0 [tilespmem:s19], [sflag:$0xD], $0x800, $0x38;
	[tilespmem:$0x1F380] =	vst v63  }
0x6d: {  	s19 =	simm.s32 @!p0 $0xD  }
0x6e: {  	_ =	swait.ge @!p0 [sflag:s19], $0x800  }
0x6f: {  	[sflag:s19] =	ssyncset.done @!p0 $0x0  }
0x70: {  	[sflag:s19] =	ssyncadd.s32 @!p0 $0xFFFFF800  }
0x71: {  	[bflag:$0x0] =	sbarrier.arrive $0xFFFF  }
0x72: {  	s19 =	simm.s32 $0x0;
	s29 =	rddreg [dreg:$0xc]  }
0x73: {  	[tilespmem:s19], [sflag:$0x1] =	stream.linear.gather [hbm4b:s29+s19], $0x50, $0x38;
	[tilespmem:$0x1F380] =	vst v63  }
0x74: {  	s20 =	rddreg [dreg:$0xd]  }
0x75: {  	[tilespmem:s14], [sflag:$0x3] =	stream.linear.gather [hbm4b:s20+s19], $0x50, $0x38;
	[tilespmem:$0x1F380] =	vst v63  }
0x76: {  	s24 =	rddreg [dreg:$0xe]  }
0x77: {  	[tilespmem:s15], [sflag:$0x2] =	stream.linear.gather [hbm4b:s24+s19], $0x50, $0x38;
	[tilespmem:$0x1F380] =	vst v63  }
0x78: {  	s25 =	rddreg [dreg:$0xf];
	s20 =	simm.s32 $0x180  }
0x79: {  	[tilespmem:s20], [sflag:$0x4] =	stream.linear.gather [hbm4b:s25+s19], $0x50, $0x38;
	[tilespmem:$0x1F380] =	vst v63  }
0x7a: {  	_ =	swait.ge [sflag:s17], $0x50  }
0x7b: {  	[sflag:s17] =	ssyncset.done $0x0  }
0x7c: {  	[sflag:s17] =	ssyncadd.s32 $0xFFFFFFB0  }
0x7d: {  	_ =	swait.ge [sflag:s18], $0x50  }
0x7e: {  	[sflag:s18] =	ssyncset.done $0x0  }
0x7f: {  	[sflag:s18] =	ssyncadd.s32 $0xFFFFFFB0  }
0x80: {  	[tilespmem:s22], [sflag:$0x7] =	stream.indirect.gather [hbm4b:s1+s21], $0x80, s19, s21, $0xb8;
	[tilespmem:$0x1F380] =	vst v63  }
0x81: {  	s29 =	rddreg [dreg:$0x10]  }
0x82: {  	[tilespmem:s23], [sflag:$0x9] =	stream.linear.gather [hbm4b:s29+s19], $0x2800, $0x38;
	[tilespmem:$0x1F380] =	vst v63  }
.LBB2_4:
0x83: {  	_ =	swait.ge [sflag:s26], $0x50  }
0x84: {  	[sflag:s26] =	ssyncset.done $0x0  }
0x85: {  	[sflag:s26] =	ssyncadd.s32 $0xFFFFFFB0  }
0x86: {  	_ =	swait.ge [sflag:s28], $0x50  }
0x87: {  	p1 =	seq.s32 s19, $0x0;
	[sflag:s28] =	ssyncset.done $0x0  }
0x88: {  	s4 =	simm.s32 $0x2B00;
	s24 =	simm.s32 @!p1 $0xC;
	[sflag:s28] =	ssyncadd.s32 $0xFFFFFFB0  }
0x89: {  	[tilespmem:s4], [sflag:$0x8] =	stream.indirect.gather [hbm4b:s1+s21], $0x80, s15, s21, $0xb8;
	[tilespmem:$0x1F380] =	vst v63  }
0x8a: {  	s20 =	smul.u32 $0x140, s19;
	_ =	swait.ge @!p1 [sflag:s24], $0x2800  }
0x8b: {  	s25 =	rddreg [dreg:$0xb]  }
0x8c: {  	s25 =	sadd.s32 s20, s25  }
0x8d: {  	[sflag:s24] =	ssyncset.done @!p1 $0x0;
	s25 =	sshll.u32 s25, $0x4  }
0x8e: {  	[sflag:s24] =	ssyncadd.s32 @!p1 $0xFFFFD800;
	s4 =	sadd.s32 s3, s25  }
0x8f: {  	[tilespmem:s30], [sflag:$0xA] =	stream.linear.gather [hbm4b:s4+s6], $0x2800, $0x38;
	[tilespmem:$0x1F380] =	vst v63  }
0x90: {  	_ =	swait.ge [sflag:s31], $0x2800  }
0x91: {  	[sflag:s31] =	ssyncset.done $0x0  }
0x92: {  	[sflag:s31] =	ssyncadd.s32 $0xFFFFD800  }
0x93: {  	_ =	swait.ge [sflag:s0], $0x2800  }
0x94: {  	s25 =	rddreg [dreg:$0x16]  }
0x95: {  	s24 =	sadd.s32 s25, s20  }
0x96: {  	[sflag:s0] =	ssyncset.done $0x0;
	s4 =	sshrl.u32 s24, $0x3  }
0x97: {  	[sflag:s0] =	ssyncadd.s32 $0xFFFFD800;
	s29 =	sadd.s32 s7, s4  }
0x98: {  	[tilespmem:s6], [sflag:$0x1] =	stream.linear.gather [hbm4b:s29+s6], $0x50, $0x38;
	[tilespmem:$0x1F380] =	vst v63  }
0x99: {  	s25 =	sadd.s32 s2, s4;
	s4 =	simm.s32 $0x200  }
0x9a: {  	[tilespmem:s4], [sflag:$0x5] =	stream.linear.gather [hbm4b:s25+s6], $0x50, $0x38;
	[tilespmem:$0x1F380] =	vst v63  }
0x9b: {  	s25 =	simm.s32 $0xF0  }
0x9c: {  	v7 =	vld [tilespmem:s25+$0x210]  }
0x9d: {  	v8 =	vld [tilespmem:s25+$0x220]  }
0x9e: {  	v9 =	vld [tilespmem:s25+$0x230]  }
0x9f: {  	v10 =	vld [tilespmem:s25+$0x240]  }
0xa0: {  	v11 =	vld [tilespmem:s25+$0x250]  }
0xa1: {  	v12 =	vld [tilespmem:s25+$0x260]  }
0xa2: {  	v13 =	vld [tilespmem:s25+$0x270]  }
0xa3: {  	v14 =	vld [tilespmem:s25+$0x280]  }
0xa4: {  	v15 =	vld [tilespmem:s25+$0x290]  }
0xa5: {  	v16 =	vld [tilespmem:s25+$0x2A0]  }
0xa6: {  	v6 =	vld [tilespmem:s25+$0x2B0]  }
0xa7: {  	v5 =	vld [tilespmem:s25+$0x2C0]  }
0xa8: {  	v4 =	vld [tilespmem:s25+$0x2D0]  }
0xa9: {  	v17 =	vld [tilespmem:s25+$0x5210]  }
0xaa: {  	v18 =	vld [tilespmem:s25+$0x5220]  }
0xab: {  	v3 =	vld [tilespmem:s25+$0x2E0]  }
0xac: {  	v19 =	vld [tilespmem:s25+$0x5230]  }
0xad: {  	v20 =	vld [tilespmem:s25+$0x5240]  }
0xae: {  	v2 =	vld [tilespmem:s25+$0x2F0];
	v7 =	vadd.f32 v17, v7  }
0xaf: {  	v21 =	vld [tilespmem:s25+$0x5250];
	v8 =	vadd.f32 v18, v8  }
0xb0: {  	v60 =	vld [tilespmem:s25+$0x5260];
	v7 =	vmax.f32 v7, $0.0e+00  }
0xb1: {  	v1 =	vld [tilespmem:s25+$0x300];
	v8 =	vmax.f32 v8, $0.0e+00;
	[tilespmem:s25+$0x5210] =	vst v7;
	v7 =	vadd.f32 v19, v9  }
0xb2: {  	v22 =	vld [tilespmem:s25+$0x5270];
	[tilespmem:s25+$0x5220] =	vst v8;
	v8 =	vadd.f32 v20, v10  }
0xb3: {  	v61 =	vld [tilespmem:s25+$0x5280];
	v7 =	vmax.f32 v7, $0.0e+00  }
0xb4: {  	v62 =	vld [tilespmem:s25+$0x5290];
	v9 =	vmax.f32 v8, $0.0e+00;
	[tilespmem:s25+$0x5230] =	vst v7;
	v7 =	vadd.f32 v21, v11  }
0xb5: {  	v63 =	vld [tilespmem:s25+$0x52A0];
	[tilespmem:s25+$0x5240] =	vst v9;
	v9 =	vadd.f32 v60, v12  }
0xb6: {  	v8 =	vld [tilespmem:s25+$0x52B0];
	v10 =	vmax.f32 v7, $0.0e+00  }
0xb7: {  	v7 =	vld [tilespmem:s25+$0x52C0];
	v11 =	vmax.f32 v9, $0.0e+00;
	[tilespmem:s25+$0x5250] =	vst v10;
	v10 =	vadd.f32 v22, v13  }
0xb8: {  	v9 =	vld [tilespmem:s25+$0x52D0];
	[tilespmem:s25+$0x5260] =	vst v11;
	v11 =	vadd.f32 v61, v14  }
0xb9: {  	v13 =	vadd.f32 v62, v15;
	v12 =	vmax.f32 v10, $0.0e+00;
	v10 =	vld [tilespmem:s25+$0x52E0]  }
0xba: {  	s29 =	simm.s32 $0x7C0;
	v14 =	vmax.f32 v11, $0.0e+00;
	v11 =	vld [tilespmem:s25+$0x52F0];
	[tilespmem:s25+$0x5270] =	vst v12;
	v12 =	vadd.f32 v63, v16  }
.LBB2_5:
0xbb: {  	s4 =	sshra.s32 s29, $0x2;
	p1 =	sne.s32 s29, $0x9FC0;
	[tilespmem:s25+$0x5280] =	vst v14;
	v13 =	vmax.f32 v13, $0.0e+00;
	v6 =	vadd.f32 v8, v6;
	v8 =	vld [tilespmem:s25+$0x5300]  }
0xbc: {  	v14 =	vld [tilespmem:s4+$0x210];
	[tilespmem:s25+$0x5290] =	vst v13;
	v12 =	vmax.f32 v12, $0.0e+00;
	v5 =	vadd.f32 v7, v5  }
0xbd: {  	v7 =	vld [tilespmem:s4+$0x220];
	[tilespmem:s25+$0x52A0] =	vst v12;
	v6 =	vmax.f32 v6, $0.0e+00;
	v4 =	vadd.f32 v9, v4  }
0xbe: {  	v9 =	vld [tilespmem:s4+$0x230];
	[tilespmem:s25+$0x52B0] =	vst v6;
	v5 =	vmax.f32 v5, $0.0e+00;
	v3 =	vadd.f32 v10, v3  }
0xbf: {  	v10 =	vld [tilespmem:s4+$0x240];
	[tilespmem:s25+$0x52C0] =	vst v5;
	v4 =	vmax.f32 v4, $0.0e+00;
	v2 =	vadd.f32 v11, v2  }
0xc0: {  	v11 =	vld [tilespmem:s4+$0x250];
	[tilespmem:s25+$0x52D0] =	vst v4;
	v3 =	vmax.f32 v3, $0.0e+00;
	v1 =	vadd.f32 v8, v1  }
0xc1: {  	v8 =	vld [tilespmem:s4+$0x260];
	[tilespmem:s25+$0x52E0] =	vst v3;
	v2 =	vmax.f32 v2, $0.0e+00  }
0xc2: {  	v12 =	vld [tilespmem:s4+$0x270];
	[tilespmem:s25+$0x52F0] =	vst v2;
	v1 =	vmax.f32 v1, $0.0e+00  }
0xc3: {  	v13 =	vld [tilespmem:s4+$0x280];
	[tilespmem:s25+$0x5300] =	vst v1;
	s25 =	smov.u32 s4  }
0xc4: {  	v15 =	vld [tilespmem:s25+$0x290]  }
0xc5: {  	v16 =	vld [tilespmem:s25+$0x2A0]  }
0xc6: {  	v6 =	vld [tilespmem:s25+$0x2B0]  }
0xc7: {  	v5 =	vld [tilespmem:s25+$0x2C0]  }
0xc8: {  	v4 =	vld [tilespmem:s25+$0x2D0]  }
0xc9: {  	v3 =	vld [tilespmem:s25+$0x2E0]  }
0xca: {  	v2 =	vld [tilespmem:s25+$0x2F0]  }
0xcb: {  	v1 =	vld [tilespmem:s25+$0x300]  }
0xcc: {  	v17 =	vld [tilespmem:s25+$0x5210]  }
0xcd: {  	v18 =	vld [tilespmem:s25+$0x5220]  }
0xce: {  	v19 =	vld [tilespmem:s25+$0x5230]  }
0xcf: {  	v20 =	vld [tilespmem:s25+$0x5240]  }
0xd0: {  	v21 =	vld [tilespmem:s25+$0x5250]  }
0xd1: {  	v14 =	vadd.f32 v17, v14;
	v17 =	vld [tilespmem:s25+$0x5260]  }
0xd2: {  	v7 =	vadd.f32 v18, v7;
	v18 =	vld [tilespmem:s25+$0x5270]  }
0xd3: {  	v14 =	vmax.f32 v14, $0.0e+00;
	v9 =	vadd.f32 v19, v9;
	v19 =	vld [tilespmem:s25+$0x5280]  }
0xd4: {  	[tilespmem:s25+$0x5210] =	vst v14;
	v7 =	vmax.f32 v7, $0.0e+00;
	v10 =	vadd.f32 v20, v10;
	v14 =	vld [tilespmem:s25+$0x5290]  }
0xd5: {  	[tilespmem:s25+$0x5220] =	vst v7;
	v7 =	vmax.f32 v9, $0.0e+00;
	v9 =	vadd.f32 v21, v11;
	v11 =	vld [tilespmem:s25+$0x52A0]  }
.Ltmp1:
0xd6: {  	[tilespmem:s25+$0x5230] =	vst v7;
	v7 =	vmax.f32 v10, $0.0e+00;
	v10 =	vadd.f32 v17, v8;
	v8 =	vld [tilespmem:s25+$0x52B0];
	(pc) =	sbr.rel @p1 .LBB2_5-.Ltmp1, $4  }
0xd7: {  	[tilespmem:s25+$0x5240] =	vst v7;
	v9 =	vmax.f32 v9, $0.0e+00;
	v12 =	vadd.f32 v18, v12;
	v7 =	vld [tilespmem:s25+$0x52C0]  }
0xd8: {  	[tilespmem:s25+$0x5250] =	vst v9;
	v10 =	vmax.f32 v10, $0.0e+00;
	v17 =	vadd.f32 v19, v13;
	v9 =	vld [tilespmem:s25+$0x52D0]  }
0xd9: {  	[tilespmem:s25+$0x5260] =	vst v10;
	v12 =	vmax.f32 v12, $0.0e+00;
	v13 =	vadd.f32 v14, v15;
	v10 =	vld [tilespmem:s25+$0x52E0]  }
0xda: {  	s29 =	sadd.s32 $0x400, s29;
	[tilespmem:s25+$0x5270] =	vst v12;
	v14 =	vmax.f32 v17, $0.0e+00;
	v12 =	vadd.f32 v11, v16;
	v11 =	vld [tilespmem:s25+$0x52F0]  }
0xdb: {  	[tilespmem:s25+$0x5280] =	vst v14;
	v13 =	vmax.f32 v13, $0.0e+00;
	v6 =	vadd.f32 v8, v6;
	v8 =	vld [tilespmem:s25+$0x5300]  }
0xdc: {  	[tilespmem:s25+$0x5290] =	vst v13;
	v12 =	vmax.f32 v12, $0.0e+00;
	v5 =	vadd.f32 v7, v5  }
0xdd: {  	[tilespmem:s25+$0x52A0] =	vst v12;
	v6 =	vmax.f32 v6, $0.0e+00;
	v4 =	vadd.f32 v9, v4  }
0xde: {  	[tilespmem:s25+$0x52B0] =	vst v6;
	v5 =	vmax.f32 v5, $0.0e+00;
	v3 =	vadd.f32 v10, v3  }
0xdf: {  	[tilespmem:s25+$0x52C0] =	vst v5;
	v4 =	vmax.f32 v4, $0.0e+00;
	v2 =	vadd.f32 v11, v2  }
0xe0: {  	[tilespmem:s25+$0x52D0] =	vst v4;
	v3 =	vmax.f32 v3, $0.0e+00;
	v1 =	vadd.f32 v8, v1  }
0xe1: {  	[tilespmem:s25+$0x52E0] =	vst v3;
	v2 =	vmax.f32 v2, $0.0e+00  }
0xe2: {  	[tilespmem:s25+$0x52F0] =	vst v2;
	v1 =	vmax.f32 v1, $0.0e+00  }
0xe3: {  	[tilespmem:s25+$0x5300] =	vst v1  }
0xe4: {  	[spmem:s5] =	stream.indirect.scatter.add.f32 [tilespmem:s23], [sflag:$0xB], $0x80, s14, s21, $0xb8;
	[tilespmem:$0x1F380] =	vst v63  }
0xe5: {  	_ =	swait.ge [sflag:s17], $0x50  }
0xe6: {  	[sflag:s17] =	ssyncset.done $0x0  }
0xe7: {  	[sflag:s17] =	ssyncadd.s32 $0xFFFFFFB0  }
0xe8: {  	_ =	swait.ge [sflag:s9], $0x50  }
0xe9: {  	[sflag:s9] =	ssyncset.done $0x0  }
0xea: {  	[sflag:s9] =	ssyncadd.s32 $0xFFFFFFB0  }
0xeb: {  	[tilespmem:s22], [sflag:$0x7] =	stream.indirect.gather [hbm4b:s1+s21], $0x80, s6, s21, $0xb8;
	[tilespmem:$0x1F380] =	vst v63  }
0xec: {  	_ =	swait.ge [sflag:s10], $0x2800  }
0xed: {  	s4 =	sshll.u32 s24, $0x4;
	[sflag:s10] =	ssyncset.done $0x0  }
0xee: {  	s4 =	sadd.s32 s3, s4;
	[sflag:s10] =	ssyncadd.s32 $0xFFFFD800  }
0xef: {  	[tilespmem:s23], [sflag:$0x9] =	stream.linear.gather [hbm4b:s4+s6], $0x2800, $0x38;
	[tilespmem:$0x1F380] =	vst v63  }
0xf0: {  	_ =	swait.ge [sflag:s8], $0x2800  }
0xf1: {  	[sflag:s8] =	ssyncset.done $0x0  }
0xf2: {  	[sflag:s8] =	ssyncadd.s32 $0xFFFFD800  }
0xf3: {  	_ =	swait.ge [sflag:s11], $0x2800  }
0xf4: {  	s25 =	rddreg [dreg:$0x17]  }
0xf5: {  	s24 =	sadd.s32 s25, s20  }
0xf6: {  	[sflag:s11] =	ssyncset.done $0x0;
	s4 =	sshrl.u32 s24, $0x3  }
0xf7: {  	[sflag:s11] =	ssyncadd.s32 $0xFFFFD800;
	s25 =	sadd.s32 s7, s4  }
0xf8: {  	[tilespmem:s15], [sflag:$0x2] =	stream.linear.gather [hbm4b:s25+s6], $0x50, $0x38;
	[tilespmem:$0x1F380] =	vst v63  }
0xf9: {  	s4 =	sadd.s32 s2, s4;
	s25 =	simm.s32 $0xF0  }
0xfa: {  	[tilespmem:s16], [sflag:$0x6] =	stream.linear.gather [hbm4b:s4+s6], $0x50, $0x38;
	[tilespmem:$0x1F380] =	vst v63  }
0xfb: {  	v7 =	vld [tilespmem:s25+$0x2A10]  }
0xfc: {  	v8 =	vld [tilespmem:s25+$0x2A20]  }
0xfd: {  	v9 =	vld [tilespmem:s25+$0x2A30]  }
0xfe: {  	v10 =	vld [tilespmem:s25+$0x2A40]  }
0xff: {  	v11 =	vld [tilespmem:s25+$0x2A50]  }
0x100: {  	v12 =	vld [tilespmem:s25+$0x2A60]  }
0x101: {  	v13 =	vld [tilespmem:s25+$0x2A70]  }
0x102: {  	v14 =	vld [tilespmem:s25+$0x2A80]  }
0x103: {  	v15 =	vld [tilespmem:s25+$0x2A90]  }
0x104: {  	v16 =	vld [tilespmem:s25+$0x2AA0]  }
0x105: {  	v6 =	vld [tilespmem:s25+$0x2AB0]  }
0x106: {  	v5 =	vld [tilespmem:s25+$0x2AC0]  }
0x107: {  	v4 =	vld [tilespmem:s25+$0x2AD0]  }
0x108: {  	v17 =	vld [tilespmem:s25+$0x7A10]  }
0x109: {  	v18 =	vld [tilespmem:s25+$0x7A20]  }
0x10a: {  	v3 =	vld [tilespmem:s25+$0x2AE0]  }
0x10b: {  	v19 =	vld [tilespmem:s25+$0x7A30]  }
0x10c: {  	v20 =	vld [tilespmem:s25+$0x7A40]  }
0x10d: {  	v2 =	vld [tilespmem:s25+$0x2AF0];
	v7 =	vadd.f32 v17, v7  }
0x10e: {  	v21 =	vld [tilespmem:s25+$0x7A50];
	v8 =	vadd.f32 v18, v8  }
0x10f: {  	v60 =	vld [tilespmem:s25+$0x7A60];
	v7 =	vmax.f32 v7, $0.0e+00  }
0x110: {  	v1 =	vld [tilespmem:s25+$0x2B00];
	v8 =	vmax.f32 v8, $0.0e+00;
	[tilespmem:s25+$0x7A10] =	vst v7;
	v7 =	vadd.f32 v19, v9  }
0x111: {  	v22 =	vld [tilespmem:s25+$0x7A70];
	[tilespmem:s25+$0x7A20] =	vst v8;
	v8 =	vadd.f32 v20, v10  }
0x112: {  	v61 =	vld [tilespmem:s25+$0x7A80];
	v7 =	vmax.f32 v7, $0.0e+00  }
0x113: {  	v62 =	vld [tilespmem:s25+$0x7A90];
	v9 =	vmax.f32 v8, $0.0e+00;
	[tilespmem:s25+$0x7A30] =	vst v7;
	v7 =	vadd.f32 v21, v11  }
0x114: {  	v63 =	vld [tilespmem:s25+$0x7AA0];
	[tilespmem:s25+$0x7A40] =	vst v9;
	v9 =	vadd.f32 v60, v12  }
0x115: {  	v8 =	vld [tilespmem:s25+$0x7AB0];
	v10 =	vmax.f32 v7, $0.0e+00  }
0x116: {  	v7 =	vld [tilespmem:s25+$0x7AC0];
	v11 =	vmax.f32 v9, $0.0e+00;
	[tilespmem:s25+$0x7A50] =	vst v10;
	v10 =	vadd.f32 v22, v13  }
0x117: {  	v9 =	vld [tilespmem:s25+$0x7AD0];
	[tilespmem:s25+$0x7A60] =	vst v11;
	v11 =	vadd.f32 v61, v14  }
0x118: {  	v13 =	vadd.f32 v62, v15;
	v12 =	vmax.f32 v10, $0.0e+00;
	v10 =	vld [tilespmem:s25+$0x7AE0]  }
0x119: {  	s29 =	simm.s32 $0x7C0;
	v14 =	vmax.f32 v11, $0.0e+00;
	v11 =	vld [tilespmem:s25+$0x7AF0];
	[tilespmem:s25+$0x7A70] =	vst v12;
	v12 =	vadd.f32 v63, v16  }
.LBB2_7:
0x11a: {  	s4 =	sshra.s32 s29, $0x2;
	p1 =	sne.s32 s29, $0x9FC0;
	[tilespmem:s25+$0x7A80] =	vst v14;
	v13 =	vmax.f32 v13, $0.0e+00;
	v6 =	vadd.f32 v8, v6;
	v8 =	vld [tilespmem:s25+$0x7B00]  }
0x11b: {  	v14 =	vld [tilespmem:s4+$0x2A10];
	[tilespmem:s25+$0x7A90] =	vst v13;
	v12 =	vmax.f32 v12, $0.0e+00;
	v5 =	vadd.f32 v7, v5  }
0x11c: {  	v7 =	vld [tilespmem:s4+$0x2A20];
	[tilespmem:s25+$0x7AA0] =	vst v12;
	v6 =	vmax.f32 v6, $0.0e+00;
	v4 =	vadd.f32 v9, v4  }
0x11d: {  	v9 =	vld [tilespmem:s4+$0x2A30];
	[tilespmem:s25+$0x7AB0] =	vst v6;
	v5 =	vmax.f32 v5, $0.0e+00;
	v3 =	vadd.f32 v10, v3  }
0x11e: {  	v10 =	vld [tilespmem:s4+$0x2A40];
	[tilespmem:s25+$0x7AC0] =	vst v5;
	v4 =	vmax.f32 v4, $0.0e+00;
	v2 =	vadd.f32 v11, v2  }
0x11f: {  	v11 =	vld [tilespmem:s4+$0x2A50];
	[tilespmem:s25+$0x7AD0] =	vst v4;
	v3 =	vmax.f32 v3, $0.0e+00;
	v1 =	vadd.f32 v8, v1  }
0x120: {  	v8 =	vld [tilespmem:s4+$0x2A60];
	[tilespmem:s25+$0x7AE0] =	vst v3;
	v2 =	vmax.f32 v2, $0.0e+00  }
0x121: {  	v12 =	vld [tilespmem:s4+$0x2A70];
	[tilespmem:s25+$0x7AF0] =	vst v2;
	v1 =	vmax.f32 v1, $0.0e+00  }
0x122: {  	v13 =	vld [tilespmem:s4+$0x2A80];
	[tilespmem:s25+$0x7B00] =	vst v1;
	s25 =	smov.u32 s4  }
0x123: {  	v15 =	vld [tilespmem:s25+$0x2A90]  }
0x124: {  	v16 =	vld [tilespmem:s25+$0x2AA0]  }
0x125: {  	v6 =	vld [tilespmem:s25+$0x2AB0]  }
0x126: {  	v5 =	vld [tilespmem:s25+$0x2AC0]  }
0x127: {  	v4 =	vld [tilespmem:s25+$0x2AD0]  }
0x128: {  	v3 =	vld [tilespmem:s25+$0x2AE0]  }
0x129: {  	v2 =	vld [tilespmem:s25+$0x2AF0]  }
0x12a: {  	v1 =	vld [tilespmem:s25+$0x2B00]  }
0x12b: {  	v17 =	vld [tilespmem:s25+$0x7A10]  }
0x12c: {  	v18 =	vld [tilespmem:s25+$0x7A20]  }
0x12d: {  	v19 =	vld [tilespmem:s25+$0x7A30]  }
0x12e: {  	v20 =	vld [tilespmem:s25+$0x7A40]  }
0x12f: {  	v21 =	vld [tilespmem:s25+$0x7A50]  }
0x130: {  	v14 =	vadd.f32 v17, v14;
	v17 =	vld [tilespmem:s25+$0x7A60]  }
0x131: {  	v7 =	vadd.f32 v18, v7;
	v18 =	vld [tilespmem:s25+$0x7A70]  }
0x132: {  	v14 =	vmax.f32 v14, $0.0e+00;
	v9 =	vadd.f32 v19, v9;
	v19 =	vld [tilespmem:s25+$0x7A80]  }
0x133: {  	[tilespmem:s25+$0x7A10] =	vst v14;
	v7 =	vmax.f32 v7, $0.0e+00;
	v10 =	vadd.f32 v20, v10;
	v14 =	vld [tilespmem:s25+$0x7A90]  }
0x134: {  	[tilespmem:s25+$0x7A20] =	vst v7;
	v7 =	vmax.f32 v9, $0.0e+00;
	v9 =	vadd.f32 v21, v11;
	v11 =	vld [tilespmem:s25+$0x7AA0]  }
.Ltmp2:
0x135: {  	[tilespmem:s25+$0x7A30] =	vst v7;
	v7 =	vmax.f32 v10, $0.0e+00;
	v10 =	vadd.f32 v17, v8;
	v8 =	vld [tilespmem:s25+$0x7AB0];
	(pc) =	sbr.rel @p1 .LBB2_7-.Ltmp2, $4  }
0x136: {  	[tilespmem:s25+$0x7A40] =	vst v7;
	v9 =	vmax.f32 v9, $0.0e+00;
	v12 =	vadd.f32 v18, v12;
	v7 =	vld [tilespmem:s25+$0x7AC0]  }
0x137: {  	[tilespmem:s25+$0x7A50] =	vst v9;
	v10 =	vmax.f32 v10, $0.0e+00;
	v17 =	vadd.f32 v19, v13;
	v9 =	vld [tilespmem:s25+$0x7AD0]  }
0x138: {  	[tilespmem:s25+$0x7A60] =	vst v10;
	v12 =	vmax.f32 v12, $0.0e+00;
	v13 =	vadd.f32 v14, v15;
	v10 =	vld [tilespmem:s25+$0x7AE0]  }
0x139: {  	s29 =	sadd.s32 $0x400, s29;
	[tilespmem:s25+$0x7A70] =	vst v12;
	v14 =	vmax.f32 v17, $0.0e+00;
	v12 =	vadd.f32 v11, v16;
	v11 =	vld [tilespmem:s25+$0x7AF0]  }
0x13a: {  	[tilespmem:s25+$0x7A80] =	vst v14;
	v13 =	vmax.f32 v13, $0.0e+00;
	v6 =	vadd.f32 v8, v6;
	v8 =	vld [tilespmem:s25+$0x7B00]  }
0x13b: {  	[tilespmem:s25+$0x7A90] =	vst v13;
	v12 =	vmax.f32 v12, $0.0e+00;
	v5 =	vadd.f32 v7, v5  }
0x13c: {  	[tilespmem:s25+$0x7AA0] =	vst v12;
	v6 =	vmax.f32 v6, $0.0e+00;
	v4 =	vadd.f32 v9, v4  }
0x13d: {  	[tilespmem:s25+$0x7AB0] =	vst v6;
	v5 =	vmax.f32 v5, $0.0e+00;
	v3 =	vadd.f32 v10, v3  }
0x13e: {  	[tilespmem:s25+$0x7AC0] =	vst v5;
	v4 =	vmax.f32 v4, $0.0e+00;
	v2 =	vadd.f32 v11, v2  }
0x13f: {  	[tilespmem:s25+$0x7AD0] =	vst v4;
	v3 =	vmax.f32 v3, $0.0e+00;
	v1 =	vadd.f32 v8, v1  }
0x140: {  	[tilespmem:s25+$0x7AE0] =	vst v3;
	v2 =	vmax.f32 v2, $0.0e+00  }
0x141: {  	[tilespmem:s25+$0x7AF0] =	vst v2;
	v1 =	vmax.f32 v1, $0.0e+00  }
0x142: {  	s4 =	simm.s32 $0x180;
	[tilespmem:s25+$0x7B00] =	vst v1  }
0x143: {  	[spmem:s5] =	stream.indirect.scatter.add.f32 [tilespmem:s30], [sflag:$0xC], $0x80, s4, s21, $0xb8;
	[tilespmem:$0x1F380] =	vst v63  }
0x144: {  	_ =	swait.ge [sflag:s26], $0x50  }
0x145: {  	[sflag:s26] =	ssyncset.done $0x0  }
0x146: {  	[sflag:s26] =	ssyncadd.s32 $0xFFFFFFB0  }
0x147: {  	_ =	swait.ge [sflag:s12], $0x50  }
0x148: {  	[sflag:s12] =	ssyncset.done $0x0  }
0x149: {  	s25 =	simm.s32 $0x2B00;
	[sflag:s12] =	ssyncadd.s32 $0xFFFFFFB0  }
0x14a: {  	[tilespmem:s25], [sflag:$0x8] =	stream.indirect.gather [hbm4b:s1+s21], $0x80, s15, s21, $0xb8;
	[tilespmem:$0x1F380] =	vst v63  }
0x14b: {  	_ =	swait.ge [sflag:s13], $0x2800  }
0x14c: {  	s24 =	sshll.u32 s24, $0x4;
	[sflag:s13] =	ssyncset.done $0x0  }
0x14d: {  	s4 =	sadd.s32 s3, s24;
	[sflag:s13] =	ssyncadd.s32 $0xFFFFD800  }
0x14e: {  	[tilespmem:s30], [sflag:$0xA] =	stream.linear.gather [hbm4b:s4+s6], $0x2800, $0x38;
	[tilespmem:$0x1F380] =	vst v63  }
0x14f: {  	_ =	swait.ge [sflag:s31], $0x2800  }
0x150: {  	[sflag:s31] =	ssyncset.done $0x0  }
0x151: {  	[sflag:s31] =	ssyncadd.s32 $0xFFFFD800  }
0x152: {  	_ =	swait.ge [sflag:s0], $0x2800  }
0x153: {  	s25 =	rddreg [dreg:$0x11]  }
0x154: {  	s24 =	sadd.s32 s20, s25  }
0x155: {  	[sflag:s0] =	ssyncset.done $0x0;
	s4 =	sshrl.u32 s24, $0x3  }
0x156: {  	[sflag:s0] =	ssyncadd.s32 $0xFFFFD800;
	s25 =	sadd.s32 s7, s4  }
0x157: {  	[tilespmem:s6], [sflag:$0x1] =	stream.linear.gather [hbm4b:s25+s6], $0x50, $0x38;
	[tilespmem:$0x1F380] =	vst v63  }
0x158: {  	s4 =	sadd.s32 s2, s4;
	s25 =	simm.s32 $0xF0  }
0x159: {  	[tilespmem:s14], [sflag:$0x3] =	stream.linear.gather [hbm4b:s4+s6], $0x50, $0x38;
	[tilespmem:$0x1F380] =	vst v63  }
0x15a: {  	v7 =	vld [tilespmem:s25+$0x210]  }
0x15b: {  	v8 =	vld [tilespmem:s25+$0x220]  }
0x15c: {  	v9 =	vld [tilespmem:s25+$0x230]  }
0x15d: {  	v10 =	vld [tilespmem:s25+$0x240]  }
0x15e: {  	v11 =	vld [tilespmem:s25+$0x250]  }
0x15f: {  	v12 =	vld [tilespmem:s25+$0x260]  }
0x160: {  	v13 =	vld [tilespmem:s25+$0x270]  }
0x161: {  	v14 =	vld [tilespmem:s25+$0x280]  }
0x162: {  	v15 =	vld [tilespmem:s25+$0x290]  }
0x163: {  	v16 =	vld [tilespmem:s25+$0x2A0]  }
0x164: {  	v6 =	vld [tilespmem:s25+$0x2B0]  }
0x165: {  	v5 =	vld [tilespmem:s25+$0x2C0]  }
0x166: {  	v4 =	vld [tilespmem:s25+$0x2D0]  }
0x167: {  	v17 =	vld [tilespmem:s25+$0x5210]  }
0x168: {  	v18 =	vld [tilespmem:s25+$0x5220]  }
0x169: {  	v3 =	vld [tilespmem:s25+$0x2E0]  }
0x16a: {  	v19 =	vld [tilespmem:s25+$0x5230]  }
0x16b: {  	v20 =	vld [tilespmem:s25+$0x5240]  }
0x16c: {  	v2 =	vld [tilespmem:s25+$0x2F0];
	v7 =	vadd.f32 v17, v7  }
0x16d: {  	v21 =	vld [tilespmem:s25+$0x5250];
	v8 =	vadd.f32 v18, v8  }
0x16e: {  	v60 =	vld [tilespmem:s25+$0x5260];
	v7 =	vmax.f32 v7, $0.0e+00  }
0x16f: {  	v1 =	vld [tilespmem:s25+$0x300];
	v8 =	vmax.f32 v8, $0.0e+00;
	[tilespmem:s25+$0x5210] =	vst v7;
	v7 =	vadd.f32 v19, v9  }
0x170: {  	v22 =	vld [tilespmem:s25+$0x5270];
	[tilespmem:s25+$0x5220] =	vst v8;
	v8 =	vadd.f32 v20, v10  }
0x171: {  	v61 =	vld [tilespmem:s25+$0x5280];
	v7 =	vmax.f32 v7, $0.0e+00  }
0x172: {  	v62 =	vld [tilespmem:s25+$0x5290];
	v9 =	vmax.f32 v8, $0.0e+00;
	[tilespmem:s25+$0x5230] =	vst v7;
	v7 =	vadd.f32 v21, v11  }
0x173: {  	v63 =	vld [tilespmem:s25+$0x52A0];
	[tilespmem:s25+$0x5240] =	vst v9;
	v9 =	vadd.f32 v60, v12  }
0x174: {  	v8 =	vld [tilespmem:s25+$0x52B0];
	v10 =	vmax.f32 v7, $0.0e+00  }
0x175: {  	v7 =	vld [tilespmem:s25+$0x52C0];
	v11 =	vmax.f32 v9, $0.0e+00;
	[tilespmem:s25+$0x5250] =	vst v10;
	v10 =	vadd.f32 v22, v13  }
0x176: {  	v9 =	vld [tilespmem:s25+$0x52D0];
	[tilespmem:s25+$0x5260] =	vst v11;
	v11 =	vadd.f32 v61, v14  }
0x177: {  	v13 =	vadd.f32 v62, v15;
	v12 =	vmax.f32 v10, $0.0e+00;
	v10 =	vld [tilespmem:s25+$0x52E0]  }
0x178: {  	s29 =	simm.s32 $0x7C0;
	v14 =	vmax.f32 v11, $0.0e+00;
	v11 =	vld [tilespmem:s25+$0x52F0];
	[tilespmem:s25+$0x5270] =	vst v12;
	v12 =	vadd.f32 v63, v16  }
.LBB2_9:
0x179: {  	s4 =	sshra.s32 s29, $0x2;
	p1 =	sne.s32 s29, $0x9FC0;
	[tilespmem:s25+$0x5280] =	vst v14;
	v13 =	vmax.f32 v13, $0.0e+00;
	v6 =	vadd.f32 v8, v6;
	v8 =	vld [tilespmem:s25+$0x5300]  }
0x17a: {  	v14 =	vld [tilespmem:s4+$0x210];
	[tilespmem:s25+$0x5290] =	vst v13;
	v12 =	vmax.f32 v12, $0.0e+00;
	v5 =	vadd.f32 v7, v5  }
0x17b: {  	v7 =	vld [tilespmem:s4+$0x220];
	[tilespmem:s25+$0x52A0] =	vst v12;
	v6 =	vmax.f32 v6, $0.0e+00;
	v4 =	vadd.f32 v9, v4  }
0x17c: {  	v9 =	vld [tilespmem:s4+$0x230];
	[tilespmem:s25+$0x52B0] =	vst v6;
	v5 =	vmax.f32 v5, $0.0e+00;
	v3 =	vadd.f32 v10, v3  }
0x17d: {  	v10 =	vld [tilespmem:s4+$0x240];
	[tilespmem:s25+$0x52C0] =	vst v5;
	v4 =	vmax.f32 v4, $0.0e+00;
	v2 =	vadd.f32 v11, v2  }
0x17e: {  	v11 =	vld [tilespmem:s4+$0x250];
	[tilespmem:s25+$0x52D0] =	vst v4;
	v3 =	vmax.f32 v3, $0.0e+00;
	v1 =	vadd.f32 v8, v1  }
0x17f: {  	v8 =	vld [tilespmem:s4+$0x260];
	[tilespmem:s25+$0x52E0] =	vst v3;
	v2 =	vmax.f32 v2, $0.0e+00  }
0x180: {  	v12 =	vld [tilespmem:s4+$0x270];
	[tilespmem:s25+$0x52F0] =	vst v2;
	v1 =	vmax.f32 v1, $0.0e+00  }
0x181: {  	v13 =	vld [tilespmem:s4+$0x280];
	[tilespmem:s25+$0x5300] =	vst v1;
	s25 =	smov.u32 s4  }
0x182: {  	v15 =	vld [tilespmem:s25+$0x290]  }
0x183: {  	v16 =	vld [tilespmem:s25+$0x2A0]  }
0x184: {  	v6 =	vld [tilespmem:s25+$0x2B0]  }
0x185: {  	v5 =	vld [tilespmem:s25+$0x2C0]  }
0x186: {  	v4 =	vld [tilespmem:s25+$0x2D0]  }
0x187: {  	v3 =	vld [tilespmem:s25+$0x2E0]  }
0x188: {  	v2 =	vld [tilespmem:s25+$0x2F0]  }
0x189: {  	v1 =	vld [tilespmem:s25+$0x300]  }
0x18a: {  	v17 =	vld [tilespmem:s25+$0x5210]  }
0x18b: {  	v18 =	vld [tilespmem:s25+$0x5220]  }
0x18c: {  	v19 =	vld [tilespmem:s25+$0x5230]  }
0x18d: {  	v20 =	vld [tilespmem:s25+$0x5240]  }
0x18e: {  	v21 =	vld [tilespmem:s25+$0x5250]  }
0x18f: {  	v14 =	vadd.f32 v17, v14;
	v17 =	vld [tilespmem:s25+$0x5260]  }
0x190: {  	v7 =	vadd.f32 v18, v7;
	v18 =	vld [tilespmem:s25+$0x5270]  }
0x191: {  	v14 =	vmax.f32 v14, $0.0e+00;
	v9 =	vadd.f32 v19, v9;
	v19 =	vld [tilespmem:s25+$0x5280]  }
0x192: {  	[tilespmem:s25+$0x5210] =	vst v14;
	v7 =	vmax.f32 v7, $0.0e+00;
	v10 =	vadd.f32 v20, v10;
	v14 =	vld [tilespmem:s25+$0x5290]  }
0x193: {  	[tilespmem:s25+$0x5220] =	vst v7;
	v7 =	vmax.f32 v9, $0.0e+00;
	v9 =	vadd.f32 v21, v11;
	v11 =	vld [tilespmem:s25+$0x52A0]  }
.Ltmp3:
0x194: {  	[tilespmem:s25+$0x5230] =	vst v7;
	v7 =	vmax.f32 v10, $0.0e+00;
	v10 =	vadd.f32 v17, v8;
	v8 =	vld [tilespmem:s25+$0x52B0];
	(pc) =	sbr.rel @p1 .LBB2_9-.Ltmp3, $4  }
0x195: {  	[tilespmem:s25+$0x5240] =	vst v7;
	v9 =	vmax.f32 v9, $0.0e+00;
	v12 =	vadd.f32 v18, v12;
	v7 =	vld [tilespmem:s25+$0x52C0]  }
0x196: {  	[tilespmem:s25+$0x5250] =	vst v9;
	v10 =	vmax.f32 v10, $0.0e+00;
	v17 =	vadd.f32 v19, v13;
	v9 =	vld [tilespmem:s25+$0x52D0]  }
0x197: {  	[tilespmem:s25+$0x5260] =	vst v10;
	v12 =	vmax.f32 v12, $0.0e+00;
	v13 =	vadd.f32 v14, v15;
	v10 =	vld [tilespmem:s25+$0x52E0]  }
0x198: {  	s29 =	sadd.s32 $0x400, s29;
	[tilespmem:s25+$0x5270] =	vst v12;
	v14 =	vmax.f32 v17, $0.0e+00;
	v12 =	vadd.f32 v11, v16;
	v11 =	vld [tilespmem:s25+$0x52F0]  }
0x199: {  	[tilespmem:s25+$0x5280] =	vst v14;
	v13 =	vmax.f32 v13, $0.0e+00;
	v6 =	vadd.f32 v8, v6;
	v8 =	vld [tilespmem:s25+$0x5300]  }
0x19a: {  	[tilespmem:s25+$0x5290] =	vst v13;
	v12 =	vmax.f32 v12, $0.0e+00;
	v5 =	vadd.f32 v7, v5  }
0x19b: {  	[tilespmem:s25+$0x52A0] =	vst v12;
	v6 =	vmax.f32 v6, $0.0e+00;
	v4 =	vadd.f32 v9, v4  }
0x19c: {  	[tilespmem:s25+$0x52B0] =	vst v6;
	v5 =	vmax.f32 v5, $0.0e+00;
	v3 =	vadd.f32 v10, v3  }
0x19d: {  	[tilespmem:s25+$0x52C0] =	vst v5;
	v4 =	vmax.f32 v4, $0.0e+00;
	v2 =	vadd.f32 v11, v2  }
0x19e: {  	[tilespmem:s25+$0x52D0] =	vst v4;
	v3 =	vmax.f32 v3, $0.0e+00;
	v1 =	vadd.f32 v8, v1  }
0x19f: {  	[tilespmem:s25+$0x52E0] =	vst v3;
	v2 =	vmax.f32 v2, $0.0e+00  }
0x1a0: {  	[tilespmem:s25+$0x52F0] =	vst v2;
	v1 =	vmax.f32 v1, $0.0e+00  }
0x1a1: {  	s4 =	simm.s32 $0x200;
	[tilespmem:s25+$0x5300] =	vst v1  }
0x1a2: {  	[spmem:s5] =	stream.indirect.scatter.add.f32 [tilespmem:s23], [sflag:$0xB], $0x80, s4, s21, $0xb8;
	[tilespmem:$0x1F380] =	vst v63  }
0x1a3: {  	_ =	swait.ge [sflag:s17], $0x50  }
0x1a4: {  	[sflag:s17] =	ssyncset.done $0x0  }
0x1a5: {  	[sflag:s17] =	ssyncadd.s32 $0xFFFFFFB0  }
0x1a6: {  	_ =	swait.ge [sflag:s18], $0x50  }
0x1a7: {  	[sflag:s18] =	ssyncset.done $0x0  }
0x1a8: {  	[sflag:s18] =	ssyncadd.s32 $0xFFFFFFB0  }
0x1a9: {  	[tilespmem:s22], [sflag:$0x7] =	stream.indirect.gather [hbm4b:s1+s21], $0x80, s6, s21, $0xb8;
	[tilespmem:$0x1F380] =	vst v63  }
0x1aa: {  	_ =	swait.ge [sflag:s10], $0x2800  }
0x1ab: {  	s29 =	sshll.u32 s24, $0x4;
	[sflag:s10] =	ssyncset.done $0x0  }
0x1ac: {  	s4 =	sadd.s32 s3, s29;
	[sflag:s10] =	ssyncadd.s32 $0xFFFFD800  }
0x1ad: {  	[tilespmem:s23], [sflag:$0x9] =	stream.linear.gather [hbm4b:s4+s6], $0x2800, $0x38;
	[tilespmem:$0x1F380] =	vst v63  }
0x1ae: {  	_ =	swait.ge [sflag:s8], $0x2800  }
0x1af: {  	[sflag:s8] =	ssyncset.done $0x0  }
0x1b0: {  	[sflag:s8] =	ssyncadd.s32 $0xFFFFD800  }
0x1b1: {  	_ =	swait.ge [sflag:s11], $0x2800  }
0x1b2: {  	p1 =	seq.s32 s19, $0x1E;
	s4 =	rddreg [dreg:$0x12]  }
0x1b3: {  	s4 =	sadd.s32 @!p1 s20, s4  }
0x1b4: {  	s24 =	simm.s32 @!p1 $0x0;
	[sflag:s11] =	ssyncset.done $0x0;
	s4 =	sshrl.u32 @!p1 s4, $0x3  }
0x1b5: {  	s25 =	simm.s32 @!p1 $0x80;
	[sflag:s11] =	ssyncadd.s32 $0xFFFFD800;
	s20 =	sadd.s32 @!p1 s7, s4  }
0x1b6: {  	[tilespmem:s25], [sflag:$0x2] =	stream.linear.gather @!p1 [hbm4b:s20+s24], $0x50, $0x38;
	[tilespmem:$0x1F380] =	vst v63  }
0x1b7: {  	s4 =	sadd.s32 @!p1 s2, s4;
	s20 =	simm.s32 @!p1 $0x180  }
0x1b8: {  	[tilespmem:s20], [sflag:$0x4] =	stream.linear.gather @!p1 [hbm4b:s4+s24], $0x50, $0x38;
	[tilespmem:$0x1F380] =	vst v63  }
0x1b9: {  	s20 =	simm.s32 $0xF0  }
0x1ba: {  	v7 =	vld [tilespmem:s20+$0x2A10]  }
0x1bb: {  	v8 =	vld [tilespmem:s20+$0x2A20]  }
0x1bc: {  	v9 =	vld [tilespmem:s20+$0x2A30]  }
0x1bd: {  	v10 =	vld [tilespmem:s20+$0x2A40]  }
0x1be: {  	v11 =	vld [tilespmem:s20+$0x2A50]  }
0x1bf: {  	v12 =	vld [tilespmem:s20+$0x2A60]  }
0x1c0: {  	v13 =	vld [tilespmem:s20+$0x2A70]  }
0x1c1: {  	v14 =	vld [tilespmem:s20+$0x2A80]  }
0x1c2: {  	v15 =	vld [tilespmem:s20+$0x2A90]  }
0x1c3: {  	v16 =	vld [tilespmem:s20+$0x2AA0]  }
0x1c4: {  	v6 =	vld [tilespmem:s20+$0x2AB0]  }
0x1c5: {  	v5 =	vld [tilespmem:s20+$0x2AC0]  }
0x1c6: {  	v4 =	vld [tilespmem:s20+$0x2AD0]  }
0x1c7: {  	v17 =	vld [tilespmem:s20+$0x7A10]  }
0x1c8: {  	v18 =	vld [tilespmem:s20+$0x7A20]  }
0x1c9: {  	v3 =	vld [tilespmem:s20+$0x2AE0]  }
0x1ca: {  	v19 =	vld [tilespmem:s20+$0x7A30]  }
0x1cb: {  	v20 =	vld [tilespmem:s20+$0x7A40]  }
0x1cc: {  	v2 =	vld [tilespmem:s20+$0x2AF0];
	v7 =	vadd.f32 v17, v7  }
0x1cd: {  	v21 =	vld [tilespmem:s20+$0x7A50];
	v8 =	vadd.f32 v18, v8  }
0x1ce: {  	v60 =	vld [tilespmem:s20+$0x7A60];
	v7 =	vmax.f32 v7, $0.0e+00  }
0x1cf: {  	v1 =	vld [tilespmem:s20+$0x2B00];
	v8 =	vmax.f32 v8, $0.0e+00;
	[tilespmem:s20+$0x7A10] =	vst v7;
	v7 =	vadd.f32 v19, v9  }
0x1d0: {  	v22 =	vld [tilespmem:s20+$0x7A70];
	[tilespmem:s20+$0x7A20] =	vst v8;
	v8 =	vadd.f32 v20, v10  }
0x1d1: {  	v61 =	vld [tilespmem:s20+$0x7A80];
	v7 =	vmax.f32 v7, $0.0e+00  }
0x1d2: {  	v62 =	vld [tilespmem:s20+$0x7A90];
	v9 =	vmax.f32 v8, $0.0e+00;
	[tilespmem:s20+$0x7A30] =	vst v7;
	v7 =	vadd.f32 v21, v11  }
0x1d3: {  	v63 =	vld [tilespmem:s20+$0x7AA0];
	[tilespmem:s20+$0x7A40] =	vst v9;
	v9 =	vadd.f32 v60, v12  }
0x1d4: {  	v8 =	vld [tilespmem:s20+$0x7AB0];
	v10 =	vmax.f32 v7, $0.0e+00  }
0x1d5: {  	v7 =	vld [tilespmem:s20+$0x7AC0];
	v11 =	vmax.f32 v9, $0.0e+00;
	[tilespmem:s20+$0x7A50] =	vst v10;
	v10 =	vadd.f32 v22, v13  }
0x1d6: {  	v9 =	vld [tilespmem:s20+$0x7AD0];
	[tilespmem:s20+$0x7A60] =	vst v11;
	v11 =	vadd.f32 v61, v14  }
0x1d7: {  	v13 =	vadd.f32 v62, v15;
	v12 =	vmax.f32 v10, $0.0e+00;
	v10 =	vld [tilespmem:s20+$0x7AE0]  }
0x1d8: {  	s24 =	simm.s32 $0x7C0;
	v14 =	vmax.f32 v11, $0.0e+00;
	v11 =	vld [tilespmem:s20+$0x7AF0];
	[tilespmem:s20+$0x7A70] =	vst v12;
	v12 =	vadd.f32 v63, v16  }
.LBB2_11:
0x1d9: {  	s4 =	sshra.s32 s24, $0x2;
	p1 =	sne.s32 s24, $0x9FC0;
	[tilespmem:s20+$0x7A80] =	vst v14;
	v13 =	vmax.f32 v13, $0.0e+00;
	v6 =	vadd.f32 v8, v6;
	v8 =	vld [tilespmem:s20+$0x7B00]  }
0x1da: {  	v14 =	vld [tilespmem:s4+$0x2A10];
	[tilespmem:s20+$0x7A90] =	vst v13;
	v12 =	vmax.f32 v12, $0.0e+00;
	v5 =	vadd.f32 v7, v5  }
0x1db: {  	v7 =	vld [tilespmem:s4+$0x2A20];
	[tilespmem:s20+$0x7AA0] =	vst v12;
	v6 =	vmax.f32 v6, $0.0e+00;
	v4 =	vadd.f32 v9, v4  }
0x1dc: {  	v9 =	vld [tilespmem:s4+$0x2A30];
	[tilespmem:s20+$0x7AB0] =	vst v6;
	v5 =	vmax.f32 v5, $0.0e+00;
	v3 =	vadd.f32 v10, v3  }
0x1dd: {  	v10 =	vld [tilespmem:s4+$0x2A40];
	[tilespmem:s20+$0x7AC0] =	vst v5;
	v4 =	vmax.f32 v4, $0.0e+00;
	v2 =	vadd.f32 v11, v2  }
0x1de: {  	v11 =	vld [tilespmem:s4+$0x2A50];
	[tilespmem:s20+$0x7AD0] =	vst v4;
	v3 =	vmax.f32 v3, $0.0e+00;
	v1 =	vadd.f32 v8, v1  }
0x1df: {  	v8 =	vld [tilespmem:s4+$0x2A60];
	[tilespmem:s20+$0x7AE0] =	vst v3;
	v2 =	vmax.f32 v2, $0.0e+00  }
0x1e0: {  	v12 =	vld [tilespmem:s4+$0x2A70];
	[tilespmem:s20+$0x7AF0] =	vst v2;
	v1 =	vmax.f32 v1, $0.0e+00  }
0x1e1: {  	v13 =	vld [tilespmem:s4+$0x2A80];
	[tilespmem:s20+$0x7B00] =	vst v1;
	s20 =	smov.u32 s4  }
0x1e2: {  	v15 =	vld [tilespmem:s20+$0x2A90]  }
0x1e3: {  	v16 =	vld [tilespmem:s20+$0x2AA0]  }
0x1e4: {  	v6 =	vld [tilespmem:s20+$0x2AB0]  }
0x1e5: {  	v5 =	vld [tilespmem:s20+$0x2AC0]  }
0x1e6: {  	v4 =	vld [tilespmem:s20+$0x2AD0]  }
0x1e7: {  	v3 =	vld [tilespmem:s20+$0x2AE0]  }
0x1e8: {  	v2 =	vld [tilespmem:s20+$0x2AF0]  }
0x1e9: {  	v1 =	vld [tilespmem:s20+$0x2B00]  }
0x1ea: {  	v17 =	vld [tilespmem:s20+$0x7A10]  }
0x1eb: {  	v18 =	vld [tilespmem:s20+$0x7A20]  }
0x1ec: {  	v19 =	vld [tilespmem:s20+$0x7A30]  }
0x1ed: {  	v20 =	vld [tilespmem:s20+$0x7A40]  }
0x1ee: {  	v21 =	vld [tilespmem:s20+$0x7A50]  }
0x1ef: {  	v14 =	vadd.f32 v17, v14;
	v17 =	vld [tilespmem:s20+$0x7A60]  }
0x1f0: {  	v7 =	vadd.f32 v18, v7;
	v18 =	vld [tilespmem:s20+$0x7A70]  }
0x1f1: {  	v14 =	vmax.f32 v14, $0.0e+00;
	v9 =	vadd.f32 v19, v9;
	v19 =	vld [tilespmem:s20+$0x7A80]  }
0x1f2: {  	[tilespmem:s20+$0x7A10] =	vst v14;
	v7 =	vmax.f32 v7, $0.0e+00;
	v10 =	vadd.f32 v20, v10;
	v14 =	vld [tilespmem:s20+$0x7A90]  }
0x1f3: {  	[tilespmem:s20+$0x7A20] =	vst v7;
	v7 =	vmax.f32 v9, $0.0e+00;
	v9 =	vadd.f32 v21, v11;
	v11 =	vld [tilespmem:s20+$0x7AA0]  }
.Ltmp4:
0x1f4: {  	[tilespmem:s20+$0x7A30] =	vst v7;
	v7 =	vmax.f32 v10, $0.0e+00;
	v10 =	vadd.f32 v17, v8;
	v8 =	vld [tilespmem:s20+$0x7AB0];
	(pc) =	sbr.rel @p1 .LBB2_11-.Ltmp4, $4  }
0x1f5: {  	[tilespmem:s20+$0x7A40] =	vst v7;
	v9 =	vmax.f32 v9, $0.0e+00;
	v12 =	vadd.f32 v18, v12;
	v7 =	vld [tilespmem:s20+$0x7AC0]  }
0x1f6: {  	[tilespmem:s20+$0x7A50] =	vst v9;
	v10 =	vmax.f32 v10, $0.0e+00;
	v17 =	vadd.f32 v19, v13;
	v9 =	vld [tilespmem:s20+$0x7AD0]  }
0x1f7: {  	[tilespmem:s20+$0x7A60] =	vst v10;
	v12 =	vmax.f32 v12, $0.0e+00;
	v13 =	vadd.f32 v14, v15;
	v10 =	vld [tilespmem:s20+$0x7AE0]  }
0x1f8: {  	s24 =	sadd.s32 $0x400, s24;
	[tilespmem:s20+$0x7A70] =	vst v12;
	v14 =	vmax.f32 v17, $0.0e+00;
	v12 =	vadd.f32 v11, v16;
	v11 =	vld [tilespmem:s20+$0x7AF0]  }
0x1f9: {  	[tilespmem:s20+$0x7A80] =	vst v14;
	v13 =	vmax.f32 v13, $0.0e+00;
	v6 =	vadd.f32 v8, v6;
	v63 =	vld [tilespmem:s20+$0x7B00]  }
0x1fa: {  	[tilespmem:s20+$0x7A90] =	vst v13;
	v12 =	vmax.f32 v12, $0.0e+00;
	v5 =	vadd.f32 v7, v5  }
0x1fb: {  	[tilespmem:s20+$0x7AA0] =	vst v12;
	v6 =	vmax.f32 v6, $0.0e+00;
	v4 =	vadd.f32 v9, v4  }
0x1fc: {  	s19 =	sadd.s32 $0x1, s19;
	[tilespmem:s20+$0x7AB0] =	vst v6;
	v5 =	vmax.f32 v5, $0.0e+00;
	v3 =	vadd.f32 v10, v3  }
0x1fd: {  	p1 =	sne.s32 s19, $0x1F;
	[tilespmem:s20+$0x7AC0] =	vst v5;
	v4 =	vmax.f32 v4, $0.0e+00;
	v2 =	vadd.f32 v11, v2  }
.Ltmp5:
0x1fe: {  	[tilespmem:s20+$0x7AD0] =	vst v4;
	v3 =	vmax.f32 v3, $0.0e+00;
	v1 =	vadd.f32 v63, v1;
	(pc) =	sbr.rel @p1 .LBB2_4-.Ltmp5, $4  }
0x1ff: {  	[tilespmem:s20+$0x7AE0] =	vst v3;
	v2 =	vmax.f32 v2, $0.0e+00  }
0x200: {  	[tilespmem:s20+$0x7AF0] =	vst v2;
	v1 =	vmax.f32 v1, $0.0e+00  }
0x201: {  	[tilespmem:s20+$0x7B00] =	vst v1  }
0x202: {  	[spmem:s5] =	stream.indirect.scatter.add.f32 [tilespmem:s30], [sflag:$0xC], $0x80, s16, s21, $0xb8;
	[tilespmem:$0x1F380] =	vst v63  }
0x203: {  	_ =	swait.ge [sflag:s31], $0x2800  }
0x204: {  	[sflag:s31] =	ssyncset.done $0x0  }
0x205: {  	[sflag:s31] =	ssyncadd.s32 $0xFFFFD800  }
0x206: {  	_ =	swait.ge [sflag:s0], $0x2800  }
0x207: {  	[sflag:s0] =	ssyncset.done $0x0  }
0x208: {  	[sflag:s0] =	ssyncadd.s32 $0xFFFFD800  }
0x209: {  	_ =	swait.ge [sflag:s13], $0x2800  }
0x20a: {  	[sflag:s13] =	ssyncset.done $0x0  }
0x20b: {  	s19 =	simm.s32 $0xF0;
	[sflag:s13] =	ssyncadd.s32 $0xFFFFD800  }
0x20c: {  	v7 =	vld [tilespmem:s19+$0x210]  }
0x20d: {  	v8 =	vld [tilespmem:s19+$0x220]  }
0x20e: {  	v9 =	vld [tilespmem:s19+$0x230]  }
0x20f: {  	v10 =	vld [tilespmem:s19+$0x240]  }
0x210: {  	v11 =	vld [tilespmem:s19+$0x250]  }
0x211: {  	v12 =	vld [tilespmem:s19+$0x260]  }
0x212: {  	v13 =	vld [tilespmem:s19+$0x270]  }
0x213: {  	v14 =	vld [tilespmem:s19+$0x280]  }
0x214: {  	v15 =	vld [tilespmem:s19+$0x290]  }
0x215: {  	v16 =	vld [tilespmem:s19+$0x2A0]  }
0x216: {  	v6 =	vld [tilespmem:s19+$0x2B0]  }
0x217: {  	v5 =	vld [tilespmem:s19+$0x2C0]  }
0x218: {  	v4 =	vld [tilespmem:s19+$0x2D0]  }
0x219: {  	v17 =	vld [tilespmem:s19+$0x5210]  }
0x21a: {  	v18 =	vld [tilespmem:s19+$0x5220]  }
0x21b: {  	v3 =	vld [tilespmem:s19+$0x2E0]  }
0x21c: {  	v19 =	vld [tilespmem:s19+$0x5230]  }
0x21d: {  	v20 =	vld [tilespmem:s19+$0x5240]  }
0x21e: {  	v2 =	vld [tilespmem:s19+$0x2F0];
	v7 =	vadd.f32 v17, v7  }
0x21f: {  	v21 =	vld [tilespmem:s19+$0x5250];
	v8 =	vadd.f32 v18, v8  }
0x220: {  	v60 =	vld [tilespmem:s19+$0x5260];
	v7 =	vmax.f32 v7, $0.0e+00  }
0x221: {  	v1 =	vld [tilespmem:s19+$0x300];
	v8 =	vmax.f32 v8, $0.0e+00;
	[tilespmem:s19+$0x5210] =	vst v7;
	v7 =	vadd.f32 v19, v9  }
0x222: {  	v22 =	vld [tilespmem:s19+$0x5270];
	[tilespmem:s19+$0x5220] =	vst v8;
	v8 =	vadd.f32 v20, v10  }
0x223: {  	v61 =	vld [tilespmem:s19+$0x5280];
	v7 =	vmax.f32 v7, $0.0e+00  }
0x224: {  	v62 =	vld [tilespmem:s19+$0x5290];
	v9 =	vmax.f32 v8, $0.0e+00;
	[tilespmem:s19+$0x5230] =	vst v7;
	v7 =	vadd.f32 v21, v11  }
0x225: {  	v63 =	vld [tilespmem:s19+$0x52A0];
	[tilespmem:s19+$0x5240] =	vst v9;
	v9 =	vadd.f32 v60, v12  }
0x226: {  	v8 =	vld [tilespmem:s19+$0x52B0];
	v10 =	vmax.f32 v7, $0.0e+00  }
0x227: {  	v7 =	vld [tilespmem:s19+$0x52C0];
	v11 =	vmax.f32 v9, $0.0e+00;
	[tilespmem:s19+$0x5250] =	vst v10;
	v10 =	vadd.f32 v22, v13  }
0x228: {  	v9 =	vld [tilespmem:s19+$0x52D0];
	[tilespmem:s19+$0x5260] =	vst v11;
	v11 =	vadd.f32 v61, v14  }
0x229: {  	v13 =	vadd.f32 v62, v15;
	v12 =	vmax.f32 v10, $0.0e+00;
	v10 =	vld [tilespmem:s19+$0x52E0]  }
0x22a: {  	s20 =	simm.s32 $0x7C0;
	v14 =	vmax.f32 v11, $0.0e+00;
	v11 =	vld [tilespmem:s19+$0x52F0];
	[tilespmem:s19+$0x5270] =	vst v12;
	v12 =	vadd.f32 v63, v16  }
.LBB2_14:
0x22b: {  	s4 =	sshra.s32 s20, $0x2;
	p1 =	sne.s32 s20, $0x9FC0;
	[tilespmem:s19+$0x5280] =	vst v14;
	v13 =	vmax.f32 v13, $0.0e+00;
	v6 =	vadd.f32 v8, v6;
	v8 =	vld [tilespmem:s19+$0x5300]  }
0x22c: {  	v14 =	vld [tilespmem:s4+$0x210];
	[tilespmem:s19+$0x5290] =	vst v13;
	v12 =	vmax.f32 v12, $0.0e+00;
	v5 =	vadd.f32 v7, v5  }
0x22d: {  	v7 =	vld [tilespmem:s4+$0x220];
	[tilespmem:s19+$0x52A0] =	vst v12;
	v6 =	vmax.f32 v6, $0.0e+00;
	v4 =	vadd.f32 v9, v4  }
0x22e: {  	v9 =	vld [tilespmem:s4+$0x230];
	[tilespmem:s19+$0x52B0] =	vst v6;
	v5 =	vmax.f32 v5, $0.0e+00;
	v3 =	vadd.f32 v10, v3  }
0x22f: {  	v10 =	vld [tilespmem:s4+$0x240];
	[tilespmem:s19+$0x52C0] =	vst v5;
	v4 =	vmax.f32 v4, $0.0e+00;
	v2 =	vadd.f32 v11, v2  }
0x230: {  	v11 =	vld [tilespmem:s4+$0x250];
	[tilespmem:s19+$0x52D0] =	vst v4;
	v3 =	vmax.f32 v3, $0.0e+00;
	v1 =	vadd.f32 v8, v1  }
0x231: {  	v8 =	vld [tilespmem:s4+$0x260];
	[tilespmem:s19+$0x52E0] =	vst v3;
	v2 =	vmax.f32 v2, $0.0e+00  }
0x232: {  	v12 =	vld [tilespmem:s4+$0x270];
	[tilespmem:s19+$0x52F0] =	vst v2;
	v1 =	vmax.f32 v1, $0.0e+00  }
0x233: {  	v13 =	vld [tilespmem:s4+$0x280];
	[tilespmem:s19+$0x5300] =	vst v1;
	s19 =	smov.u32 s4  }
0x234: {  	v15 =	vld [tilespmem:s19+$0x290]  }
0x235: {  	v16 =	vld [tilespmem:s19+$0x2A0]  }
0x236: {  	v6 =	vld [tilespmem:s19+$0x2B0]  }
0x237: {  	v5 =	vld [tilespmem:s19+$0x2C0]  }
0x238: {  	v4 =	vld [tilespmem:s19+$0x2D0]  }
0x239: {  	v3 =	vld [tilespmem:s19+$0x2E0]  }
0x23a: {  	v2 =	vld [tilespmem:s19+$0x2F0]  }
0x23b: {  	v1 =	vld [tilespmem:s19+$0x300]  }
0x23c: {  	v17 =	vld [tilespmem:s19+$0x5210]  }
0x23d: {  	v18 =	vld [tilespmem:s19+$0x5220]  }
0x23e: {  	v19 =	vld [tilespmem:s19+$0x5230]  }
0x23f: {  	v20 =	vld [tilespmem:s19+$0x5240]  }
0x240: {  	v21 =	vld [tilespmem:s19+$0x5250]  }
0x241: {  	v14 =	vadd.f32 v17, v14;
	v17 =	vld [tilespmem:s19+$0x5260]  }
0x242: {  	v7 =	vadd.f32 v18, v7;
	v18 =	vld [tilespmem:s19+$0x5270]  }
0x243: {  	v14 =	vmax.f32 v14, $0.0e+00;
	v9 =	vadd.f32 v19, v9;
	v19 =	vld [tilespmem:s19+$0x5280]  }
0x244: {  	[tilespmem:s19+$0x5210] =	vst v14;
	v7 =	vmax.f32 v7, $0.0e+00;
	v10 =	vadd.f32 v20, v10;
	v14 =	vld [tilespmem:s19+$0x5290]  }
0x245: {  	[tilespmem:s19+$0x5220] =	vst v7;
	v7 =	vmax.f32 v9, $0.0e+00;
	v9 =	vadd.f32 v21, v11;
	v11 =	vld [tilespmem:s19+$0x52A0]  }
.Ltmp6:
0x246: {  	[tilespmem:s19+$0x5230] =	vst v7;
	v7 =	vmax.f32 v10, $0.0e+00;
	v10 =	vadd.f32 v17, v8;
	v8 =	vld [tilespmem:s19+$0x52B0];
	(pc) =	sbr.rel @p1 .LBB2_14-.Ltmp6, $4  }
0x247: {  	[tilespmem:s19+$0x5240] =	vst v7;
	v9 =	vmax.f32 v9, $0.0e+00;
	v12 =	vadd.f32 v18, v12;
	v7 =	vld [tilespmem:s19+$0x52C0]  }
0x248: {  	[tilespmem:s19+$0x5250] =	vst v9;
	v10 =	vmax.f32 v10, $0.0e+00;
	v17 =	vadd.f32 v19, v13;
	v9 =	vld [tilespmem:s19+$0x52D0]  }
0x249: {  	[tilespmem:s19+$0x5260] =	vst v10;
	v12 =	vmax.f32 v12, $0.0e+00;
	v13 =	vadd.f32 v14, v15;
	v10 =	vld [tilespmem:s19+$0x52E0]  }
0x24a: {  	s20 =	sadd.s32 $0x400, s20;
	[tilespmem:s19+$0x5270] =	vst v12;
	v14 =	vmax.f32 v17, $0.0e+00;
	v12 =	vadd.f32 v11, v16;
	v11 =	vld [tilespmem:s19+$0x52F0]  }
0x24b: {  	[tilespmem:s19+$0x5280] =	vst v14;
	v13 =	vmax.f32 v13, $0.0e+00;
	v6 =	vadd.f32 v8, v6;
	v63 =	vld [tilespmem:s19+$0x5300]  }
0x24c: {  	[tilespmem:s19+$0x5290] =	vst v13;
	v12 =	vmax.f32 v12, $0.0e+00;
	v5 =	vadd.f32 v7, v5  }
0x24d: {  	[tilespmem:s19+$0x52A0] =	vst v12;
	v6 =	vmax.f32 v6, $0.0e+00;
	v4 =	vadd.f32 v9, v4  }
0x24e: {  	[tilespmem:s19+$0x52B0] =	vst v6;
	v5 =	vmax.f32 v5, $0.0e+00;
	v3 =	vadd.f32 v10, v3  }
0x24f: {  	[tilespmem:s19+$0x52C0] =	vst v5;
	v4 =	vmax.f32 v4, $0.0e+00;
	v2 =	vadd.f32 v11, v2  }
0x250: {  	[tilespmem:s19+$0x52D0] =	vst v4;
	v3 =	vmax.f32 v3, $0.0e+00;
	v1 =	vadd.f32 v63, v1  }
0x251: {  	[tilespmem:s19+$0x52E0] =	vst v3;
	v2 =	vmax.f32 v2, $0.0e+00  }
0x252: {  	[tilespmem:s19+$0x52F0] =	vst v2;
	v1 =	vmax.f32 v1, $0.0e+00  }
0x253: {  	[tilespmem:s19+$0x5300] =	vst v1  }
0x254: {  	[spmem:s5] =	stream.indirect.scatter.add.f32 [tilespmem:s23], [sflag:$0xB], $0x80, s14, s21, $0xb8;
	[tilespmem:$0x1F380] =	vst v63  }
0x255: {  	_ =	swait.ge [sflag:s10], $0x2800  }
0x256: {  	[sflag:s10] =	ssyncset.done $0x0  }
0x257: {  	[sflag:s10] =	ssyncadd.s32 $0xFFFFD800  }
0x258: {  	s4 =	stileid.u32;
	[bflag:$0x0] =	sbarrier.arrive $0xFFFF  }
0x259: {  	s29 =	simm.s32 $0xD;
	s4 =	sshll.u32 s4, $0x6;
	s24 =	rddreg [dreg:$0x6]  }
0x25a: {  	s4 =	sor.u32 $0x1C0D, s4;
	s20 =	rddreg [dreg:$0x13];
	s25 =	sshrl.u32 s24, $0x3  }
0x25b: {  	[hbm:s20], [sflag:s4] =	dma.local [spmem:s25], $0x2700  }
0x25c: {  	_ =	swait.ge [sflag:s29], $0x2700  }
0x25d: {  	s25 =	sld [smem:$0x7FD];
	_ =	sdelay $0x1  }
0x25e: {  	[sflag:s29] =	ssyncset.done $0x0  }
0x25f: {  	s20 =	rddreg [dreg:$0x14];
	[sflag:s29] =	ssyncadd.s32 $0xFFFFD900;
	s19 =	sshrl.u32 @!p0 s25, $0x3  }
0x260: {  	[hbm:s20], [sflag:s4] =	dma.local @!p0 [spmem:s19], $0x100  }
0x261: {  	s4 =	simm.s32 @!p0 $0xD  }
0x262: {  	_ =	swait.ge @!p0 [sflag:s4], $0x100  }
0x263: {  	s19 =	sld [smem:$0x7FC];
	_ =	sdelay $0x2  }
0x264: {  	s20 =	sadd.s32 $0x1, s19;
	s19 =	rddreg [dreg:$0x15]  }
0x265: {  	p1 =	sne.s32 s20, s19  }
.Ltmp7:
0x266: {  	_ = 	snop;
	(pc) =	sbr.rel @p1 .LBB2_1-.Ltmp7, $3  }
0x267: {  	_ =	sdelay $0x1  }
0x268: {  	[sflag:s4] =	ssyncset.done @!p0 $0x0  }
0x269: {  	[sflag:s4] =	ssyncadd.s32 @!p0 $0xFFFFFF00  }
0x26a: {  	_ =	sfence.sel $0x180000  }
0x26b: {  	[bflag:$0x0] =	sbarrier.arrive $0xFFFF  }
0x26c: {  	_ =	strace $0x90000047  }
0x26d: {  	s0 =	stileid.u32;
	[bflag:$0x2] =	sbarrier.arrive $0xFFFF  }
0x26e: {  	p0 =	sne.s32 s0, $0x0;
	s0 =	rddreg [dreg:$0x5]  }
0x26f: {  	s0 =	sadd.s32 @!p0 $0x100000, s0  }
0x270: {  	[sflag:s0] =	ssyncadd.tile.s32 @!p0 $0x1;
	_ =	shalt  }
.Lfunc_end2:
_tile_overlayer_lowered:
.L_overlay_start_2:
0x271: {  	(tag) =	ssettag $0x2  }
0x272: {  	s0 =	rddreg [dreg:$0x0];
	s2 =	stileid.u32  }
0x273: {  	s1 =	rddreg [dreg:$0x1];
	p0 =	sne.s32 s2, $0x0  }
0x274: {  	s3 =	rddreg [dreg:$0x2];
	[bflag:$0x3] =	sbarrier.arrive $0xFFFF;
	s2 =	simm.s32 @!p0 $0x1C0D  }
0x275: {  	[timem:s3], [sflag:s2] =	dma.local @!p0 [hbm:s0], s1  }
0x276: {  	s0 =	simm.s32 @!p0 $0xD  }
0x277: {  	_ =	swait.ge @!p0 [sflag:s0], s1  }
0x278: {  	s1 =	ssub.s32 @!p0 $0x0, s1;
	[sflag:s0] =	ssyncset.done @!p0 $0x0  }
0x279: {  	[sflag:s0] =	ssyncadd.s32 @!p0 s1  }
0x27a: {  	[bflag:$0x3] =	sbarrier.arrive $0xFFFF  }
0x27b: {  	_ =	shalt  }

</sc_bundles>
